<compile_context>
chip_gen: v7x
topology: tpu7x:2x2x1
jax: 0.10.2.dev20260603
libtpu: 0.0.44.dev20260713+nightly
codegen_flags: <defaults>
</compile_context>

<pallas_src>
import functools

import jax
import jax.numpy as jnp
from jax import lax
from jax.experimental import pallas as pl
from jax.experimental.pallas import tpu as pltpu
from jax.experimental.pallas import tpu_sc as plsc

N = 10000
NPAD = 10240
E = 320000
EPAD = 327680
D = 128
A = 16
NC, NS = 2, 16
NW = NC * NS
CHUNK = 128
CHUNKS = EPAD // (NW * CHUNK)
ROWS_PT = NPAD // NS

_mesh = plsc.VectorSubcoreMesh(
    core_axis_name="c", subcore_axis_name="s", num_cores=NC, num_subcores=NS)


@functools.partial(
    pl.kernel,
    out_type=jax.ShapeDtypeStruct((NC, NS, ROWS_PT), jnp.float32),
    mesh=_mesh,
    scratch_types=[
        pltpu.VMEM((CHUNKS, CHUNK), jnp.int32),
        pltpu.VMEM((CHUNK,), jnp.float32),
        pltpu.VMEM_SHARED((NPAD,), jnp.float32),
    ],
)
def _deg_kernel(dst_hbm, zeros_hbm, out_hbm, dst_v, ones_v, deg_sh):
    cid = lax.axis_index("c")
    sid = lax.axis_index("s")
    wid = cid * NS + sid
    pltpu.sync_copy(zeros_hbm.at[pl.ds(sid * ROWS_PT, ROWS_PT)],
                    deg_sh.at[pl.ds(sid * ROWS_PT, ROWS_PT)])
    pltpu.sync_copy(dst_hbm.at[pl.ds(wid * CHUNKS, CHUNKS)], dst_v)
    for i in range(CHUNK // 16):
        ones_v[pl.ds(i * 16, 16)] = jnp.full((16,), 1.0, jnp.float32)
    plsc.subcore_barrier()

    def body(j, carry):
        pltpu.sync_copy(ones_v, deg_sh.at[dst_v.at[j]], add=True)
        return carry

    lax.fori_loop(0, CHUNKS, body, 0)
    plsc.subcore_barrier()
    pltpu.sync_copy(deg_sh.at[pl.ds(sid * ROWS_PT, ROWS_PT)],
                    out_hbm.at[cid, sid])


@functools.partial(
    pl.kernel,
    out_type=jax.ShapeDtypeStruct((NC, NS, ROWS_PT, D), jnp.float32),
    mesh=_mesh,
    scratch_types=[
        pltpu.VMEM((CHUNKS, CHUNK), jnp.int32),
        pltpu.VMEM((CHUNK,), jnp.int32),
        pltpu.VMEM((CHUNK,), jnp.int32),
        pltpu.VMEM((CHUNK,), jnp.int32),
        pltpu.VMEM((CHUNK,), jnp.int32),
        pltpu.VMEM((CHUNK, D), jnp.float32),
        pltpu.VMEM((CHUNK, D), jnp.float32),
        pltpu.VMEM_SHARED((NPAD, D), jnp.float32),
        pltpu.SemaphoreType.DMA,
        pltpu.SemaphoreType.DMA,
    ],
)
def _agg_kernel(hs_hbm, packed_hbm, zeros_hbm, out_hbm,
                packed_v, src0, src1, dst0, dst1, rows0, rows1, acc_sh,
                sem0, sem1):
    cid = lax.axis_index("c")
    sid = lax.axis_index("s")
    wid = cid * NS + sid
    pltpu.sync_copy(zeros_hbm.at[pl.ds(sid * ROWS_PT, ROWS_PT)],
                    acc_sh.at[pl.ds(sid * ROWS_PT, ROWS_PT)])
    pltpu.sync_copy(packed_hbm.at[pl.ds(wid * CHUNKS, CHUNKS)], packed_v)
    plsc.subcore_barrier()

    def unpack(j, src_buf, dst_buf):
        for k in range(CHUNK // 16):
            xv = packed_v[j, pl.ds(k * 16, 16)]
            src_buf[pl.ds(k * 16, 16)] = jnp.bitwise_and(xv, 16383)
            dst_buf[pl.ds(k * 16, 16)] = jnp.right_shift(xv, 14)

    unpack(0, src0, dst0)
    unpack(1, src1, dst1)
    pltpu.async_copy(hs_hbm.at[src0], rows0, sem0)
    pltpu.async_copy(hs_hbm.at[src1], rows1, sem1)

    def body(i, carry):
        j0 = 2 * i
        pltpu.make_async_copy(hs_hbm.at[src0], rows0, sem0).wait()
        pltpu.sync_copy(rows0, acc_sh.at[dst0], add=True)
        unpack(j0 + 2, src0, dst0)
        pltpu.async_copy(hs_hbm.at[src0], rows0, sem0)
        pltpu.make_async_copy(hs_hbm.at[src1], rows1, sem1).wait()
        pltpu.sync_copy(rows1, acc_sh.at[dst1], add=True)
        unpack(j0 + 3, src1, dst1)
        pltpu.async_copy(hs_hbm.at[src1], rows1, sem1)
        return carry

    lax.fori_loop(0, CHUNKS // 2 - 1, body, 0)
    pltpu.make_async_copy(hs_hbm.at[src0], rows0, sem0).wait()
    pltpu.sync_copy(rows0, acc_sh.at[dst0], add=True)
    pltpu.make_async_copy(hs_hbm.at[src1], rows1, sem1).wait()
    pltpu.sync_copy(rows1, acc_sh.at[dst1], add=True)
    plsc.subcore_barrier()
    pltpu.sync_copy(acc_sh.at[pl.ds(sid * ROWS_PT, ROWS_PT)],
                    out_hbm.at[cid, sid])


_RB = 1280
_GRID = NPAD // _RB


def _tc_pre_body(degT_ref, x_ref, w_ref, hs_ref, dinv_ref):
    deg = degT_ref[:, 0:1] + degT_ref[:, 1:2] + 1.0
    dinv = lax.rsqrt(deg)
    h = jnp.dot(x_ref[...], w_ref[...], preferred_element_type=jnp.float32)
    hs_ref[...] = h * dinv
    dinv_ref[...] = dinv


def _tc_pre(degT, x, w):
    return pl.pallas_call(
        _tc_pre_body,
        grid=(_GRID,),
        in_specs=[
            pl.BlockSpec((_RB, 2), lambda i: (i, 0)),
            pl.BlockSpec((_RB, D), lambda i: (i, 0)),
            pl.BlockSpec((D, D), lambda i: (0, 0)),
        ],
        out_specs=[
            pl.BlockSpec((_RB, D), lambda i: (i, 0)),
            pl.BlockSpec((_RB, 1), lambda i: (i, 0)),
        ],
        out_shape=[
            jax.ShapeDtypeStruct((NPAD, D), jnp.float32),
            jax.ShapeDtypeStruct((NPAD, 1), jnp.float32),
        ],
    )(degT, x, w)


def _tc_mid_body(p_ref, hs_ref, dinv_ref, b_ref, w_ref, out_ref):
    t = (p_ref[0] + p_ref[1] + hs_ref[...]) * dinv_ref[...] + b_ref[...]
    o = jnp.maximum(t, 0.0)
    out_ref[...] = jnp.dot(
        o, w_ref[...], preferred_element_type=jnp.float32) * dinv_ref[...]


def _tc_mid(p, hs, dinv, b, w):
    return pl.pallas_call(
        _tc_mid_body,
        grid=(_GRID,),
        in_specs=[
            pl.BlockSpec((NC, _RB, D), lambda i: (0, i, 0)),
            pl.BlockSpec((_RB, D), lambda i: (i, 0)),
            pl.BlockSpec((_RB, 1), lambda i: (i, 0)),
            pl.BlockSpec((1, D), lambda i: (0, 0)),
            pl.BlockSpec((D, D), lambda i: (0, 0)),
        ],
        out_specs=pl.BlockSpec((_RB, D), lambda i: (i, 0)),
        out_shape=jax.ShapeDtypeStruct((NPAD, D), jnp.float32),
    )(p, hs, dinv, b, w)


def _tc_head_body(p_ref, hs_ref, dinv_ref, b_ref, wfc_ref, bfc_ref, out_ref):
    t = (p_ref[0] + p_ref[1] + hs_ref[...]) * dinv_ref[...] + b_ref[...]
    o = jnp.maximum(t, 0.0)
    out_ref[...] = jnp.dot(
        o, wfc_ref[...], preferred_element_type=jnp.float32) + bfc_ref[...]


def _tc_head(p, hs, dinv, b, wfc, bfc):
    return pl.pallas_call(
        _tc_head_body,
        grid=(_GRID,),
        in_specs=[
            pl.BlockSpec((NC, _RB, D), lambda i: (0, i, 0)),
            pl.BlockSpec((_RB, D), lambda i: (i, 0)),
            pl.BlockSpec((_RB, 1), lambda i: (i, 0)),
            pl.BlockSpec((1, D), lambda i: (0, 0)),
            pl.BlockSpec((D, A), lambda i: (0, 0)),
            pl.BlockSpec((1, A), lambda i: (0, 0)),
        ],
        out_specs=pl.BlockSpec((_RB, A), lambda i: (i, 0)),
        out_shape=jax.ShapeDtypeStruct((NPAD, A), jnp.float32),
    )(p, hs, dinv, b, wfc, bfc)


def kernel(x, edge_index, W1, b1, W2, b2, Wfc, bfc):
    ei = edge_index.astype(jnp.int32)
    npad = EPAD - E
    pad_src = (jnp.arange(npad, dtype=jnp.int32) * 7919) % N
    pad_dst = N + jnp.arange(npad, dtype=jnp.int32) % (NPAD - N)
    src2d = jnp.concatenate([ei[0], pad_src]).reshape(EPAD // CHUNK, CHUNK)
    dst2d = jnp.concatenate([ei[1], pad_dst]).reshape(EPAD // CHUNK, CHUNK)
    packed2d = (dst2d << 14) | src2d
    zeros1 = jnp.zeros((NPAD,), jnp.float32)
    zeros2 = jnp.zeros((NPAD, D), jnp.float32)
    x_pad = jnp.concatenate([x, jnp.zeros((NPAD - N, D), jnp.float32)])

    degp = _deg_kernel(dst2d, zeros1)
    degT = degp.reshape(NC, NPAD).T
    hs1, dinv = _tc_pre(degT, x_pad, W1)
    p1 = _agg_kernel(hs1, packed2d, zeros2).reshape(NC, NPAD, D)
    hs2 = _tc_mid(p1, hs1, dinv, b1.reshape(1, D), W2)
    p2 = _agg_kernel(hs2, packed2d, zeros2).reshape(NC, NPAD, D)
    q = _tc_head(p2, hs2, dinv, b2.reshape(1, D), Wfc, bfc.reshape(1, A))
    return q[:N]

# --- scband reference (transcript-rebuilt; emitter-appended) ---
"""Pipeline reference for scband-gnn-qnetwork-89919435309559 (READ-ONLY COPY).

The authoritative reference and input builder live on the scoring server;
editing this copy changes nothing except your own understanding.
"""

import jax, jax.numpy as jnp
import numpy as np

NUM_NODES = 10000
NUM_EDGES = 320000
D_FEAT = 128
HIDDEN = 128
NUM_ACTIONS = 16


def gcn_conv(x, edge_index, W, b):
    num_nodes = x.shape[0]
    src = edge_index[0]
    dst = edge_index[1]
    # add self-loops (torch_geometric GCNConv default)
    loop = jnp.arange(num_nodes, dtype=edge_index.dtype)
    src = jnp.concatenate([src, loop])
    dst = jnp.concatenate([dst, loop])
    # symmetric normalization: deg computed on destination nodes
    deg = jnp.zeros((num_nodes,), dtype=x.dtype).at[dst].add(1.0)
    dinv = jnp.where(deg > 0, 1.0 / jnp.sqrt(deg), 0.0)
    norm = dinv[src] * dinv[dst]
    h = x @ W
    msg = h[src] * norm[:, None]
    out = jnp.zeros((num_nodes, W.shape[1]), dtype=x.dtype).at[dst].add(msg)
    return out + b


def setup_inputs(seed: int = 0) -> dict:
    key = jax.random.key(seed)
    ks = jax.random.split(key, 8)
    x = jax.random.normal(ks[0], (NUM_NODES, D_FEAT), dtype=jnp.float32)
    edge_index = jax.random.randint(ks[1], (2, NUM_EDGES), 0, NUM_NODES, dtype=jnp.int64)
    s1 = 1.0 / np.sqrt(D_FEAT)
    s2 = 1.0 / np.sqrt(HIDDEN)
    W1 = jax.random.normal(ks[2], (D_FEAT, HIDDEN), dtype=jnp.float32) * s1
    b1 = jnp.zeros((HIDDEN,), dtype=jnp.float32)
    W2 = jax.random.normal(ks[3], (HIDDEN, HIDDEN), dtype=jnp.float32) * s2
    b2 = jnp.zeros((HIDDEN,), dtype=jnp.float32)
    Wfc = jax.random.normal(ks[4], (HIDDEN, NUM_ACTIONS), dtype=jnp.float32) * s2
    bfc = jax.random.uniform(ks[5], (NUM_ACTIONS,), dtype=jnp.float32, minval=-s2, maxval=s2)
    return {"x": x, "edge_index": edge_index, "W1": W1, "b1": b1, "W2": W2, "b2": b2, "Wfc": Wfc, "bfc": bfc}


def reference(x, edge_index, W1, b1, W2, b2, Wfc, bfc):
    h = jax.nn.relu(gcn_conv(x, edge_index, W1, b1))
    h = jax.nn.relu(gcn_conv(h, edge_index, W2, b2))
    out = h @ Wfc + bfc
    return out

if __name__ == "__main__":
    import jax
    _d = setup_inputs()
    print(jax.jit(kernel)(*tuple(_d.values())))

</pallas_src>

<mosaic_0001>
#map = affine_map<(d0, d1) -> (0, 0)>
#map1 = affine_map<(d0, d1) -> (0, 0, 0, 0)>
module attributes {stable_mosaic.version = 14 : i64} {
  func.func @_agg_kernel(%arg0: i32, %arg1: i32, %arg2: memref<10240x128xf32, #tpu.memory_space<hbm>>, %arg3: memref<2560x128xi32, #tpu.memory_space<hbm>>, %arg4: memref<10240x128xf32, #tpu.memory_space<hbm>>, %arg5: memref<2x16x640x128xf32, #tpu.memory_space<hbm>>, %arg6: memref<80x128xi32, #tpu.memory_space<vmem>>, %arg7: memref<128xi32, #tpu.memory_space<vmem>>, %arg8: memref<128xi32, #tpu.memory_space<vmem>>, %arg9: memref<128xi32, #tpu.memory_space<vmem>>, %arg10: memref<128xi32, #tpu.memory_space<vmem>>, %arg11: memref<128x128xf32, #tpu.memory_space<vmem>>, %arg12: memref<128x128xf32, #tpu.memory_space<vmem>>, %arg13: memref<10240x128xf32, #tpu.memory_space<vmem_shared>>, %arg14: memref<!tpu.dma_semaphore, #tpu.memory_space<semaphore_mem>>, %arg15: memref<!tpu.dma_semaphore, #tpu.memory_space<semaphore_mem>>) attributes {dimension_semantics = [#tpu.dimension_semantics<core_parallel>, #tpu.dimension_semantics<subcore_parallel>], iteration_bounds = array<i64: 2, 16>, scalar_prefetch = 0 : i64, scratch_operands = 10 : i64, tpu.core_type = #tpu.core_type<sc_vector_subcore>, window_params = [{transform_indices = #map}, {transform_indices = #map}, {transform_indices = #map}, {transform_indices = #map1}]} {
    %mul3A = arith.constant 16 : i32
    %mul3A_0 = arith.muli %arg0, %mul3A : i32
    %add3A = arith.addi %mul3A_0, %arg1 : i32
    %mul3A_1 = arith.constant 640 : i32
    %mul3A_2 = arith.muli %arg1, %mul3A_1 : i32
    %mul3A_3 = arith.constant 640 : i32
    %mul3A_4 = arith.muli %arg1, %mul3A_3 : i32
    "tpu.region"() ({
      %run_scoped3A = tpu.sem_alloc : memref<!tpu.dma_semaphore, #tpu.memory_space<semaphore_mem>>
      %dma_start3A_325 = arith.constant 0 : i32
      %dma_start3A_326 = tpu.memref_slice %arg13[%mul3A_4, %dma_start3A_325] : memref<10240x128xf32, #tpu.memory_space<vmem_shared>> -> memref<640x128xf32, #tpu.memory_space<vmem_shared>>
      %dma_start3A_327 = arith.constant 0 : i32
      %dma_start3A_328 = tpu.memref_slice %arg4[%mul3A_2, %dma_start3A_327] : memref<10240x128xf32, #tpu.memory_space<hbm>> -> memref<640x128xf32, #tpu.memory_space<hbm>>
      tpu.enqueue_dma source(%dma_start3A_328 : memref<640x128xf32, #tpu.memory_space<hbm>>) target(%dma_start3A_326 : memref<640x128xf32, #tpu.memory_space<vmem_shared>>) target_semaphore(%run_scoped3A : memref<!tpu.dma_semaphore, #tpu.memory_space<semaphore_mem>>)
      %dma_wait3A_329 = arith.constant 0 : i32
      %dma_wait3A_330 = tpu.memref_slice %arg13[%mul3A_4, %dma_wait3A_329] : memref<10240x128xf32, #tpu.memory_space<vmem_shared>> -> memref<640x128xf32, #tpu.memory_space<vmem_shared>>
      %dma_wait3A_331 = arith.constant 0 : i32
      %dma_wait3A_332 = tpu.memref_slice %arg4[%mul3A_2, %dma_wait3A_331] : memref<10240x128xf32, #tpu.memory_space<hbm>> -> memref<640x128xf32, #tpu.memory_space<hbm>>
      tpu.wait_dma2 semaphore(%run_scoped3A : memref<!tpu.dma_semaphore, #tpu.memory_space<semaphore_mem>>) src(%dma_wait3A_332 : memref<640x128xf32, #tpu.memory_space<hbm>>) dst(%dma_wait3A_330 : memref<640x128xf32, #tpu.memory_space<vmem_shared>>)
      tpu.yield
    }) : () -> ()
    %mul3A_5 = arith.constant 80 : i32
    %mul3A_6 = arith.muli %add3A, %mul3A_5 : i32
    "tpu.region"() ({
      %run_scoped3A = tpu.sem_alloc : memref<!tpu.dma_semaphore, #tpu.memory_space<semaphore_mem>>
      %dma_start3A_325 = arith.constant 0 : i32
      %dma_start3A_326 = tpu.memref_slice %arg3[%mul3A_6, %dma_start3A_325] : memref<2560x128xi32, #tpu.memory_space<hbm>> -> memref<80x128xi32, #tpu.memory_space<hbm>>
      %dma_start3A_327 = arith.constant 0 : i32
      %dma_start3A_328 = tpu.memref_slice %arg3[%mul3A_6, %dma_start3A_327] : memref<2560x128xi32, #tpu.memory_space<hbm>> -> memref<80x128xi32, #tpu.memory_space<hbm>>
      tpu.enqueue_dma source(%dma_start3A_328 : memref<80x128xi32, #tpu.memory_space<hbm>>) target(%arg6 : memref<80x128xi32, #tpu.memory_space<vmem>>) target_semaphore(%run_scoped3A : memref<!tpu.dma_semaphore, #tpu.memory_space<semaphore_mem>>)
      %dma_wait3A_329 = arith.constant 0 : i32
      %dma_wait3A_330 = tpu.memref_slice %arg3[%mul3A_6, %dma_wait3A_329] : memref<2560x128xi32, #tpu.memory_space<hbm>> -> memref<80x128xi32, #tpu.memory_space<hbm>>
      %dma_wait3A_331 = arith.constant 0 : i32
      %dma_wait3A_332 = tpu.memref_slice %arg3[%mul3A_6, %dma_wait3A_331] : memref<2560x128xi32, #tpu.memory_space<hbm>> -> memref<80x128xi32, #tpu.memory_space<hbm>>
      tpu.wait_dma2 semaphore(%run_scoped3A : memref<!tpu.dma_semaphore, #tpu.memory_space<semaphore_mem>>) src(%dma_wait3A_332 : memref<80x128xi32, #tpu.memory_space<hbm>>) dst(%arg6 : memref<80x128xi32, #tpu.memory_space<vmem>>)
      tpu.yield
    }) : () -> ()
    %barrier3A = arith.constant 0 : index
    tpu.barrier barrier_id(%barrier3A)
    %get3A = arith.constant 0 : i32
    %get3A_7 = arith.index_cast %get3A : i32 to index
    %get3A_8 = arith.constant 0 : index
    %get3A_9 = tpu.vector_load %arg6[%get3A_7, %get3A_8] {strides = array<i32>} : memref<80x128xi32, #tpu.memory_space<vmem>>, vector<1x16xi32>,
    %get3A_10 = vector.shape_cast %get3A_9 : vector<1x16xi32> to vector<16xi32>
    %and3A = arith.constant 16383 : i32
    %and3A_11 = vector.broadcast %and3A : i32 to vector<16xi32>
    %and3A_12 = arith.andi %get3A_10, %and3A_11 : vector<16xi32>
    %swap3A = arith.constant 0 : index
    %swap3A_13 = tpu.vector_load %arg7[%swap3A] {strides = array<i32>} : memref<128xi32, #tpu.memory_space<vmem>>, vector<16xi32>,
    %swap3A_14 = vector.shape_cast %swap3A_13 : vector<16xi32> to vector<16xi32>
    %swap3A_15 = vector.shape_cast %and3A_12 : vector<16xi32> to vector<16xi32>
    tpu.vector_store %arg7[%swap3A], %swap3A_15 {strides = array<i32>} : memref<128xi32, #tpu.memory_space<vmem>>, vector<16xi32>,
    %shift_right_arithmetic3A = arith.constant 14 : i32
    %shift_right_arithmetic3A_16 = vector.broadcast %shift_right_arithmetic3A : i32 to vector<16xi32>
    %shift_right_arithmetic3A_17 = arith.shrsi %get3A_10, %shift_right_arithmetic3A_16 : vector<16xi32>
    %swap3A_18 = arith.constant 0 : index
    %swap3A_19 = tpu.vector_load %arg9[%swap3A_18] {strides = array<i32>} : memref<128xi32, #tpu.memory_space<vmem>>, vector<16xi32>,
    %swap3A_20 = vector.shape_cast %swap3A_19 : vector<16xi32> to vector<16xi32>
    %swap3A_21 = vector.shape_cast %shift_right_arithmetic3A_17 : vector<16xi32> to vector<16xi32>
    tpu.vector_store %arg9[%swap3A_18], %swap3A_21 {strides = array<i32>} : memref<128xi32, #tpu.memory_space<vmem>>, vector<16xi32>,
    %get3A_22 = arith.constant 0 : i32
    %get3A_23 = arith.index_cast %get3A_22 : i32 to index
    %get3A_24 = arith.constant 16 : index
    %get3A_25 = tpu.vector_load %arg6[%get3A_23, %get3A_24] {strides = array<i32>} : memref<80x128xi32, #tpu.memory_space<vmem>>, vector<1x16xi32>,
    %get3A_26 = vector.shape_cast %get3A_25 : vector<1x16xi32> to vector<16xi32>
    %and3A_27 = arith.constant 16383 : i32
    %and3A_28 = vector.broadcast %and3A_27 : i32 to vector<16xi32>
    %and3A_29 = arith.andi %get3A_26, %and3A_28 : vector<16xi32>
    %swap3A_30 = arith.constant 16 : index
    %swap3A_31 = tpu.vector_load %arg7[%swap3A_30] {strides = array<i32>} : memref<128xi32, #tpu.memory_space<vmem>>, vector<16xi32>,
    %swap3A_32 = vector.shape_cast %swap3A_31 : vector<16xi32> to vector<16xi32>
    %swap3A_33 = vector.shape_cast %and3A_29 : vector<16xi32> to vector<16xi32>
    tpu.vector_store %arg7[%swap3A_30], %swap3A_33 {strides = array<i32>} : memref<128xi32, #tpu.memory_space<vmem>>, vector<16xi32>,
    %shift_right_arithmetic3A_34 = arith.constant 14 : i32
    %shift_right_arithmetic3A_35 = vector.broadcast %shift_right_arithmetic3A_34 : i32 to vector<16xi32>
    %shift_right_arithmetic3A_36 = arith.shrsi %get3A_26, %shift_right_arithmetic3A_35 : vector<16xi32>
    %swap3A_37 = arith.constant 16 : index
    %swap3A_38 = tpu.vector_load %arg9[%swap3A_37] {strides = array<i32>} : memref<128xi32, #tpu.memory_space<vmem>>, vector<16xi32>,
    %swap3A_39 = vector.shape_cast %swap3A_38 : vector<16xi32> to vector<16xi32>
    %swap3A_40 = vector.shape_cast %shift_right_arithmetic3A_36 : vector<16xi32> to vector<16xi32>
    tpu.vector_store %arg9[%swap3A_37], %swap3A_40 {strides = array<i32>} : memref<128xi32, #tpu.memory_space<vmem>>, vector<16xi32>,
    %get3A_41 = arith.constant 0 : i32
    %get3A_42 = arith.index_cast %get3A_41 : i32 to index
    %get3A_43 = arith.constant 32 : index
    %get3A_44 = tpu.vector_load %arg6[%get3A_42, %get3A_43] {strides = array<i32>} : memref<80x128xi32, #tpu.memory_space<vmem>>, vector<1x16xi32>,
    %get3A_45 = vector.shape_cast %get3A_44 : vector<1x16xi32> to vector<16xi32>
    %and3A_46 = arith.constant 16383 : i32
    %and3A_47 = vector.broadcast %and3A_46 : i32 to vector<16xi32>
    %and3A_48 = arith.andi %get3A_45, %and3A_47 : vector<16xi32>
    %swap3A_49 = arith.constant 32 : index
    %swap3A_50 = tpu.vector_load %arg7[%swap3A_49] {strides = array<i32>} : memref<128xi32, #tpu.memory_space<vmem>>, vector<16xi32>,
    %swap3A_51 = vector.shape_cast %swap3A_50 : vector<16xi32> to vector<16xi32>
    %swap3A_52 = vector.shape_cast %and3A_48 : vector<16xi32> to vector<16xi32>
    tpu.vector_store %arg7[%swap3A_49], %swap3A_52 {strides = array<i32>} : memref<128xi32, #tpu.memory_space<vmem>>, vector<16xi32>,
    %shift_right_arithmetic3A_53 = arith.constant 14 : i32
    %shift_right_arithmetic3A_54 = vector.broadcast %shift_right_arithmetic3A_53 : i32 to vector<16xi32>
    %shift_right_arithmetic3A_55 = arith.shrsi %get3A_45, %shift_right_arithmetic3A_54 : vector<16xi32>
    %swap3A_56 = arith.constant 32 : index
    %swap3A_57 = tpu.vector_load %arg9[%swap3A_56] {strides = array<i32>} : memref<128xi32, #tpu.memory_space<vmem>>, vector<16xi32>,
    %swap3A_58 = vector.shape_cast %swap3A_57 : vector<16xi32> to vector<16xi32>
    %swap3A_59 = vector.shape_cast %shift_right_arithmetic3A_55 : vector<16xi32> to vector<16xi32>
    tpu.vector_store %arg9[%swap3A_56], %swap3A_59 {strides = array<i32>} : memref<128xi32, #tpu.memory_space<vmem>>, vector<16xi32>,
    %get3A_60 = arith.constant 0 : i32
    %get3A_61 = arith.index_cast %get3A_60 : i32 to index
    %get3A_62 = arith.constant 48 : index
    %get3A_63 = tpu.vector_load %arg6[%get3A_61, %get3A_62] {strides = array<i32>} : memref<80x128xi32, #tpu.memory_space<vmem>>, vector<1x16xi32>,
    %get3A_64 = vector.shape_cast %get3A_63 : vector<1x16xi32> to vector<16xi32>
    %and3A_65 = arith.constant 16383 : i32
    %and3A_66 = vector.broadcast %and3A_65 : i32 to vector<16xi32>
    %and3A_67 = arith.andi %get3A_64, %and3A_66 : vector<16xi32>
    %swap3A_68 = arith.constant 48 : index
    %swap3A_69 = tpu.vector_load %arg7[%swap3A_68] {strides = array<i32>} : memref<128xi32, #tpu.memory_space<vmem>>, vector<16xi32>,
    %swap3A_70 = vector.shape_cast %swap3A_69 : vector<16xi32> to vector<16xi32>
    %swap3A_71 = vector.shape_cast %and3A_67 : vector<16xi32> to vector<16xi32>
    tpu.vector_store %arg7[%swap3A_68], %swap3A_71 {strides = array<i32>} : memref<128xi32, #tpu.memory_space<vmem>>, vector<16xi32>,
    %shift_right_arithmetic3A_72 = arith.constant 14 : i32
    %shift_right_arithmetic3A_73 = vector.broadcast %shift_right_arithmetic3A_72 : i32 to vector<16xi32>
    %shift_right_arithmetic3A_74 = arith.shrsi %get3A_64, %shift_right_arithmetic3A_73 : vector<16xi32>
    %swap3A_75 = arith.constant 48 : index
    %swap3A_76 = tpu.vector_load %arg9[%swap3A_75] {strides = array<i32>} : memref<128xi32, #tpu.memory_space<vmem>>, vector<16xi32>,
    %swap3A_77 = vector.shape_cast %swap3A_76 : vector<16xi32> to vector<16xi32>
    %swap3A_78 = vector.shape_cast %shift_right_arithmetic3A_74 : vector<16xi32> to vector<16xi32>
    tpu.vector_store %arg9[%swap3A_75], %swap3A_78 {strides = array<i32>} : memref<128xi32, #tpu.memory_space<vmem>>, vector<16xi32>,
    %get3A_79 = arith.constant 0 : i32
    %get3A_80 = arith.index_cast %get3A_79 : i32 to index
    %get3A_81 = arith.constant 64 : index
    %get3A_82 = tpu.vector_load %arg6[%get3A_80, %get3A_81] {strides = array<i32>} : memref<80x128xi32, #tpu.memory_space<vmem>>, vector<1x16xi32>,
    %get3A_83 = vector.shape_cast %get3A_82 : vector<1x16xi32> to vector<16xi32>
    %and3A_84 = arith.constant 16383 : i32
    %and3A_85 = vector.broadcast %and3A_84 : i32 to vector<16xi32>
    %and3A_86 = arith.andi %get3A_83, %and3A_85 : vector<16xi32>
    %swap3A_87 = arith.constant 64 : index
    %swap3A_88 = tpu.vector_load %arg7[%swap3A_87] {strides = array<i32>} : memref<128xi32, #tpu.memory_space<vmem>>, vector<16xi32>,
    %swap3A_89 = vector.shape_cast %swap3A_88 : vector<16xi32> to vector<16xi32>
    %swap3A_90 = vector.shape_cast %and3A_86 : vector<16xi32> to vector<16xi32>
    tpu.vector_store %arg7[%swap3A_87], %swap3A_90 {strides = array<i32>} : memref<128xi32, #tpu.memory_space<vmem>>, vector<16xi32>,
    %shift_right_arithmetic3A_91 = arith.constant 14 : i32
    %shift_right_arithmetic3A_92 = vector.broadcast %shift_right_arithmetic3A_91 : i32 to vector<16xi32>
    %shift_right_arithmetic3A_93 = arith.shrsi %get3A_83, %shift_right_arithmetic3A_92 : vector<16xi32>
    %swap3A_94 = arith.constant 64 : index
    %swap3A_95 = tpu.vector_load %arg9[%swap3A_94] {strides = array<i32>} : memref<128xi32, #tpu.memory_space<vmem>>, vector<16xi32>,
    %swap3A_96 = vector.shape_cast %swap3A_95 : vector<16xi32> to vector<16xi32>
    %swap3A_97 = vector.shape_cast %shift_right_arithmetic3A_93 : vector<16xi32> to vector<16xi32>
    tpu.vector_store %arg9[%swap3A_94], %swap3A_97 {strides = array<i32>} : memref<128xi32, #tpu.memory_space<vmem>>, vector<16xi32>,
    %get3A_98 = arith.constant 0 : i32
    %get3A_99 = arith.index_cast %get3A_98 : i32 to index
    %get3A_100 = arith.constant 80 : index
    %get3A_101 = tpu.vector_load %arg6[%get3A_99, %get3A_100] {strides = array<i32>} : memref<80x128xi32, #tpu.memory_space<vmem>>, vector<1x16xi32>,
    %get3A_102 = vector.shape_cast %get3A_101 : vector<1x16xi32> to vector<16xi32>
    %and3A_103 = arith.constant 16383 : i32
    %and3A_104 = vector.broadcast %and3A_103 : i32 to vector<16xi32>
    %and3A_105 = arith.andi %get3A_102, %and3A_104 : vector<16xi32>
    %swap3A_106 = arith.constant 80 : index
    %swap3A_107 = tpu.vector_load %arg7[%swap3A_106] {strides = array<i32>} : memref<128xi32, #tpu.memory_space<vmem>>, vector<16xi32>,
    %swap3A_108 = vector.shape_cast %swap3A_107 : vector<16xi32> to vector<16xi32>
    %swap3A_109 = vector.shape_cast %and3A_105 : vector<16xi32> to vector<16xi32>
    tpu.vector_store %arg7[%swap3A_106], %swap3A_109 {strides = array<i32>} : memref<128xi32, #tpu.memory_space<vmem>>, vector<16xi32>,
    %shift_right_arithmetic3A_110 = arith.constant 14 : i32
    %shift_right_arithmetic3A_111 = vector.broadcast %shift_right_arithmetic3A_110 : i32 to vector<16xi32>
    %shift_right_arithmetic3A_112 = arith.shrsi %get3A_102, %shift_right_arithmetic3A_111 : vector<16xi32>
    %swap3A_113 = arith.constant 80 : index
    %swap3A_114 = tpu.vector_load %arg9[%swap3A_113] {strides = array<i32>} : memref<128xi32, #tpu.memory_space<vmem>>, vector<16xi32>,
    %swap3A_115 = vector.shape_cast %swap3A_114 : vector<16xi32> to vector<16xi32>
    %swap3A_116 = vector.shape_cast %shift_right_arithmetic3A_112 : vector<16xi32> to vector<16xi32>
    tpu.vector_store %arg9[%swap3A_113], %swap3A_116 {strides = array<i32>} : memref<128xi32, #tpu.memory_space<vmem>>, vector<16xi32>,
    %get3A_117 = arith.constant 0 : i32
    %get3A_118 = arith.index_cast %get3A_117 : i32 to index
    %get3A_119 = arith.constant 96 : index
    %get3A_120 = tpu.vector_load %arg6[%get3A_118, %get3A_119] {strides = array<i32>} : memref<80x128xi32, #tpu.memory_space<vmem>>, vector<1x16xi32>,
    %get3A_121 = vector.shape_cast %get3A_120 : vector<1x16xi32> to vector<16xi32>
    %and3A_122 = arith.constant 16383 : i32
    %and3A_123 = vector.broadcast %and3A_122 : i32 to vector<16xi32>
    %and3A_124 = arith.andi %get3A_121, %and3A_123 : vector<16xi32>
    %swap3A_125 = arith.constant 96 : index
    %swap3A_126 = tpu.vector_load %arg7[%swap3A_125] {strides = array<i32>} : memref<128xi32, #tpu.memory_space<vmem>>, vector<16xi32>,
    %swap3A_127 = vector.shape_cast %swap3A_126 : vector<16xi32> to vector<16xi32>
    %swap3A_128 = vector.shape_cast %and3A_124 : vector<16xi32> to vector<16xi32>
    tpu.vector_store %arg7[%swap3A_125], %swap3A_128 {strides = array<i32>} : memref<128xi32, #tpu.memory_space<vmem>>, vector<16xi32>,
    %shift_right_arithmetic3A_129 = arith.constant 14 : i32
    %shift_right_arithmetic3A_130 = vector.broadcast %shift_right_arithmetic3A_129 : i32 to vector<16xi32>
    %shift_right_arithmetic3A_131 = arith.shrsi %get3A_121, %shift_right_arithmetic3A_130 : vector<16xi32>
    %swap3A_132 = arith.constant 96 : index
    %swap3A_133 = tpu.vector_load %arg9[%swap3A_132] {strides = array<i32>} : memref<128xi32, #tpu.memory_space<vmem>>, vector<16xi32>,
    %swap3A_134 = vector.shape_cast %swap3A_133 : vector<16xi32> to vector<16xi32>
    %swap3A_135 = vector.shape_cast %shift_right_arithmetic3A_131 : vector<16xi32> to vector<16xi32>
    tpu.vector_store %arg9[%swap3A_132], %swap3A_135 {strides = array<i32>} : memref<128xi32, #tpu.memory_space<vmem>>, vector<16xi32>,
    %get3A_136 = arith.constant 0 : i32
    %get3A_137 = arith.index_cast %get3A_136 : i32 to index
    %get3A_138 = arith.constant 112 : index
    %get3A_139 = tpu.vector_load %arg6[%get3A_137, %get3A_138] {strides = array<i32>} : memref<80x128xi32, #tpu.memory_space<vmem>>, vector<1x16xi32>,
    %get3A_140 = vector.shape_cast %get3A_139 : vector<1x16xi32> to vector<16xi32>
    %and3A_141 = arith.constant 16383 : i32
    %and3A_142 = vector.broadcast %and3A_141 : i32 to vector<16xi32>
    %and3A_143 = arith.andi %get3A_140, %and3A_142 : vector<16xi32>
    %swap3A_144 = arith.constant 112 : index
    %swap3A_145 = tpu.vector_load %arg7[%swap3A_144] {strides = array<i32>} : memref<128xi32, #tpu.memory_space<vmem>>, vector<16xi32>,
    %swap3A_146 = vector.shape_cast %swap3A_145 : vector<16xi32> to vector<16xi32>
    %swap3A_147 = vector.shape_cast %and3A_143 : vector<16xi32> to vector<16xi32>
    tpu.vector_store %arg7[%swap3A_144], %swap3A_147 {strides = array<i32>} : memref<128xi32, #tpu.memory_space<vmem>>, vector<16xi32>,
    %shift_right_arithmetic3A_148 = arith.constant 14 : i32
    %shift_right_arithmetic3A_149 = vector.broadcast %shift_right_arithmetic3A_148 : i32 to vector<16xi32>
    %shift_right_arithmetic3A_150 = arith.shrsi %get3A_140, %shift_right_arithmetic3A_149 : vector<16xi32>
    %swap3A_151 = arith.constant 112 : index
    %swap3A_152 = tpu.vector_load %arg9[%swap3A_151] {strides = array<i32>} : memref<128xi32, #tpu.memory_space<vmem>>, vector<16xi32>,
    %swap3A_153 = vector.shape_cast %swap3A_152 : vector<16xi32> to vector<16xi32>
    %swap3A_154 = vector.shape_cast %shift_right_arithmetic3A_150 : vector<16xi32> to vector<16xi32>
    tpu.vector_store %arg9[%swap3A_151], %swap3A_154 {strides = array<i32>} : memref<128xi32, #tpu.memory_space<vmem>>, vector<16xi32>,
    %get3A_155 = arith.constant 1 : i32
    %get3A_156 = arith.index_cast %get3A_155 : i32 to index
    %get3A_157 = arith.constant 0 : index
    %get3A_158 = tpu.vector_load %arg6[%get3A_156, %get3A_157] {strides = array<i32>} : memref<80x128xi32, #tpu.memory_space<vmem>>, vector<1x16xi32>,
    %get3A_159 = vector.shape_cast %get3A_158 : vector<1x16xi32> to vector<16xi32>
    %and3A_160 = arith.constant 16383 : i32
    %and3A_161 = vector.broadcast %and3A_160 : i32 to vector<16xi32>
    %and3A_162 = arith.andi %get3A_159, %and3A_161 : vector<16xi32>
    %swap3A_163 = arith.constant 0 : index
    %swap3A_164 = tpu.vector_load %arg8[%swap3A_163] {strides = array<i32>} : memref<128xi32, #tpu.memory_space<vmem>>, vector<16xi32>,
    %swap3A_165 = vector.shape_cast %swap3A_164 : vector<16xi32> to vector<16xi32>
    %swap3A_166 = vector.shape_cast %and3A_162 : vector<16xi32> to vector<16xi32>
    tpu.vector_store %arg8[%swap3A_163], %swap3A_166 {strides = array<i32>} : memref<128xi32, #tpu.memory_space<vmem>>, vector<16xi32>,
    %shift_right_arithmetic3A_167 = arith.constant 14 : i32
    %shift_right_arithmetic3A_168 = vector.broadcast %shift_right_arithmetic3A_167 : i32 to vector<16xi32>
    %shift_right_arithmetic3A_169 = arith.shrsi %get3A_159, %shift_right_arithmetic3A_168 : vector<16xi32>
    %swap3A_170 = arith.constant 0 : index
    %swap3A_171 = tpu.vector_load %arg10[%swap3A_170] {strides = array<i32>} : memref<128xi32, #tpu.memory_space<vmem>>, vector<16xi32>,
    %swap3A_172 = vector.shape_cast %swap3A_171 : vector<16xi32> to vector<16xi32>
    %swap3A_173 = vector.shape_cast %shift_right_arithmetic3A_169 : vector<16xi32> to vector<16xi32>
    tpu.vector_store %arg10[%swap3A_170], %swap3A_173 {strides = array<i32>} : memref<128xi32, #tpu.memory_space<vmem>>, vector<16xi32>,
    %get3A_174 = arith.constant 1 : i32
    %get3A_175 = arith.index_cast %get3A_174 : i32 to index
    %get3A_176 = arith.constant 16 : index
    %get3A_177 = tpu.vector_load %arg6[%get3A_175, %get3A_176] {strides = array<i32>} : memref<80x128xi32, #tpu.memory_space<vmem>>, vector<1x16xi32>,
    %get3A_178 = vector.shape_cast %get3A_177 : vector<1x16xi32> to vector<16xi32>
    %and3A_179 = arith.constant 16383 : i32
    %and3A_180 = vector.broadcast %and3A_179 : i32 to vector<16xi32>
    %and3A_181 = arith.andi %get3A_178, %and3A_180 : vector<16xi32>
    %swap3A_182 = arith.constant 16 : index
    %swap3A_183 = tpu.vector_load %arg8[%swap3A_182] {strides = array<i32>} : memref<128xi32, #tpu.memory_space<vmem>>, vector<16xi32>,
    %swap3A_184 = vector.shape_cast %swap3A_183 : vector<16xi32> to vector<16xi32>
    %swap3A_185 = vector.shape_cast %and3A_181 : vector<16xi32> to vector<16xi32>
    tpu.vector_store %arg8[%swap3A_182], %swap3A_185 {strides = array<i32>} : memref<128xi32, #tpu.memory_space<vmem>>, vector<16xi32>,
    %shift_right_arithmetic3A_186 = arith.constant 14 : i32
    %shift_right_arithmetic3A_187 = vector.broadcast %shift_right_arithmetic3A_186 : i32 to vector<16xi32>
    %shift_right_arithmetic3A_188 = arith.shrsi %get3A_178, %shift_right_arithmetic3A_187 : vector<16xi32>
    %swap3A_189 = arith.constant 16 : index
    %swap3A_190 = tpu.vector_load %arg10[%swap3A_189] {strides = array<i32>} : memref<128xi32, #tpu.memory_space<vmem>>, vector<16xi32>,
    %swap3A_191 = vector.shape_cast %swap3A_190 : vector<16xi32> to vector<16xi32>
    %swap3A_192 = vector.shape_cast %shift_right_arithmetic3A_188 : vector<16xi32> to vector<16xi32>
    tpu.vector_store %arg10[%swap3A_189], %swap3A_192 {strides = array<i32>} : memref<128xi32, #tpu.memory_space<vmem>>, vector<16xi32>,
    %get3A_193 = arith.constant 1 : i32
    %get3A_194 = arith.index_cast %get3A_193 : i32 to index
    %get3A_195 = arith.constant 32 : index
    %get3A_196 = tpu.vector_load %arg6[%get3A_194, %get3A_195] {strides = array<i32>} : memref<80x128xi32, #tpu.memory_space<vmem>>, vector<1x16xi32>,
    %get3A_197 = vector.shape_cast %get3A_196 : vector<1x16xi32> to vector<16xi32>
    %and3A_198 = arith.constant 16383 : i32
    %and3A_199 = vector.broadcast %and3A_198 : i32 to vector<16xi32>
    %and3A_200 = arith.andi %get3A_197, %and3A_199 : vector<16xi32>
    %swap3A_201 = arith.constant 32 : index
    %swap3A_202 = tpu.vector_load %arg8[%swap3A_201] {strides = array<i32>} : memref<128xi32, #tpu.memory_space<vmem>>, vector<16xi32>,
    %swap3A_203 = vector.shape_cast %swap3A_202 : vector<16xi32> to vector<16xi32>
    %swap3A_204 = vector.shape_cast %and3A_200 : vector<16xi32> to vector<16xi32>
    tpu.vector_store %arg8[%swap3A_201], %swap3A_204 {strides = array<i32>} : memref<128xi32, #tpu.memory_space<vmem>>, vector<16xi32>,
    %shift_right_arithmetic3A_205 = arith.constant 14 : i32
    %shift_right_arithmetic3A_206 = vector.broadcast %shift_right_arithmetic3A_205 : i32 to vector<16xi32>
    %shift_right_arithmetic3A_207 = arith.shrsi %get3A_197, %shift_right_arithmetic3A_206 : vector<16xi32>
    %swap3A_208 = arith.constant 32 : index
    %swap3A_209 = tpu.vector_load %arg10[%swap3A_208] {strides = array<i32>} : memref<128xi32, #tpu.memory_space<vmem>>, vector<16xi32>,
    %swap3A_210 = vector.shape_cast %swap3A_209 : vector<16xi32> to vector<16xi32>
    %swap3A_211 = vector.shape_cast %shift_right_arithmetic3A_207 : vector<16xi32> to vector<16xi32>
    tpu.vector_store %arg10[%swap3A_208], %swap3A_211 {strides = array<i32>} : memref<128xi32, #tpu.memory_space<vmem>>, vector<16xi32>,
    %get3A_212 = arith.constant 1 : i32
    %get3A_213 = arith.index_cast %get3A_212 : i32 to index
    %get3A_214 = arith.constant 48 : index
    %get3A_215 = tpu.vector_load %arg6[%get3A_213, %get3A_214] {strides = array<i32>} : memref<80x128xi32, #tpu.memory_space<vmem>>, vector<1x16xi32>,
    %get3A_216 = vector.shape_cast %get3A_215 : vector<1x16xi32> to vector<16xi32>
    %and3A_217 = arith.constant 16383 : i32
    %and3A_218 = vector.broadcast %and3A_217 : i32 to vector<16xi32>
    %and3A_219 = arith.andi %get3A_216, %and3A_218 : vector<16xi32>
    %swap3A_220 = arith.constant 48 : index
    %swap3A_221 = tpu.vector_load %arg8[%swap3A_220] {strides = array<i32>} : memref<128xi32, #tpu.memory_space<vmem>>, vector<16xi32>,
    %swap3A_222 = vector.shape_cast %swap3A_221 : vector<16xi32> to vector<16xi32>
    %swap3A_223 = vector.shape_cast %and3A_219 : vector<16xi32> to vector<16xi32>
    tpu.vector_store %arg8[%swap3A_220], %swap3A_223 {strides = array<i32>} : memref<128xi32, #tpu.memory_space<vmem>>, vector<16xi32>,
    %shift_right_arithmetic3A_224 = arith.constant 14 : i32
    %shift_right_arithmetic3A_225 = vector.broadcast %shift_right_arithmetic3A_224 : i32 to vector<16xi32>
    %shift_right_arithmetic3A_226 = arith.shrsi %get3A_216, %shift_right_arithmetic3A_225 : vector<16xi32>
    %swap3A_227 = arith.constant 48 : index
    %swap3A_228 = tpu.vector_load %arg10[%swap3A_227] {strides = array<i32>} : memref<128xi32, #tpu.memory_space<vmem>>, vector<16xi32>,
    %swap3A_229 = vector.shape_cast %swap3A_228 : vector<16xi32> to vector<16xi32>
    %swap3A_230 = vector.shape_cast %shift_right_arithmetic3A_226 : vector<16xi32> to vector<16xi32>
    tpu.vector_store %arg10[%swap3A_227], %swap3A_230 {strides = array<i32>} : memref<128xi32, #tpu.memory_space<vmem>>, vector<16xi32>,
    %get3A_231 = arith.constant 1 : i32
    %get3A_232 = arith.index_cast %get3A_231 : i32 to index
    %get3A_233 = arith.constant 64 : index
    %get3A_234 = tpu.vector_load %arg6[%get3A_232, %get3A_233] {strides = array<i32>} : memref<80x128xi32, #tpu.memory_space<vmem>>, vector<1x16xi32>,
    %get3A_235 = vector.shape_cast %get3A_234 : vector<1x16xi32> to vector<16xi32>
    %and3A_236 = arith.constant 16383 : i32
    %and3A_237 = vector.broadcast %and3A_236 : i32 to vector<16xi32>
    %and3A_238 = arith.andi %get3A_235, %and3A_237 : vector<16xi32>
    %swap3A_239 = arith.constant 64 : index
    %swap3A_240 = tpu.vector_load %arg8[%swap3A_239] {strides = array<i32>} : memref<128xi32, #tpu.memory_space<vmem>>, vector<16xi32>,
    %swap3A_241 = vector.shape_cast %swap3A_240 : vector<16xi32> to vector<16xi32>
    %swap3A_242 = vector.shape_cast %and3A_238 : vector<16xi32> to vector<16xi32>
    tpu.vector_store %arg8[%swap3A_239], %swap3A_242 {strides = array<i32>} : memref<128xi32, #tpu.memory_space<vmem>>, vector<16xi32>,
    %shift_right_arithmetic3A_243 = arith.constant 14 : i32
    %shift_right_arithmetic3A_244 = vector.broadcast %shift_right_arithmetic3A_243 : i32 to vector<16xi32>
    %shift_right_arithmetic3A_245 = arith.shrsi %get3A_235, %shift_right_arithmetic3A_244 : vector<16xi32>
    %swap3A_246 = arith.constant 64 : index
    %swap3A_247 = tpu.vector_load %arg10[%swap3A_246] {strides = array<i32>} : memref<128xi32, #tpu.memory_space<vmem>>, vector<16xi32>,
    %swap3A_248 = vector.shape_cast %swap3A_247 : vector<16xi32> to vector<16xi32>
    %swap3A_249 = vector.shape_cast %shift_right_arithmetic3A_245 : vector<16xi32> to vector<16xi32>
    tpu.vector_store %arg10[%swap3A_246], %swap3A_249 {strides = array<i32>} : memref<128xi32, #tpu.memory_space<vmem>>, vector<16xi32>,
    %get3A_250 = arith.constant 1 : i32
    %get3A_251 = arith.index_cast %get3A_250 : i32 to index
    %get3A_252 = arith.constant 80 : index
    %get3A_253 = tpu.vector_load %arg6[%get3A_251, %get3A_252] {strides = array<i32>} : memref<80x128xi32, #tpu.memory_space<vmem>>, vector<1x16xi32>,
    %get3A_254 = vector.shape_cast %get3A_253 : vector<1x16xi32> to vector<16xi32>
    %and3A_255 = arith.constant 16383 : i32
    %and3A_256 = vector.broadcast %and3A_255 : i32 to vector<16xi32>
    %and3A_257 = arith.andi %get3A_254, %and3A_256 : vector<16xi32>
    %swap3A_258 = arith.constant 80 : index
    %swap3A_259 = tpu.vector_load %arg8[%swap3A_258] {strides = array<i32>} : memref<128xi32, #tpu.memory_space<vmem>>, vector<16xi32>,
    %swap3A_260 = vector.shape_cast %swap3A_259 : vector<16xi32> to vector<16xi32>
    %swap3A_261 = vector.shape_cast %and3A_257 : vector<16xi32> to vector<16xi32>
    tpu.vector_store %arg8[%swap3A_258], %swap3A_261 {strides = array<i32>} : memref<128xi32, #tpu.memory_space<vmem>>, vector<16xi32>,
    %shift_right_arithmetic3A_262 = arith.constant 14 : i32
    %shift_right_arithmetic3A_263 = vector.broadcast %shift_right_arithmetic3A_262 : i32 to vector<16xi32>
    %shift_right_arithmetic3A_264 = arith.shrsi %get3A_254, %shift_right_arithmetic3A_263 : vector<16xi32>
    %swap3A_265 = arith.constant 80 : index
    %swap3A_266 = tpu.vector_load %arg10[%swap3A_265] {strides = array<i32>} : memref<128xi32, #tpu.memory_space<vmem>>, vector<16xi32>,
    %swap3A_267 = vector.shape_cast %swap3A_266 : vector<16xi32> to vector<16xi32>
    %swap3A_268 = vector.shape_cast %shift_right_arithmetic3A_264 : vector<16xi32> to vector<16xi32>
    tpu.vector_store %arg10[%swap3A_265], %swap3A_268 {strides = array<i32>} : memref<128xi32, #tpu.memory_space<vmem>>, vector<16xi32>,
    %get3A_269 = arith.constant 1 : i32
    %get3A_270 = arith.index_cast %get3A_269 : i32 to index
    %get3A_271 = arith.constant 96 : index
    %get3A_272 = tpu.vector_load %arg6[%get3A_270, %get3A_271] {strides = array<i32>} : memref<80x128xi32, #tpu.memory_space<vmem>>, vector<1x16xi32>,
    %get3A_273 = vector.shape_cast %get3A_272 : vector<1x16xi32> to vector<16xi32>
    %and3A_274 = arith.constant 16383 : i32
    %and3A_275 = vector.broadcast %and3A_274 : i32 to vector<16xi32>
    %and3A_276 = arith.andi %get3A_273, %and3A_275 : vector<16xi32>
    %swap3A_277 = arith.constant 96 : index
    %swap3A_278 = tpu.vector_load %arg8[%swap3A_277] {strides = array<i32>} : memref<128xi32, #tpu.memory_space<vmem>>, vector<16xi32>,
    %swap3A_279 = vector.shape_cast %swap3A_278 : vector<16xi32> to vector<16xi32>
    %swap3A_280 = vector.shape_cast %and3A_276 : vector<16xi32> to vector<16xi32>
    tpu.vector_store %arg8[%swap3A_277], %swap3A_280 {strides = array<i32>} : memref<128xi32, #tpu.memory_space<vmem>>, vector<16xi32>,
    %shift_right_arithmetic3A_281 = arith.constant 14 : i32
    %shift_right_arithmetic3A_282 = vector.broadcast %shift_right_arithmetic3A_281 : i32 to vector<16xi32>
    %shift_right_arithmetic3A_283 = arith.shrsi %get3A_273, %shift_right_arithmetic3A_282 : vector<16xi32>
    %swap3A_284 = arith.constant 96 : index
    %swap3A_285 = tpu.vector_load %arg10[%swap3A_284] {strides = array<i32>} : memref<128xi32, #tpu.memory_space<vmem>>, vector<16xi32>,
    %swap3A_286 = vector.shape_cast %swap3A_285 : vector<16xi32> to vector<16xi32>
    %swap3A_287 = vector.shape_cast %shift_right_arithmetic3A_283 : vector<16xi32> to vector<16xi32>
    tpu.vector_store %arg10[%swap3A_284], %swap3A_287 {strides = array<i32>} : memref<128xi32, #tpu.memory_space<vmem>>, vector<16xi32>,
    %get3A_288 = arith.constant 1 : i32
    %get3A_289 = arith.index_cast %get3A_288 : i32 to index
    %get3A_290 = arith.constant 112 : index
    %get3A_291 = tpu.vector_load %arg6[%get3A_289, %get3A_290] {strides = array<i32>} : memref<80x128xi32, #tpu.memory_space<vmem>>, vector<1x16xi32>,
    %get3A_292 = vector.shape_cast %get3A_291 : vector<1x16xi32> to vector<16xi32>
    %and3A_293 = arith.constant 16383 : i32
    %and3A_294 = vector.broadcast %and3A_293 : i32 to vector<16xi32>
    %and3A_295 = arith.andi %get3A_292, %and3A_294 : vector<16xi32>
    %swap3A_296 = arith.constant 112 : index
    %swap3A_297 = tpu.vector_load %arg8[%swap3A_296] {strides = array<i32>} : memref<128xi32, #tpu.memory_space<vmem>>, vector<16xi32>,
    %swap3A_298 = vector.shape_cast %swap3A_297 : vector<16xi32> to vector<16xi32>
    %swap3A_299 = vector.shape_cast %and3A_295 : vector<16xi32> to vector<16xi32>
    tpu.vector_store %arg8[%swap3A_296], %swap3A_299 {strides = array<i32>} : memref<128xi32, #tpu.memory_space<vmem>>, vector<16xi32>,
    %shift_right_arithmetic3A_300 = arith.constant 14 : i32
    %shift_right_arithmetic3A_301 = vector.broadcast %shift_right_arithmetic3A_300 : i32 to vector<16xi32>
    %shift_right_arithmetic3A_302 = arith.shrsi %get3A_292, %shift_right_arithmetic3A_301 : vector<16xi32>
    %swap3A_303 = arith.constant 112 : index
    %swap3A_304 = tpu.vector_load %arg10[%swap3A_303] {strides = array<i32>} : memref<128xi32, #tpu.memory_space<vmem>>, vector<16xi32>,
    %swap3A_305 = vector.shape_cast %swap3A_304 : vector<16xi32> to vector<16xi32>
    %swap3A_306 = vector.shape_cast %shift_right_arithmetic3A_302 : vector<16xi32> to vector<16xi32>
    tpu.vector_store %arg10[%swap3A_303], %swap3A_306 {strides = array<i32>} : memref<128xi32, #tpu.memory_space<vmem>>, vector<16xi32>,
    %dma_start3A = arith.constant 0 : i32
    %dma_start3A_307 = arith.constant 0 : i32
    %dma_start3A_308 = tpu.memref_slice %arg2[%dma_start3A, %dma_start3A_307] : memref<10240x128xf32, #tpu.memory_space<hbm>> -> memref<10240x128xf32, #tpu.memory_space<hbm>>
    tpu.enqueue_indirect_dma source(%dma_start3A_308 : memref<10240x128xf32, #tpu.memory_space<hbm>>) target(%arg11 : memref<128x128xf32, #tpu.memory_space<vmem>>) offsets(%arg7 : memref<128xi32, #tpu.memory_space<vmem>>) semaphore(%arg14 : memref<!tpu.dma_semaphore, #tpu.memory_space<semaphore_mem>>)
    %dma_start3A_309 = arith.constant 0 : i32
    %dma_start3A_310 = arith.constant 0 : i32
    %dma_start3A_311 = tpu.memref_slice %arg2[%dma_start3A_309, %dma_start3A_310] : memref<10240x128xf32, #tpu.memory_space<hbm>> -> memref<10240x128xf32, #tpu.memory_space<hbm>>
    tpu.enqueue_indirect_dma source(%dma_start3A_311 : memref<10240x128xf32, #tpu.memory_space<hbm>>) target(%arg12 : memref<128x128xf32, #tpu.memory_space<vmem>>) offsets(%arg8 : memref<128xi32, #tpu.memory_space<vmem>>) semaphore(%arg15 : memref<!tpu.dma_semaphore, #tpu.memory_space<semaphore_mem>>)
    %scan3A = arith.constant 0 : i32
    %scan3A_312 = arith.constant 0 : i32
    %scan3A_313 = arith.constant 39 : i32
    %scan3A_314 = arith.addi %scan3A_312, %scan3A_313 : i32
    %scan3A_315 = arith.constant 1 : i32
    scf.for %scan3A_325 = %scan3A_312 to %scan3A_314 step %scan3A_315  : i32 {
      %mul3A_326 = arith.constant 2 : i32
      %mul3A_327 = arith.muli %mul3A_326, %scan3A_325 : i32
      %dma_wait3A_328 = arith.constant 0 : i32
      %dma_wait3A_329 = arith.constant 0 : i32
      %dma_wait3A_330 = tpu.memref_slice %arg2[%dma_wait3A_328, %dma_wait3A_329] : memref<10240x128xf32, #tpu.memory_space<hbm>> -> memref<10240x128xf32, #tpu.memory_space<hbm>>
      tpu.wait_indirect_dma semaphore(%arg14 : memref<!tpu.dma_semaphore, #tpu.memory_space<semaphore_mem>>) src(%dma_wait3A_330 : memref<10240x128xf32, #tpu.memory_space<hbm>>) dst(%arg11 : memref<128x128xf32, #tpu.memory_space<vmem>>)
      "tpu.region"() ({
        %run_scoped3A = tpu.sem_alloc : memref<!tpu.dma_semaphore, #tpu.memory_space<semaphore_mem>>
        %dma_start3A_632 = arith.constant 0 : i32
        %dma_start3A_633 = arith.constant 0 : i32
        %dma_start3A_634 = tpu.memref_slice %arg13[%dma_start3A_632, %dma_start3A_633] : memref<10240x128xf32, #tpu.memory_space<vmem_shared>> -> memref<10240x128xf32, #tpu.memory_space<vmem_shared>>
        tpu.enqueue_indirect_dma source(%arg11 : memref<128x128xf32, #tpu.memory_space<vmem>>) target(%dma_start3A_634 : memref<10240x128xf32, #tpu.memory_space<vmem_shared>>) offsets(%arg9 : memref<128xi32, #tpu.memory_space<vmem>>) semaphore(%run_scoped3A : memref<!tpu.dma_semaphore, #tpu.memory_space<semaphore_mem>>) {add = true}
        %dma_wait3A_635 = arith.constant 0 : i32
        %dma_wait3A_636 = arith.constant 0 : i32
        %dma_wait3A_637 = tpu.memref_slice %arg13[%dma_wait3A_635, %dma_wait3A_636] : memref<10240x128xf32, #tpu.memory_space<vmem_shared>> -> memref<10240x128xf32, #tpu.memory_space<vmem_shared>>
        tpu.wait_indirect_dma semaphore(%run_scoped3A : memref<!tpu.dma_semaphore, #tpu.memory_space<semaphore_mem>>) src(%arg11 : memref<128x128xf32, #tpu.memory_space<vmem>>) dst(%dma_wait3A_637 : memref<10240x128xf32, #tpu.memory_space<vmem_shared>>)
        tpu.yield
      }) : () -> ()
      %add3A_331 = arith.constant 2 : i32
      %add3A_332 = arith.addi %mul3A_327, %add3A_331 : i32
      %get3A_333 = arith.index_cast %add3A_332 : i32 to index
      %get3A_334 = arith.constant 0 : index
      %get3A_335 = tpu.vector_load %arg6[%get3A_333, %get3A_334] {strides = array<i32>} : memref<80x128xi32, #tpu.memory_space<vmem>>, vector<1x16xi32>,
      %get3A_336 = vector.shape_cast %get3A_335 : vector<1x16xi32> to vector<16xi32>
      %and3A_337 = arith.constant 16383 : i32
      %and3A_338 = vector.broadcast %and3A_337 : i32 to vector<16xi32>
      %and3A_339 = arith.andi %get3A_336, %and3A_338 : vector<16xi32>
      %swap3A_340 = arith.constant 0 : index
      %swap3A_341 = tpu.vector_load %arg7[%swap3A_340] {strides = array<i32>} : memref<128xi32, #tpu.memory_space<vmem>>, vector<16xi32>,
      %swap3A_342 = vector.shape_cast %swap3A_341 : vector<16xi32> to vector<16xi32>
      %swap3A_343 = vector.shape_cast %and3A_339 : vector<16xi32> to vector<16xi32>
      tpu.vector_store %arg7[%swap3A_340], %swap3A_343 {strides = array<i32>} : memref<128xi32, #tpu.memory_space<vmem>>, vector<16xi32>,
      %shift_right_arithmetic3A_344 = arith.constant 14 : i32
      %shift_right_arithmetic3A_345 = vector.broadcast %shift_right_arithmetic3A_344 : i32 to vector<16xi32>
      %shift_right_arithmetic3A_346 = arith.shrsi %get3A_336, %shift_right_arithmetic3A_345 : vector<16xi32>
      %swap3A_347 = arith.constant 0 : index
      %swap3A_348 = tpu.vector_load %arg9[%swap3A_347] {strides = array<i32>} : memref<128xi32, #tpu.memory_space<vmem>>, vector<16xi32>,
      %swap3A_349 = vector.shape_cast %swap3A_348 : vector<16xi32> to vector<16xi32>
      %swap3A_350 = vector.shape_cast %shift_right_arithmetic3A_346 : vector<16xi32> to vector<16xi32>
      tpu.vector_store %arg9[%swap3A_347], %swap3A_350 {strides = array<i32>} : memref<128xi32, #tpu.memory_space<vmem>>, vector<16xi32>,
      %get3A_351 = arith.index_cast %add3A_332 : i32 to index
      %get3A_352 = arith.constant 16 : index
      %get3A_353 = tpu.vector_load %arg6[%get3A_351, %get3A_352] {strides = array<i32>} : memref<80x128xi32, #tpu.memory_space<vmem>>, vector<1x16xi32>,
      %get3A_354 = vector.shape_cast %get3A_353 : vector<1x16xi32> to vector<16xi32>
      %and3A_355 = arith.constant 16383 : i32
      %and3A_356 = vector.broadcast %and3A_355 : i32 to vector<16xi32>
      %and3A_357 = arith.andi %get3A_354, %and3A_356 : vector<16xi32>
      %swap3A_358 = arith.constant 16 : index
      %swap3A_359 = tpu.vector_load %arg7[%swap3A_358] {strides = array<i32>} : memref<128xi32, #tpu.memory_space<vmem>>, vector<16xi32>,
      %swap3A_360 = vector.shape_cast %swap3A_359 : vector<16xi32> to vector<16xi32>
      %swap3A_361 = vector.shape_cast %and3A_357 : vector<16xi32> to vector<16xi32>
      tpu.vector_store %arg7[%swap3A_358], %swap3A_361 {strides = array<i32>} : memref<128xi32, #tpu.memory_space<vmem>>, vector<16xi32>,
      %shift_right_arithmetic3A_362 = arith.constant 14 : i32
      %shift_right_arithmetic3A_363 = vector.broadcast %shift_right_arithmetic3A_362 : i32 to vector<16xi32>
      %shift_right_arithmetic3A_364 = arith.shrsi %get3A_354, %shift_right_arithmetic3A_363 : vector<16xi32>
      %swap3A_365 = arith.constant 16 : index
      %swap3A_366 = tpu.vector_load %arg9[%swap3A_365] {strides = array<i32>} : memref<128xi32, #tpu.memory_space<vmem>>, vector<16xi32>,
      %swap3A_367 = vector.shape_cast %swap3A_366 : vector<16xi32> to vector<16xi32>
      %swap3A_368 = vector.shape_cast %shift_right_arithmetic3A_364 : vector<16xi32> to vector<16xi32>
      tpu.vector_store %arg9[%swap3A_365], %swap3A_368 {strides = array<i32>} : memref<128xi32, #tpu.memory_space<vmem>>, vector<16xi32>,
      %get3A_369 = arith.index_cast %add3A_332 : i32 to index
      %get3A_370 = arith.constant 32 : index
      %get3A_371 = tpu.vector_load %arg6[%get3A_369, %get3A_370] {strides = array<i32>} : memref<80x128xi32, #tpu.memory_space<vmem>>, vector<1x16xi32>,
      %get3A_372 = vector.shape_cast %get3A_371 : vector<1x16xi32> to vector<16xi32>
      %and3A_373 = arith.constant 16383 : i32
      %and3A_374 = vector.broadcast %and3A_373 : i32 to vector<16xi32>
      %and3A_375 = arith.andi %get3A_372, %and3A_374 : vector<16xi32>
      %swap3A_376 = arith.constant 32 : index
      %swap3A_377 = tpu.vector_load %arg7[%swap3A_376] {strides = array<i32>} : memref<128xi32, #tpu.memory_space<vmem>>, vector<16xi32>,
      %swap3A_378 = vector.shape_cast %swap3A_377 : vector<16xi32> to vector<16xi32>
      %swap3A_379 = vector.shape_cast %and3A_375 : vector<16xi32> to vector<16xi32>
      tpu.vector_store %arg7[%swap3A_376], %swap3A_379 {strides = array<i32>} : memref<128xi32, #tpu.memory_space<vmem>>, vector<16xi32>,
      %shift_right_arithmetic3A_380 = arith.constant 14 : i32
      %shift_right_arithmetic3A_381 = vector.broadcast %shift_right_arithmetic3A_380 : i32 to vector<16xi32>
      %shift_right_arithmetic3A_382 = arith.shrsi %get3A_372, %shift_right_arithmetic3A_381 : vector<16xi32>
      %swap3A_383 = arith.constant 32 : index
      %swap3A_384 = tpu.vector_load %arg9[%swap3A_383] {strides = array<i32>} : memref<128xi32, #tpu.memory_space<vmem>>, vector<16xi32>,
      %swap3A_385 = vector.shape_cast %swap3A_384 : vector<16xi32> to vector<16xi32>
      %swap3A_386 = vector.shape_cast %shift_right_arithmetic3A_382 : vector<16xi32> to vector<16xi32>
      tpu.vector_store %arg9[%swap3A_383], %swap3A_386 {strides = array<i32>} : memref<128xi32, #tpu.memory_space<vmem>>, vector<16xi32>,
      %get3A_387 = arith.index_cast %add3A_332 : i32 to index
      %get3A_388 = arith.constant 48 : index
      %get3A_389 = tpu.vector_load %arg6[%get3A_387, %get3A_388] {strides = array<i32>} : memref<80x128xi32, #tpu.memory_space<vmem>>, vector<1x16xi32>,
      %get3A_390 = vector.shape_cast %get3A_389 : vector<1x16xi32> to vector<16xi32>
      %and3A_391 = arith.constant 16383 : i32
      %and3A_392 = vector.broadcast %and3A_391 : i32 to vector<16xi32>
      %and3A_393 = arith.andi %get3A_390, %and3A_392 : vector<16xi32>
      %swap3A_394 = arith.constant 48 : index
      %swap3A_395 = tpu.vector_load %arg7[%swap3A_394] {strides = array<i32>} : memref<128xi32, #tpu.memory_space<vmem>>, vector<16xi32>,
      %swap3A_396 = vector.shape_cast %swap3A_395 : vector<16xi32> to vector<16xi32>
      %swap3A_397 = vector.shape_cast %and3A_393 : vector<16xi32> to vector<16xi32>
      tpu.vector_store %arg7[%swap3A_394], %swap3A_397 {strides = array<i32>} : memref<128xi32, #tpu.memory_space<vmem>>, vector<16xi32>,
      %shift_right_arithmetic3A_398 = arith.constant 14 : i32
      %shift_right_arithmetic3A_399 = vector.broadcast %shift_right_arithmetic3A_398 : i32 to vector<16xi32>
      %shift_right_arithmetic3A_400 = arith.shrsi %get3A_390, %shift_right_arithmetic3A_399 : vector<16xi32>
      %swap3A_401 = arith.constant 48 : index
      %swap3A_402 = tpu.vector_load %arg9[%swap3A_401] {strides = array<i32>} : memref<128xi32, #tpu.memory_space<vmem>>, vector<16xi32>,
      %swap3A_403 = vector.shape_cast %swap3A_402 : vector<16xi32> to vector<16xi32>
      %swap3A_404 = vector.shape_cast %shift_right_arithmetic3A_400 : vector<16xi32> to vector<16xi32>
      tpu.vector_store %arg9[%swap3A_401], %swap3A_404 {strides = array<i32>} : memref<128xi32, #tpu.memory_space<vmem>>, vector<16xi32>,
      %get3A_405 = arith.index_cast %add3A_332 : i32 to index
      %get3A_406 = arith.constant 64 : index
      %get3A_407 = tpu.vector_load %arg6[%get3A_405, %get3A_406] {strides = array<i32>} : memref<80x128xi32, #tpu.memory_space<vmem>>, vector<1x16xi32>,
      %get3A_408 = vector.shape_cast %get3A_407 : vector<1x16xi32> to vector<16xi32>
      %and3A_409 = arith.constant 16383 : i32
      %and3A_410 = vector.broadcast %and3A_409 : i32 to vector<16xi32>
      %and3A_411 = arith.andi %get3A_408, %and3A_410 : vector<16xi32>
      %swap3A_412 = arith.constant 64 : index
      %swap3A_413 = tpu.vector_load %arg7[%swap3A_412] {strides = array<i32>} : memref<128xi32, #tpu.memory_space<vmem>>, vector<16xi32>,
      %swap3A_414 = vector.shape_cast %swap3A_413 : vector<16xi32> to vector<16xi32>
      %swap3A_415 = vector.shape_cast %and3A_411 : vector<16xi32> to vector<16xi32>
      tpu.vector_store %arg7[%swap3A_412], %swap3A_415 {strides = array<i32>} : memref<128xi32, #tpu.memory_space<vmem>>, vector<16xi32>,
      %shift_right_arithmetic3A_416 = arith.constant 14 : i32
      %shift_right_arithmetic3A_417 = vector.broadcast %shift_right_arithmetic3A_416 : i32 to vector<16xi32>
      %shift_right_arithmetic3A_418 = arith.shrsi %get3A_408, %shift_right_arithmetic3A_417 : vector<16xi32>
      %swap3A_419 = arith.constant 64 : index
      %swap3A_420 = tpu.vector_load %arg9[%swap3A_419] {strides = array<i32>} : memref<128xi32, #tpu.memory_space<vmem>>, vector<16xi32>,
      %swap3A_421 = vector.shape_cast %swap3A_420 : vector<16xi32> to vector<16xi32>
      %swap3A_422 = vector.shape_cast %shift_right_arithmetic3A_418 : vector<16xi32> to vector<16xi32>
      tpu.vector_store %arg9[%swap3A_419], %swap3A_422 {strides = array<i32>} : memref<128xi32, #tpu.memory_space<vmem>>, vector<16xi32>,
      %get3A_423 = arith.index_cast %add3A_332 : i32 to index
      %get3A_424 = arith.constant 80 : index
      %get3A_425 = tpu.vector_load %arg6[%get3A_423, %get3A_424] {strides = array<i32>} : memref<80x128xi32, #tpu.memory_space<vmem>>, vector<1x16xi32>,
      %get3A_426 = vector.shape_cast %get3A_425 : vector<1x16xi32> to vector<16xi32>
      %and3A_427 = arith.constant 16383 : i32
      %and3A_428 = vector.broadcast %and3A_427 : i32 to vector<16xi32>
      %and3A_429 = arith.andi %get3A_426, %and3A_428 : vector<16xi32>
      %swap3A_430 = arith.constant 80 : index
      %swap3A_431 = tpu.vector_load %arg7[%swap3A_430] {strides = array<i32>} : memref<128xi32, #tpu.memory_space<vmem>>, vector<16xi32>,
      %swap3A_432 = vector.shape_cast %swap3A_431 : vector<16xi32> to vector<16xi32>
      %swap3A_433 = vector.shape_cast %and3A_429 : vector<16xi32> to vector<16xi32>
      tpu.vector_store %arg7[%swap3A_430], %swap3A_433 {strides = array<i32>} : memref<128xi32, #tpu.memory_space<vmem>>, vector<16xi32>,
      %shift_right_arithmetic3A_434 = arith.constant 14 : i32
      %shift_right_arithmetic3A_435 = vector.broadcast %shift_right_arithmetic3A_434 : i32 to vector<16xi32>
      %shift_right_arithmetic3A_436 = arith.shrsi %get3A_426, %shift_right_arithmetic3A_435 : vector<16xi32>
      %swap3A_437 = arith.constant 80 : index
      %swap3A_438 = tpu.vector_load %arg9[%swap3A_437] {strides = array<i32>} : memref<128xi32, #tpu.memory_space<vmem>>, vector<16xi32>,
      %swap3A_439 = vector.shape_cast %swap3A_438 : vector<16xi32> to vector<16xi32>
      %swap3A_440 = vector.shape_cast %shift_right_arithmetic3A_436 : vector<16xi32> to vector<16xi32>
      tpu.vector_store %arg9[%swap3A_437], %swap3A_440 {strides = array<i32>} : memref<128xi32, #tpu.memory_space<vmem>>, vector<16xi32>,
      %get3A_441 = arith.index_cast %add3A_332 : i32 to index
      %get3A_442 = arith.constant 96 : index
      %get3A_443 = tpu.vector_load %arg6[%get3A_441, %get3A_442] {strides = array<i32>} : memref<80x128xi32, #tpu.memory_space<vmem>>, vector<1x16xi32>,
      %get3A_444 = vector.shape_cast %get3A_443 : vector<1x16xi32> to vector<16xi32>
      %and3A_445 = arith.constant 16383 : i32
      %and3A_446 = vector.broadcast %and3A_445 : i32 to vector<16xi32>
      %and3A_447 = arith.andi %get3A_444, %and3A_446 : vector<16xi32>
      %swap3A_448 = arith.constant 96 : index
      %swap3A_449 = tpu.vector_load %arg7[%swap3A_448] {strides = array<i32>} : memref<128xi32, #tpu.memory_space<vmem>>, vector<16xi32>,
      %swap3A_450 = vector.shape_cast %swap3A_449 : vector<16xi32> to vector<16xi32>
      %swap3A_451 = vector.shape_cast %and3A_447 : vector<16xi32> to vector<16xi32>
      tpu.vector_store %arg7[%swap3A_448], %swap3A_451 {strides = array<i32>} : memref<128xi32, #tpu.memory_space<vmem>>, vector<16xi32>,
      %shift_right_arithmetic3A_452 = arith.constant 14 : i32
      %shift_right_arithmetic3A_453 = vector.broadcast %shift_right_arithmetic3A_452 : i32 to vector<16xi32>
      %shift_right_arithmetic3A_454 = arith.shrsi %get3A_444, %shift_right_arithmetic3A_453 : vector<16xi32>
      %swap3A_455 = arith.constant 96 : index
      %swap3A_456 = tpu.vector_load %arg9[%swap3A_455] {strides = array<i32>} : memref<128xi32, #tpu.memory_space<vmem>>, vector<16xi32>,
      %swap3A_457 = vector.shape_cast %swap3A_456 : vector<16xi32> to vector<16xi32>
      %swap3A_458 = vector.shape_cast %shift_right_arithmetic3A_454 : vector<16xi32> to vector<16xi32>
      tpu.vector_store %arg9[%swap3A_455], %swap3A_458 {strides = array<i32>} : memref<128xi32, #tpu.memory_space<vmem>>, vector<16xi32>,
      %get3A_459 = arith.index_cast %add3A_332 : i32 to index
      %get3A_460 = arith.constant 112 : index
      %get3A_461 = tpu.vector_load %arg6[%get3A_459, %get3A_460] {strides = array<i32>} : memref<80x128xi32, #tpu.memory_space<vmem>>, vector<1x16xi32>,
      %get3A_462 = vector.shape_cast %get3A_461 : vector<1x16xi32> to vector<16xi32>
      %and3A_463 = arith.constant 16383 : i32
      %and3A_464 = vector.broadcast %and3A_463 : i32 to vector<16xi32>
      %and3A_465 = arith.andi %get3A_462, %and3A_464 : vector<16xi32>
      %swap3A_466 = arith.constant 112 : index
      %swap3A_467 = tpu.vector_load %arg7[%swap3A_466] {strides = array<i32>} : memref<128xi32, #tpu.memory_space<vmem>>, vector<16xi32>,
      %swap3A_468 = vector.shape_cast %swap3A_467 : vector<16xi32> to vector<16xi32>
      %swap3A_469 = vector.shape_cast %and3A_465 : vector<16xi32> to vector<16xi32>
      tpu.vector_store %arg7[%swap3A_466], %swap3A_469 {strides = array<i32>} : memref<128xi32, #tpu.memory_space<vmem>>, vector<16xi32>,
      %shift_right_arithmetic3A_470 = arith.constant 14 : i32
      %shift_right_arithmetic3A_471 = vector.broadcast %shift_right_arithmetic3A_470 : i32 to vector<16xi32>
      %shift_right_arithmetic3A_472 = arith.shrsi %get3A_462, %shift_right_arithmetic3A_471 : vector<16xi32>
      %swap3A_473 = arith.constant 112 : index
      %swap3A_474 = tpu.vector_load %arg9[%swap3A_473] {strides = array<i32>} : memref<128xi32, #tpu.memory_space<vmem>>, vector<16xi32>,
      %swap3A_475 = vector.shape_cast %swap3A_474 : vector<16xi32> to vector<16xi32>
      %swap3A_476 = vector.shape_cast %shift_right_arithmetic3A_472 : vector<16xi32> to vector<16xi32>
      tpu.vector_store %arg9[%swap3A_473], %swap3A_476 {strides = array<i32>} : memref<128xi32, #tpu.memory_space<vmem>>, vector<16xi32>,
      %dma_start3A_477 = arith.constant 0 : i32
      %dma_start3A_478 = arith.constant 0 : i32
      %dma_start3A_479 = tpu.memref_slice %arg2[%dma_start3A_477, %dma_start3A_478] : memref<10240x128xf32, #tpu.memory_space<hbm>> -> memref<10240x128xf32, #tpu.memory_space<hbm>>
      tpu.enqueue_indirect_dma source(%dma_start3A_479 : memref<10240x128xf32, #tpu.memory_space<hbm>>) target(%arg11 : memref<128x128xf32, #tpu.memory_space<vmem>>) offsets(%arg7 : memref<128xi32, #tpu.memory_space<vmem>>) semaphore(%arg14 : memref<!tpu.dma_semaphore, #tpu.memory_space<semaphore_mem>>)
      %dma_wait3A_480 = arith.constant 0 : i32
      %dma_wait3A_481 = arith.constant 0 : i32
      %dma_wait3A_482 = tpu.memref_slice %arg2[%dma_wait3A_480, %dma_wait3A_481] : memref<10240x128xf32, #tpu.memory_space<hbm>> -> memref<10240x128xf32, #tpu.memory_space<hbm>>
      tpu.wait_indirect_dma semaphore(%arg15 : memref<!tpu.dma_semaphore, #tpu.memory_space<semaphore_mem>>) src(%dma_wait3A_482 : memref<10240x128xf32, #tpu.memory_space<hbm>>) dst(%arg12 : memref<128x128xf32, #tpu.memory_space<vmem>>)
      "tpu.region"() ({
        %run_scoped3A = tpu.sem_alloc : memref<!tpu.dma_semaphore, #tpu.memory_space<semaphore_mem>>
        %dma_start3A_632 = arith.constant 0 : i32
        %dma_start3A_633 = arith.constant 0 : i32
        %dma_start3A_634 = tpu.memref_slice %arg13[%dma_start3A_632, %dma_start3A_633] : memref<10240x128xf32, #tpu.memory_space<vmem_shared>> -> memref<10240x128xf32, #tpu.memory_space<vmem_shared>>
        tpu.enqueue_indirect_dma source(%arg12 : memref<128x128xf32, #tpu.memory_space<vmem>>) target(%dma_start3A_634 : memref<10240x128xf32, #tpu.memory_space<vmem_shared>>) offsets(%arg10 : memref<128xi32, #tpu.memory_space<vmem>>) semaphore(%run_scoped3A : memref<!tpu.dma_semaphore, #tpu.memory_space<semaphore_mem>>) {add = true}
        %dma_wait3A_635 = arith.constant 0 : i32
        %dma_wait3A_636 = arith.constant 0 : i32
        %dma_wait3A_637 = tpu.memref_slice %arg13[%dma_wait3A_635, %dma_wait3A_636] : memref<10240x128xf32, #tpu.memory_space<vmem_shared>> -> memref<10240x128xf32, #tpu.memory_space<vmem_shared>>
        tpu.wait_indirect_dma semaphore(%run_scoped3A : memref<!tpu.dma_semaphore, #tpu.memory_space<semaphore_mem>>) src(%arg12 : memref<128x128xf32, #tpu.memory_space<vmem>>) dst(%dma_wait3A_637 : memref<10240x128xf32, #tpu.memory_space<vmem_shared>>)
        tpu.yield
      }) : () -> ()
      %add3A_483 = arith.constant 3 : i32
      %add3A_484 = arith.addi %mul3A_327, %add3A_483 : i32
      %get3A_485 = arith.index_cast %add3A_484 : i32 to index
      %get3A_486 = arith.constant 0 : index
      %get3A_487 = tpu.vector_load %arg6[%get3A_485, %get3A_486] {strides = array<i32>} : memref<80x128xi32, #tpu.memory_space<vmem>>, vector<1x16xi32>,
      %get3A_488 = vector.shape_cast %get3A_487 : vector<1x16xi32> to vector<16xi32>
      %and3A_489 = arith.constant 16383 : i32
      %and3A_490 = vector.broadcast %and3A_489 : i32 to vector<16xi32>
      %and3A_491 = arith.andi %get3A_488, %and3A_490 : vector<16xi32>
      %swap3A_492 = arith.constant 0 : index
      %swap3A_493 = tpu.vector_load %arg8[%swap3A_492] {strides = array<i32>} : memref<128xi32, #tpu.memory_space<vmem>>, vector<16xi32>,
      %swap3A_494 = vector.shape_cast %swap3A_493 : vector<16xi32> to vector<16xi32>
      %swap3A_495 = vector.shape_cast %and3A_491 : vector<16xi32> to vector<16xi32>
      tpu.vector_store %arg8[%swap3A_492], %swap3A_495 {strides = array<i32>} : memref<128xi32, #tpu.memory_space<vmem>>, vector<16xi32>,
      %shift_right_arithmetic3A_496 = arith.constant 14 : i32
      %shift_right_arithmetic3A_497 = vector.broadcast %shift_right_arithmetic3A_496 : i32 to vector<16xi32>
      %shift_right_arithmetic3A_498 = arith.shrsi %get3A_488, %shift_right_arithmetic3A_497 : vector<16xi32>
      %swap3A_499 = arith.constant 0 : index
      %swap3A_500 = tpu.vector_load %arg10[%swap3A_499] {strides = array<i32>} : memref<128xi32, #tpu.memory_space<vmem>>, vector<16xi32>,
      %swap3A_501 = vector.shape_cast %swap3A_500 : vector<16xi32> to vector<16xi32>
      %swap3A_502 = vector.shape_cast %shift_right_arithmetic3A_498 : vector<16xi32> to vector<16xi32>
      tpu.vector_store %arg10[%swap3A_499], %swap3A_502 {strides = array<i32>} : memref<128xi32, #tpu.memory_space<vmem>>, vector<16xi32>,
      %get3A_503 = arith.index_cast %add3A_484 : i32 to index
      %get3A_504 = arith.constant 16 : index
      %get3A_505 = tpu.vector_load %arg6[%get3A_503, %get3A_504] {strides = array<i32>} : memref<80x128xi32, #tpu.memory_space<vmem>>, vector<1x16xi32>,
      %get3A_506 = vector.shape_cast %get3A_505 : vector<1x16xi32> to vector<16xi32>
      %and3A_507 = arith.constant 16383 : i32
      %and3A_508 = vector.broadcast %and3A_507 : i32 to vector<16xi32>
      %and3A_509 = arith.andi %get3A_506, %and3A_508 : vector<16xi32>
      %swap3A_510 = arith.constant 16 : index
      %swap3A_511 = tpu.vector_load %arg8[%swap3A_510] {strides = array<i32>} : memref<128xi32, #tpu.memory_space<vmem>>, vector<16xi32>,
      %swap3A_512 = vector.shape_cast %swap3A_511 : vector<16xi32> to vector<16xi32>
      %swap3A_513 = vector.shape_cast %and3A_509 : vector<16xi32> to vector<16xi32>
      tpu.vector_store %arg8[%swap3A_510], %swap3A_513 {strides = array<i32>} : memref<128xi32, #tpu.memory_space<vmem>>, vector<16xi32>,
      %shift_right_arithmetic3A_514 = arith.constant 14 : i32
      %shift_right_arithmetic3A_515 = vector.broadcast %shift_right_arithmetic3A_514 : i32 to vector<16xi32>
      %shift_right_arithmetic3A_516 = arith.shrsi %get3A_506, %shift_right_arithmetic3A_515 : vector<16xi32>
      %swap3A_517 = arith.constant 16 : index
      %swap3A_518 = tpu.vector_load %arg10[%swap3A_517] {strides = array<i32>} : memref<128xi32, #tpu.memory_space<vmem>>, vector<16xi32>,
      %swap3A_519 = vector.shape_cast %swap3A_518 : vector<16xi32> to vector<16xi32>
      %swap3A_520 = vector.shape_cast %shift_right_arithmetic3A_516 : vector<16xi32> to vector<16xi32>
      tpu.vector_store %arg10[%swap3A_517], %swap3A_520 {strides = array<i32>} : memref<128xi32, #tpu.memory_space<vmem>>, vector<16xi32>,
      %get3A_521 = arith.index_cast %add3A_484 : i32 to index
      %get3A_522 = arith.constant 32 : index
      %get3A_523 = tpu.vector_load %arg6[%get3A_521, %get3A_522] {strides = array<i32>} : memref<80x128xi32, #tpu.memory_space<vmem>>, vector<1x16xi32>,
      %get3A_524 = vector.shape_cast %get3A_523 : vector<1x16xi32> to vector<16xi32>
      %and3A_525 = arith.constant 16383 : i32
      %and3A_526 = vector.broadcast %and3A_525 : i32 to vector<16xi32>
      %and3A_527 = arith.andi %get3A_524, %and3A_526 : vector<16xi32>
      %swap3A_528 = arith.constant 32 : index
      %swap3A_529 = tpu.vector_load %arg8[%swap3A_528] {strides = array<i32>} : memref<128xi32, #tpu.memory_space<vmem>>, vector<16xi32>,
      %swap3A_530 = vector.shape_cast %swap3A_529 : vector<16xi32> to vector<16xi32>
      %swap3A_531 = vector.shape_cast %and3A_527 : vector<16xi32> to vector<16xi32>
      tpu.vector_store %arg8[%swap3A_528], %swap3A_531 {strides = array<i32>} : memref<128xi32, #tpu.memory_space<vmem>>, vector<16xi32>,
      %shift_right_arithmetic3A_532 = arith.constant 14 : i32
      %shift_right_arithmetic3A_533 = vector.broadcast %shift_right_arithmetic3A_532 : i32 to vector<16xi32>
      %shift_right_arithmetic3A_534 = arith.shrsi %get3A_524, %shift_right_arithmetic3A_533 : vector<16xi32>
      %swap3A_535 = arith.constant 32 : index
      %swap3A_536 = tpu.vector_load %arg10[%swap3A_535] {strides = array<i32>} : memref<128xi32, #tpu.memory_space<vmem>>, vector<16xi32>,
      %swap3A_537 = vector.shape_cast %swap3A_536 : vector<16xi32> to vector<16xi32>
      %swap3A_538 = vector.shape_cast %shift_right_arithmetic3A_534 : vector<16xi32> to vector<16xi32>
      tpu.vector_store %arg10[%swap3A_535], %swap3A_538 {strides = array<i32>} : memref<128xi32, #tpu.memory_space<vmem>>, vector<16xi32>,
      %get3A_539 = arith.index_cast %add3A_484 : i32 to index
      %get3A_540 = arith.constant 48 : index
      %get3A_541 = tpu.vector_load %arg6[%get3A_539, %get3A_540] {strides = array<i32>} : memref<80x128xi32, #tpu.memory_space<vmem>>, vector<1x16xi32>,
      %get3A_542 = vector.shape_cast %get3A_541 : vector<1x16xi32> to vector<16xi32>
      %and3A_543 = arith.constant 16383 : i32
      %and3A_544 = vector.broadcast %and3A_543 : i32 to vector<16xi32>
      %and3A_545 = arith.andi %get3A_542, %and3A_544 : vector<16xi32>
      %swap3A_546 = arith.constant 48 : index
      %swap3A_547 = tpu.vector_load %arg8[%swap3A_546] {strides = array<i32>} : memref<128xi32, #tpu.memory_space<vmem>>, vector<16xi32>,
      %swap3A_548 = vector.shape_cast %swap3A_547 : vector<16xi32> to vector<16xi32>
      %swap3A_549 = vector.shape_cast %and3A_545 : vector<16xi32> to vector<16xi32>
      tpu.vector_store %arg8[%swap3A_546], %swap3A_549 {strides = array<i32>} : memref<128xi32, #tpu.memory_space<vmem>>, vector<16xi32>,
      %shift_right_arithmetic3A_550 = arith.constant 14 : i32
      %shift_right_arithmetic3A_551 = vector.broadcast %shift_right_arithmetic3A_550 : i32 to vector<16xi32>
      %shift_right_arithmetic3A_552 = arith.shrsi %get3A_542, %shift_right_arithmetic3A_551 : vector<16xi32>
      %swap3A_553 = arith.constant 48 : index
      %swap3A_554 = tpu.vector_load %arg10[%swap3A_553] {strides = array<i32>} : memref<128xi32, #tpu.memory_space<vmem>>, vector<16xi32>,
      %swap3A_555 = vector.shape_cast %swap3A_554 : vector<16xi32> to vector<16xi32>
      %swap3A_556 = vector.shape_cast %shift_right_arithmetic3A_552 : vector<16xi32> to vector<16xi32>
      tpu.vector_store %arg10[%swap3A_553], %swap3A_556 {strides = array<i32>} : memref<128xi32, #tpu.memory_space<vmem>>, vector<16xi32>,
      %get3A_557 = arith.index_cast %add3A_484 : i32 to index
      %get3A_558 = arith.constant 64 : index
      %get3A_559 = tpu.vector_load %arg6[%get3A_557, %get3A_558] {strides = array<i32>} : memref<80x128xi32, #tpu.memory_space<vmem>>, vector<1x16xi32>,
      %get3A_560 = vector.shape_cast %get3A_559 : vector<1x16xi32> to vector<16xi32>
      %and3A_561 = arith.constant 16383 : i32
      %and3A_562 = vector.broadcast %and3A_561 : i32 to vector<16xi32>
      %and3A_563 = arith.andi %get3A_560, %and3A_562 : vector<16xi32>
      %swap3A_564 = arith.constant 64 : index
      %swap3A_565 = tpu.vector_load %arg8[%swap3A_564] {strides = array<i32>} : memref<128xi32, #tpu.memory_space<vmem>>, vector<16xi32>,
      %swap3A_566 = vector.shape_cast %swap3A_565 : vector<16xi32> to vector<16xi32>
      %swap3A_567 = vector.shape_cast %and3A_563 : vector<16xi32> to vector<16xi32>
      tpu.vector_store %arg8[%swap3A_564], %swap3A_567 {strides = array<i32>} : memref<128xi32, #tpu.memory_space<vmem>>, vector<16xi32>,
      %shift_right_arithmetic3A_568 = arith.constant 14 : i32
      %shift_right_arithmetic3A_569 = vector.broadcast %shift_right_arithmetic3A_568 : i32 to vector<16xi32>
      %shift_right_arithmetic3A_570 = arith.shrsi %get3A_560, %shift_right_arithmetic3A_569 : vector<16xi32>
      %swap3A_571 = arith.constant 64 : index
      %swap3A_572 = tpu.vector_load %arg10[%swap3A_571] {strides = array<i32>} : memref<128xi32, #tpu.memory_space<vmem>>, vector<16xi32>,
      %swap3A_573 = vector.shape_cast %swap3A_572 : vector<16xi32> to vector<16xi32>
      %swap3A_574 = vector.shape_cast %shift_right_arithmetic3A_570 : vector<16xi32> to vector<16xi32>
      tpu.vector_store %arg10[%swap3A_571], %swap3A_574 {strides = array<i32>} : memref<128xi32, #tpu.memory_space<vmem>>, vector<16xi32>,
      %get3A_575 = arith.index_cast %add3A_484 : i32 to index
      %get3A_576 = arith.constant 80 : index
      %get3A_577 = tpu.vector_load %arg6[%get3A_575, %get3A_576] {strides = array<i32>} : memref<80x128xi32, #tpu.memory_space<vmem>>, vector<1x16xi32>,
      %get3A_578 = vector.shape_cast %get3A_577 : vector<1x16xi32> to vector<16xi32>
      %and3A_579 = arith.constant 16383 : i32
      %and3A_580 = vector.broadcast %and3A_579 : i32 to vector<16xi32>
      %and3A_581 = arith.andi %get3A_578, %and3A_580 : vector<16xi32>
      %swap3A_582 = arith.constant 80 : index
      %swap3A_583 = tpu.vector_load %arg8[%swap3A_582] {strides = array<i32>} : memref<128xi32, #tpu.memory_space<vmem>>, vector<16xi32>,
      %swap3A_584 = vector.shape_cast %swap3A_583 : vector<16xi32> to vector<16xi32>
      %swap3A_585 = vector.shape_cast %and3A_581 : vector<16xi32> to vector<16xi32>
      tpu.vector_store %arg8[%swap3A_582], %swap3A_585 {strides = array<i32>} : memref<128xi32, #tpu.memory_space<vmem>>, vector<16xi32>,
      %shift_right_arithmetic3A_586 = arith.constant 14 : i32
      %shift_right_arithmetic3A_587 = vector.broadcast %shift_right_arithmetic3A_586 : i32 to vector<16xi32>
      %shift_right_arithmetic3A_588 = arith.shrsi %get3A_578, %shift_right_arithmetic3A_587 : vector<16xi32>
      %swap3A_589 = arith.constant 80 : index
      %swap3A_590 = tpu.vector_load %arg10[%swap3A_589] {strides = array<i32>} : memref<128xi32, #tpu.memory_space<vmem>>, vector<16xi32>,
      %swap3A_591 = vector.shape_cast %swap3A_590 : vector<16xi32> to vector<16xi32>
      %swap3A_592 = vector.shape_cast %shift_right_arithmetic3A_588 : vector<16xi32> to vector<16xi32>
      tpu.vector_store %arg10[%swap3A_589], %swap3A_592 {strides = array<i32>} : memref<128xi32, #tpu.memory_space<vmem>>, vector<16xi32>,
      %get3A_593 = arith.index_cast %add3A_484 : i32 to index
      %get3A_594 = arith.constant 96 : index
      %get3A_595 = tpu.vector_load %arg6[%get3A_593, %get3A_594] {strides = array<i32>} : memref<80x128xi32, #tpu.memory_space<vmem>>, vector<1x16xi32>,
      %get3A_596 = vector.shape_cast %get3A_595 : vector<1x16xi32> to vector<16xi32>
      %and3A_597 = arith.constant 16383 : i32
      %and3A_598 = vector.broadcast %and3A_597 : i32 to vector<16xi32>
      %and3A_599 = arith.andi %get3A_596, %and3A_598 : vector<16xi32>
      %swap3A_600 = arith.constant 96 : index
      %swap3A_601 = tpu.vector_load %arg8[%swap3A_600] {strides = array<i32>} : memref<128xi32, #tpu.memory_space<vmem>>, vector<16xi32>,
      %swap3A_602 = vector.shape_cast %swap3A_601 : vector<16xi32> to vector<16xi32>
      %swap3A_603 = vector.shape_cast %and3A_599 : vector<16xi32> to vector<16xi32>
      tpu.vector_store %arg8[%swap3A_600], %swap3A_603 {strides = array<i32>} : memref<128xi32, #tpu.memory_space<vmem>>, vector<16xi32>,
      %shift_right_arithmetic3A_604 = arith.constant 14 : i32
      %shift_right_arithmetic3A_605 = vector.broadcast %shift_right_arithmetic3A_604 : i32 to vector<16xi32>
      %shift_right_arithmetic3A_606 = arith.shrsi %get3A_596, %shift_right_arithmetic3A_605 : vector<16xi32>
      %swap3A_607 = arith.constant 96 : index
      %swap3A_608 = tpu.vector_load %arg10[%swap3A_607] {strides = array<i32>} : memref<128xi32, #tpu.memory_space<vmem>>, vector<16xi32>,
      %swap3A_609 = vector.shape_cast %swap3A_608 : vector<16xi32> to vector<16xi32>
      %swap3A_610 = vector.shape_cast %shift_right_arithmetic3A_606 : vector<16xi32> to vector<16xi32>
      tpu.vector_store %arg10[%swap3A_607], %swap3A_610 {strides = array<i32>} : memref<128xi32, #tpu.memory_space<vmem>>, vector<16xi32>,
      %get3A_611 = arith.index_cast %add3A_484 : i32 to index
      %get3A_612 = arith.constant 112 : index
      %get3A_613 = tpu.vector_load %arg6[%get3A_611, %get3A_612] {strides = array<i32>} : memref<80x128xi32, #tpu.memory_space<vmem>>, vector<1x16xi32>,
      %get3A_614 = vector.shape_cast %get3A_613 : vector<1x16xi32> to vector<16xi32>
      %and3A_615 = arith.constant 16383 : i32
      %and3A_616 = vector.broadcast %and3A_615 : i32 to vector<16xi32>
      %and3A_617 = arith.andi %get3A_614, %and3A_616 : vector<16xi32>
      %swap3A_618 = arith.constant 112 : index
      %swap3A_619 = tpu.vector_load %arg8[%swap3A_618] {strides = array<i32>} : memref<128xi32, #tpu.memory_space<vmem>>, vector<16xi32>,
      %swap3A_620 = vector.shape_cast %swap3A_619 : vector<16xi32> to vector<16xi32>
      %swap3A_621 = vector.shape_cast %and3A_617 : vector<16xi32> to vector<16xi32>
      tpu.vector_store %arg8[%swap3A_618], %swap3A_621 {strides = array<i32>} : memref<128xi32, #tpu.memory_space<vmem>>, vector<16xi32>,
      %shift_right_arithmetic3A_622 = arith.constant 14 : i32
      %shift_right_arithmetic3A_623 = vector.broadcast %shift_right_arithmetic3A_622 : i32 to vector<16xi32>
      %shift_right_arithmetic3A_624 = arith.shrsi %get3A_614, %shift_right_arithmetic3A_623 : vector<16xi32>
      %swap3A_625 = arith.constant 112 : index
      %swap3A_626 = tpu.vector_load %arg10[%swap3A_625] {strides = array<i32>} : memref<128xi32, #tpu.memory_space<vmem>>, vector<16xi32>,
      %swap3A_627 = vector.shape_cast %swap3A_626 : vector<16xi32> to vector<16xi32>
      %swap3A_628 = vector.shape_cast %shift_right_arithmetic3A_624 : vector<16xi32> to vector<16xi32>
      tpu.vector_store %arg10[%swap3A_625], %swap3A_628 {strides = array<i32>} : memref<128xi32, #tpu.memory_space<vmem>>, vector<16xi32>,
      %dma_start3A_629 = arith.constant 0 : i32
      %dma_start3A_630 = arith.constant 0 : i32
      %dma_start3A_631 = tpu.memref_slice %arg2[%dma_start3A_629, %dma_start3A_630] : memref<10240x128xf32, #tpu.memory_space<hbm>> -> memref<10240x128xf32, #tpu.memory_space<hbm>>
      tpu.enqueue_indirect_dma source(%dma_start3A_631 : memref<10240x128xf32, #tpu.memory_space<hbm>>) target(%arg12 : memref<128x128xf32, #tpu.memory_space<vmem>>) offsets(%arg8 : memref<128xi32, #tpu.memory_space<vmem>>) semaphore(%arg15 : memref<!tpu.dma_semaphore, #tpu.memory_space<semaphore_mem>>)
    }
    %scan3A_316 = arith.constant 39 : i32
    %dma_wait3A = arith.constant 0 : i32
    %dma_wait3A_317 = arith.constant 0 : i32
    %dma_wait3A_318 = tpu.memref_slice %arg2[%dma_wait3A, %dma_wait3A_317] : memref<10240x128xf32, #tpu.memory_space<hbm>> -> memref<10240x128xf32, #tpu.memory_space<hbm>>
    tpu.wait_indirect_dma semaphore(%arg14 : memref<!tpu.dma_semaphore, #tpu.memory_space<semaphore_mem>>) src(%dma_wait3A_318 : memref<10240x128xf32, #tpu.memory_space<hbm>>) dst(%arg11 : memref<128x128xf32, #tpu.memory_space<vmem>>)
    "tpu.region"() ({
      %run_scoped3A = tpu.sem_alloc : memref<!tpu.dma_semaphore, #tpu.memory_space<semaphore_mem>>
      %dma_start3A_325 = arith.constant 0 : i32
      %dma_start3A_326 = arith.constant 0 : i32
      %dma_start3A_327 = tpu.memref_slice %arg13[%dma_start3A_325, %dma_start3A_326] : memref<10240x128xf32, #tpu.memory_space<vmem_shared>> -> memref<10240x128xf32, #tpu.memory_space<vmem_shared>>
      tpu.enqueue_indirect_dma source(%arg11 : memref<128x128xf32, #tpu.memory_space<vmem>>) target(%dma_start3A_327 : memref<10240x128xf32, #tpu.memory_space<vmem_shared>>) offsets(%arg9 : memref<128xi32, #tpu.memory_space<vmem>>) semaphore(%run_scoped3A : memref<!tpu.dma_semaphore, #tpu.memory_space<semaphore_mem>>) {add = true}
      %dma_wait3A_328 = arith.constant 0 : i32
      %dma_wait3A_329 = arith.constant 0 : i32
      %dma_wait3A_330 = tpu.memref_slice %arg13[%dma_wait3A_328, %dma_wait3A_329] : memref<10240x128xf32, #tpu.memory_space<vmem_shared>> -> memref<10240x128xf32, #tpu.memory_space<vmem_shared>>
      tpu.wait_indirect_dma semaphore(%run_scoped3A : memref<!tpu.dma_semaphore, #tpu.memory_space<semaphore_mem>>) src(%arg11 : memref<128x128xf32, #tpu.memory_space<vmem>>) dst(%dma_wait3A_330 : memref<10240x128xf32, #tpu.memory_space<vmem_shared>>)
      tpu.yield
    }) : () -> ()
    %dma_wait3A_319 = arith.constant 0 : i32
    %dma_wait3A_320 = arith.constant 0 : i32
    %dma_wait3A_321 = tpu.memref_slice %arg2[%dma_wait3A_319, %dma_wait3A_320] : memref<10240x128xf32, #tpu.memory_space<hbm>> -> memref<10240x128xf32, #tpu.memory_space<hbm>>
    tpu.wait_indirect_dma semaphore(%arg15 : memref<!tpu.dma_semaphore, #tpu.memory_space<semaphore_mem>>) src(%dma_wait3A_321 : memref<10240x128xf32, #tpu.memory_space<hbm>>) dst(%arg12 : memref<128x128xf32, #tpu.memory_space<vmem>>)
    "tpu.region"() ({
      %run_scoped3A = tpu.sem_alloc : memref<!tpu.dma_semaphore, #tpu.memory_space<semaphore_mem>>
      %dma_start3A_325 = arith.constant 0 : i32
      %dma_start3A_326 = arith.constant 0 : i32
      %dma_start3A_327 = tpu.memref_slice %arg13[%dma_start3A_325, %dma_start3A_326] : memref<10240x128xf32, #tpu.memory_space<vmem_shared>> -> memref<10240x128xf32, #tpu.memory_space<vmem_shared>>
      tpu.enqueue_indirect_dma source(%arg12 : memref<128x128xf32, #tpu.memory_space<vmem>>) target(%dma_start3A_327 : memref<10240x128xf32, #tpu.memory_space<vmem_shared>>) offsets(%arg10 : memref<128xi32, #tpu.memory_space<vmem>>) semaphore(%run_scoped3A : memref<!tpu.dma_semaphore, #tpu.memory_space<semaphore_mem>>) {add = true}
      %dma_wait3A_328 = arith.constant 0 : i32
      %dma_wait3A_329 = arith.constant 0 : i32
      %dma_wait3A_330 = tpu.memref_slice %arg13[%dma_wait3A_328, %dma_wait3A_329] : memref<10240x128xf32, #tpu.memory_space<vmem_shared>> -> memref<10240x128xf32, #tpu.memory_space<vmem_shared>>
      tpu.wait_indirect_dma semaphore(%run_scoped3A : memref<!tpu.dma_semaphore, #tpu.memory_space<semaphore_mem>>) src(%arg12 : memref<128x128xf32, #tpu.memory_space<vmem>>) dst(%dma_wait3A_330 : memref<10240x128xf32, #tpu.memory_space<vmem_shared>>)
      tpu.yield
    }) : () -> ()
    %barrier3A_322 = arith.constant 0 : index
    tpu.barrier barrier_id(%barrier3A_322)
    %mul3A_323 = arith.constant 640 : i32
    %mul3A_324 = arith.muli %arg1, %mul3A_323 : i32
    "tpu.region"() ({
      %run_scoped3A = tpu.sem_alloc : memref<!tpu.dma_semaphore, #tpu.memory_space<semaphore_mem>>
      %dma_start3A_325 = arith.constant 0 : i32
      %dma_start3A_326 = arith.constant 0 : i32
      %dma_start3A_327 = tpu.memref_slice %arg5[%arg0, %arg1, %dma_start3A_325, %dma_start3A_326] : memref<2x16x640x128xf32, #tpu.memory_space<hbm>> -> memref<1x1x640x128xf32, #tpu.memory_space<hbm>>
      %dma_start3A_328 = tpu.memref_squeeze %dma_start3A_327 : memref<1x1x640x128xf32, #tpu.memory_space<hbm>> -> memref<640x128xf32, #tpu.memory_space<hbm>>
      %dma_start3A_329 = arith.constant 0 : i32
      %dma_start3A_330 = tpu.memref_slice %arg13[%mul3A_324, %dma_start3A_329] : memref<10240x128xf32, #tpu.memory_space<vmem_shared>> -> memref<640x128xf32, #tpu.memory_space<vmem_shared>>
      tpu.enqueue_dma source(%dma_start3A_330 : memref<640x128xf32, #tpu.memory_space<vmem_shared>>) target(%dma_start3A_328 : memref<640x128xf32, #tpu.memory_space<hbm>>) target_semaphore(%run_scoped3A : memref<!tpu.dma_semaphore, #tpu.memory_space<semaphore_mem>>)
      %dma_wait3A_331 = arith.constant 0 : i32
      %dma_wait3A_332 = arith.constant 0 : i32
      %dma_wait3A_333 = tpu.memref_slice %arg5[%arg0, %arg1, %dma_wait3A_331, %dma_wait3A_332] : memref<2x16x640x128xf32, #tpu.memory_space<hbm>> -> memref<1x1x640x128xf32, #tpu.memory_space<hbm>>
      %dma_wait3A_334 = tpu.memref_squeeze %dma_wait3A_333 : memref<1x1x640x128xf32, #tpu.memory_space<hbm>> -> memref<640x128xf32, #tpu.memory_space<hbm>>
      %dma_wait3A_335 = arith.constant 0 : i32
      %dma_wait3A_336 = tpu.memref_slice %arg13[%mul3A_324, %dma_wait3A_335] : memref<10240x128xf32, #tpu.memory_space<vmem_shared>> -> memref<640x128xf32, #tpu.memory_space<vmem_shared>>
      tpu.wait_dma2 semaphore(%run_scoped3A : memref<!tpu.dma_semaphore, #tpu.memory_space<semaphore_mem>>) src(%dma_wait3A_336 : memref<640x128xf32, #tpu.memory_space<vmem_shared>>) dst(%dma_wait3A_334 : memref<640x128xf32, #tpu.memory_space<hbm>>)
      tpu.yield
    }) : () -> ()
    return
  }
}

#map = affine_map<(d0, d1) -> (0, 0)>
#map1 = affine_map<(d0, d1) -> (0)>
#map2 = affine_map<(d0, d1) -> (0, 0, 0)>
module attributes {stable_mosaic.version = 14 : i64} {
  func.func @_deg_kernel(%arg0: i32, %arg1: i32, %arg2: memref<2560x128xi32, #tpu.memory_space<hbm>>, %arg3: memref<10240xf32, #tpu.memory_space<hbm>>, %arg4: memref<2x16x640xf32, #tpu.memory_space<hbm>>, %arg5: memref<80x128xi32, #tpu.memory_space<vmem>>, %arg6: memref<128xf32, #tpu.memory_space<vmem>>, %arg7: memref<10240xf32, #tpu.memory_space<vmem_shared>>) attributes {dimension_semantics = [#tpu.dimension_semantics<core_parallel>, #tpu.dimension_semantics<subcore_parallel>], iteration_bounds = array<i64: 2, 16>, scalar_prefetch = 0 : i64, scratch_operands = 3 : i64, tpu.core_type = #tpu.core_type<sc_vector_subcore>, window_params = [{transform_indices = #map}, {transform_indices = #map1}, {transform_indices = #map2}]} {
    %mul3A = arith.constant 16 : i32
    %mul3A_0 = arith.muli %arg0, %mul3A : i32
    %add3A = arith.addi %mul3A_0, %arg1 : i32
    %mul3A_1 = arith.constant 640 : i32
    %mul3A_2 = arith.muli %arg1, %mul3A_1 : i32
    %mul3A_3 = arith.constant 640 : i32
    %mul3A_4 = arith.muli %arg1, %mul3A_3 : i32
    "tpu.region"() ({
      %run_scoped3A = tpu.sem_alloc : memref<!tpu.dma_semaphore, #tpu.memory_space<semaphore_mem>>
      %dma_start3A = tpu.memref_slice %arg7[%mul3A_4] : memref<10240xf32, #tpu.memory_space<vmem_shared>> -> memref<640xf32, #tpu.memory_space<vmem_shared>>
      %dma_start3A_61 = tpu.memref_slice %arg3[%mul3A_2] : memref<10240xf32, #tpu.memory_space<hbm>> -> memref<640xf32, #tpu.memory_space<hbm>>
      tpu.enqueue_dma source(%dma_start3A_61 : memref<640xf32, #tpu.memory_space<hbm>>) target(%dma_start3A : memref<640xf32, #tpu.memory_space<vmem_shared>>) target_semaphore(%run_scoped3A : memref<!tpu.dma_semaphore, #tpu.memory_space<semaphore_mem>>)
      %dma_wait3A = tpu.memref_slice %arg7[%mul3A_4] : memref<10240xf32, #tpu.memory_space<vmem_shared>> -> memref<640xf32, #tpu.memory_space<vmem_shared>>
      %dma_wait3A_62 = tpu.memref_slice %arg3[%mul3A_2] : memref<10240xf32, #tpu.memory_space<hbm>> -> memref<640xf32, #tpu.memory_space<hbm>>
      tpu.wait_dma2 semaphore(%run_scoped3A : memref<!tpu.dma_semaphore, #tpu.memory_space<semaphore_mem>>) src(%dma_wait3A_62 : memref<640xf32, #tpu.memory_space<hbm>>) dst(%dma_wait3A : memref<640xf32, #tpu.memory_space<vmem_shared>>)
      tpu.yield
    }) : () -> ()
    %mul3A_5 = arith.constant 80 : i32
    %mul3A_6 = arith.muli %add3A, %mul3A_5 : i32
    "tpu.region"() ({
      %run_scoped3A = tpu.sem_alloc : memref<!tpu.dma_semaphore, #tpu.memory_space<semaphore_mem>>
      %dma_start3A = arith.constant 0 : i32
      %dma_start3A_61 = tpu.memref_slice %arg2[%mul3A_6, %dma_start3A] : memref<2560x128xi32, #tpu.memory_space<hbm>> -> memref<80x128xi32, #tpu.memory_space<hbm>>
      %dma_start3A_62 = arith.constant 0 : i32
      %dma_start3A_63 = tpu.memref_slice %arg2[%mul3A_6, %dma_start3A_62] : memref<2560x128xi32, #tpu.memory_space<hbm>> -> memref<80x128xi32, #tpu.memory_space<hbm>>
      tpu.enqueue_dma source(%dma_start3A_63 : memref<80x128xi32, #tpu.memory_space<hbm>>) target(%arg5 : memref<80x128xi32, #tpu.memory_space<vmem>>) target_semaphore(%run_scoped3A : memref<!tpu.dma_semaphore, #tpu.memory_space<semaphore_mem>>)
      %dma_wait3A = arith.constant 0 : i32
      %dma_wait3A_64 = tpu.memref_slice %arg2[%mul3A_6, %dma_wait3A] : memref<2560x128xi32, #tpu.memory_space<hbm>> -> memref<80x128xi32, #tpu.memory_space<hbm>>
      %dma_wait3A_65 = arith.constant 0 : i32
      %dma_wait3A_66 = tpu.memref_slice %arg2[%mul3A_6, %dma_wait3A_65] : memref<2560x128xi32, #tpu.memory_space<hbm>> -> memref<80x128xi32, #tpu.memory_space<hbm>>
      tpu.wait_dma2 semaphore(%run_scoped3A : memref<!tpu.dma_semaphore, #tpu.memory_space<semaphore_mem>>) src(%dma_wait3A_66 : memref<80x128xi32, #tpu.memory_space<hbm>>) dst(%arg5 : memref<80x128xi32, #tpu.memory_space<vmem>>)
      tpu.yield
    }) : () -> ()
    %broadcast_in_dim3A = arith.constant 1.000000e+00 : f32
    %broadcast_in_dim3A_7 = vector.broadcast %broadcast_in_dim3A : f32 to vector<16xf32>
    %swap3A = arith.constant 0 : index
    %swap3A_8 = tpu.vector_load %arg6[%swap3A] {strides = array<i32>} : memref<128xf32, #tpu.memory_space<vmem>>, vector<16xf32>,
    %swap3A_9 = vector.shape_cast %swap3A_8 : vector<16xf32> to vector<16xf32>
    %swap3A_10 = vector.shape_cast %broadcast_in_dim3A_7 : vector<16xf32> to vector<16xf32>
    tpu.vector_store %arg6[%swap3A], %swap3A_10 {strides = array<i32>} : memref<128xf32, #tpu.memory_space<vmem>>, vector<16xf32>,
    %broadcast_in_dim3A_11 = arith.constant 1.000000e+00 : f32
    %broadcast_in_dim3A_12 = vector.broadcast %broadcast_in_dim3A_11 : f32 to vector<16xf32>
    %swap3A_13 = arith.constant 16 : index
    %swap3A_14 = tpu.vector_load %arg6[%swap3A_13] {strides = array<i32>} : memref<128xf32, #tpu.memory_space<vmem>>, vector<16xf32>,
    %swap3A_15 = vector.shape_cast %swap3A_14 : vector<16xf32> to vector<16xf32>
    %swap3A_16 = vector.shape_cast %broadcast_in_dim3A_12 : vector<16xf32> to vector<16xf32>
    tpu.vector_store %arg6[%swap3A_13], %swap3A_16 {strides = array<i32>} : memref<128xf32, #tpu.memory_space<vmem>>, vector<16xf32>,
    %broadcast_in_dim3A_17 = arith.constant 1.000000e+00 : f32
    %broadcast_in_dim3A_18 = vector.broadcast %broadcast_in_dim3A_17 : f32 to vector<16xf32>
    %swap3A_19 = arith.constant 32 : index
    %swap3A_20 = tpu.vector_load %arg6[%swap3A_19] {strides = array<i32>} : memref<128xf32, #tpu.memory_space<vmem>>, vector<16xf32>,
    %swap3A_21 = vector.shape_cast %swap3A_20 : vector<16xf32> to vector<16xf32>
    %swap3A_22 = vector.shape_cast %broadcast_in_dim3A_18 : vector<16xf32> to vector<16xf32>
    tpu.vector_store %arg6[%swap3A_19], %swap3A_22 {strides = array<i32>} : memref<128xf32, #tpu.memory_space<vmem>>, vector<16xf32>,
    %broadcast_in_dim3A_23 = arith.constant 1.000000e+00 : f32
    %broadcast_in_dim3A_24 = vector.broadcast %broadcast_in_dim3A_23 : f32 to vector<16xf32>
    %swap3A_25 = arith.constant 48 : index
    %swap3A_26 = tpu.vector_load %arg6[%swap3A_25] {strides = array<i32>} : memref<128xf32, #tpu.memory_space<vmem>>, vector<16xf32>,
    %swap3A_27 = vector.shape_cast %swap3A_26 : vector<16xf32> to vector<16xf32>
    %swap3A_28 = vector.shape_cast %broadcast_in_dim3A_24 : vector<16xf32> to vector<16xf32>
    tpu.vector_store %arg6[%swap3A_25], %swap3A_28 {strides = array<i32>} : memref<128xf32, #tpu.memory_space<vmem>>, vector<16xf32>,
    %broadcast_in_dim3A_29 = arith.constant 1.000000e+00 : f32
    %broadcast_in_dim3A_30 = vector.broadcast %broadcast_in_dim3A_29 : f32 to vector<16xf32>
    %swap3A_31 = arith.constant 64 : index
    %swap3A_32 = tpu.vector_load %arg6[%swap3A_31] {strides = array<i32>} : memref<128xf32, #tpu.memory_space<vmem>>, vector<16xf32>,
    %swap3A_33 = vector.shape_cast %swap3A_32 : vector<16xf32> to vector<16xf32>
    %swap3A_34 = vector.shape_cast %broadcast_in_dim3A_30 : vector<16xf32> to vector<16xf32>
    tpu.vector_store %arg6[%swap3A_31], %swap3A_34 {strides = array<i32>} : memref<128xf32, #tpu.memory_space<vmem>>, vector<16xf32>,
    %broadcast_in_dim3A_35 = arith.constant 1.000000e+00 : f32
    %broadcast_in_dim3A_36 = vector.broadcast %broadcast_in_dim3A_35 : f32 to vector<16xf32>
    %swap3A_37 = arith.constant 80 : index
    %swap3A_38 = tpu.vector_load %arg6[%swap3A_37] {strides = array<i32>} : memref<128xf32, #tpu.memory_space<vmem>>, vector<16xf32>,
    %swap3A_39 = vector.shape_cast %swap3A_38 : vector<16xf32> to vector<16xf32>
    %swap3A_40 = vector.shape_cast %broadcast_in_dim3A_36 : vector<16xf32> to vector<16xf32>
    tpu.vector_store %arg6[%swap3A_37], %swap3A_40 {strides = array<i32>} : memref<128xf32, #tpu.memory_space<vmem>>, vector<16xf32>,
    %broadcast_in_dim3A_41 = arith.constant 1.000000e+00 : f32
    %broadcast_in_dim3A_42 = vector.broadcast %broadcast_in_dim3A_41 : f32 to vector<16xf32>
    %swap3A_43 = arith.constant 96 : index
    %swap3A_44 = tpu.vector_load %arg6[%swap3A_43] {strides = array<i32>} : memref<128xf32, #tpu.memory_space<vmem>>, vector<16xf32>,
    %swap3A_45 = vector.shape_cast %swap3A_44 : vector<16xf32> to vector<16xf32>
    %swap3A_46 = vector.shape_cast %broadcast_in_dim3A_42 : vector<16xf32> to vector<16xf32>
    tpu.vector_store %arg6[%swap3A_43], %swap3A_46 {strides = array<i32>} : memref<128xf32, #tpu.memory_space<vmem>>, vector<16xf32>,
    %broadcast_in_dim3A_47 = arith.constant 1.000000e+00 : f32
    %broadcast_in_dim3A_48 = vector.broadcast %broadcast_in_dim3A_47 : f32 to vector<16xf32>
    %swap3A_49 = arith.constant 112 : index
    %swap3A_50 = tpu.vector_load %arg6[%swap3A_49] {strides = array<i32>} : memref<128xf32, #tpu.memory_space<vmem>>, vector<16xf32>,
    %swap3A_51 = vector.shape_cast %swap3A_50 : vector<16xf32> to vector<16xf32>
    %swap3A_52 = vector.shape_cast %broadcast_in_dim3A_48 : vector<16xf32> to vector<16xf32>
    tpu.vector_store %arg6[%swap3A_49], %swap3A_52 {strides = array<i32>} : memref<128xf32, #tpu.memory_space<vmem>>, vector<16xf32>,
    %barrier3A = arith.constant 0 : index
    tpu.barrier barrier_id(%barrier3A)
    %scan3A = arith.constant 0 : i32
    %scan3A_53 = arith.constant 0 : i32
    %scan3A_54 = arith.constant 80 : i32
    %scan3A_55 = arith.addi %scan3A_53, %scan3A_54 : i32
    %scan3A_56 = arith.constant 1 : i32
    scf.for %scan3A_61 = %scan3A_53 to %scan3A_55 step %scan3A_56  : i32 {
      "tpu.region"() ({
        %run_scoped3A = tpu.sem_alloc : memref<!tpu.dma_semaphore, #tpu.memory_space<semaphore_mem>>
        %dma_start3A = arith.constant 0 : i32
        %dma_start3A_62 = tpu.memref_slice %arg5[%scan3A_61, %dma_start3A] : memref<80x128xi32, #tpu.memory_space<vmem>> -> memref<1x128xi32, #tpu.memory_space<vmem>>
        %dma_start3A_63 = tpu.memref_squeeze %dma_start3A_62 : memref<1x128xi32, #tpu.memory_space<vmem>> -> memref<128xi32, #tpu.memory_space<vmem>>
        %dma_start3A_64 = arith.constant 0 : i32
        %dma_start3A_65 = tpu.memref_slice %arg7[%dma_start3A_64] : memref<10240xf32, #tpu.memory_space<vmem_shared>> -> memref<10240xf32, #tpu.memory_space<vmem_shared>>
        tpu.enqueue_indirect_dma source(%arg6 : memref<128xf32, #tpu.memory_space<vmem>>) target(%dma_start3A_65 : memref<10240xf32, #tpu.memory_space<vmem_shared>>) offsets(%dma_start3A_63 : memref<128xi32, #tpu.memory_space<vmem>>) semaphore(%run_scoped3A : memref<!tpu.dma_semaphore, #tpu.memory_space<semaphore_mem>>) {add = true}
        %dma_wait3A = arith.constant 0 : i32
        %dma_wait3A_66 = tpu.memref_slice %arg5[%scan3A_61, %dma_wait3A] : memref<80x128xi32, #tpu.memory_space<vmem>> -> memref<1x128xi32, #tpu.memory_space<vmem>>
        %dma_wait3A_67 = tpu.memref_squeeze %dma_wait3A_66 : memref<1x128xi32, #tpu.memory_space<vmem>> -> memref<128xi32, #tpu.memory_space<vmem>>
        %dma_wait3A_68 = arith.constant 0 : i32
        %dma_wait3A_69 = tpu.memref_slice %arg7[%dma_wait3A_68] : memref<10240xf32, #tpu.memory_space<vmem_shared>> -> memref<10240xf32, #tpu.memory_space<vmem_shared>>
        tpu.wait_indirect_dma semaphore(%run_scoped3A : memref<!tpu.dma_semaphore, #tpu.memory_space<semaphore_mem>>) src(%arg6 : memref<128xf32, #tpu.memory_space<vmem>>) dst(%dma_wait3A_69 : memref<10240xf32, #tpu.memory_space<vmem_shared>>)
        tpu.yield
      }) : () -> ()
    }
    %scan3A_57 = arith.constant 80 : i32
    %barrier3A_58 = arith.constant 0 : index
    tpu.barrier barrier_id(%barrier3A_58)
    %mul3A_59 = arith.constant 640 : i32
    %mul3A_60 = arith.muli %arg1, %mul3A_59 : i32
    "tpu.region"() ({
      %run_scoped3A = tpu.sem_alloc : memref<!tpu.dma_semaphore, #tpu.memory_space<semaphore_mem>>
      %dma_start3A = arith.constant 0 : i32
      %dma_start3A_61 = tpu.memref_slice %arg4[%arg0, %arg1, %dma_start3A] : memref<2x16x640xf32, #tpu.memory_space<hbm>> -> memref<1x1x640xf32, #tpu.memory_space<hbm>>
      %dma_start3A_62 = tpu.memref_squeeze %dma_start3A_61 : memref<1x1x640xf32, #tpu.memory_space<hbm>> -> memref<640xf32, #tpu.memory_space<hbm>>
      %dma_start3A_63 = tpu.memref_slice %arg7[%mul3A_60] : memref<10240xf32, #tpu.memory_space<vmem_shared>> -> memref<640xf32, #tpu.memory_space<vmem_shared>>
      tpu.enqueue_dma source(%dma_start3A_63 : memref<640xf32, #tpu.memory_space<vmem_shared>>) target(%dma_start3A_62 : memref<640xf32, #tpu.memory_space<hbm>>) target_semaphore(%run_scoped3A : memref<!tpu.dma_semaphore, #tpu.memory_space<semaphore_mem>>)
      %dma_wait3A = arith.constant 0 : i32
      %dma_wait3A_64 = tpu.memref_slice %arg4[%arg0, %arg1, %dma_wait3A] : memref<2x16x640xf32, #tpu.memory_space<hbm>> -> memref<1x1x640xf32, #tpu.memory_space<hbm>>
      %dma_wait3A_65 = tpu.memref_squeeze %dma_wait3A_64 : memref<1x1x640xf32, #tpu.memory_space<hbm>> -> memref<640xf32, #tpu.memory_space<hbm>>
      %dma_wait3A_66 = tpu.memref_slice %arg7[%mul3A_60] : memref<10240xf32, #tpu.memory_space<vmem_shared>> -> memref<640xf32, #tpu.memory_space<vmem_shared>>
      tpu.wait_dma2 semaphore(%run_scoped3A : memref<!tpu.dma_semaphore, #tpu.memory_space<semaphore_mem>>) src(%dma_wait3A_66 : memref<640xf32, #tpu.memory_space<vmem_shared>>) dst(%dma_wait3A_65 : memref<640xf32, #tpu.memory_space<hbm>>)
      tpu.yield
    }) : () -> ()
    return
  }
}

#map = affine_map<(d0, d1) -> (0, 0)>
#map1 = affine_map<(d0, d1) -> (0, 0, 0, 0)>
module attributes {stable_mosaic.version = 14 : i64} {
  func.func @_agg_kernel(%arg0: i32, %arg1: i32, %arg2: memref<10240x128xf32, #tpu.memory_space<hbm>>, %arg3: memref<2560x128xi32, #tpu.memory_space<hbm>>, %arg4: memref<10240x128xf32, #tpu.memory_space<hbm>>, %arg5: memref<2x16x640x128xf32, #tpu.memory_space<hbm>>, %arg6: memref<80x128xi32, #tpu.memory_space<vmem>>, %arg7: memref<128xi32, #tpu.memory_space<vmem>>, %arg8: memref<128xi32, #tpu.memory_space<vmem>>, %arg9: memref<128xi32, #tpu.memory_space<vmem>>, %arg10: memref<128xi32, #tpu.memory_space<vmem>>, %arg11: memref<128x128xf32, #tpu.memory_space<vmem>>, %arg12: memref<128x128xf32, #tpu.memory_space<vmem>>, %arg13: memref<10240x128xf32, #tpu.memory_space<vmem_shared>>, %arg14: memref<!tpu.dma_semaphore, #tpu.memory_space<semaphore_mem>>, %arg15: memref<!tpu.dma_semaphore, #tpu.memory_space<semaphore_mem>>) attributes {dimension_semantics = [#tpu.dimension_semantics<core_parallel>, #tpu.dimension_semantics<subcore_parallel>], iteration_bounds = array<i64: 2, 16>, scalar_prefetch = 0 : i64, scratch_operands = 10 : i64, tpu.core_type = #tpu.core_type<sc_vector_subcore>, window_params = [{transform_indices = #map}, {transform_indices = #map}, {transform_indices = #map}, {transform_indices = #map1}]} {
    %mul3A = arith.constant 16 : i32
    %mul3A_0 = arith.muli %arg0, %mul3A : i32
    %add3A = arith.addi %mul3A_0, %arg1 : i32
    %mul3A_1 = arith.constant 640 : i32
    %mul3A_2 = arith.muli %arg1, %mul3A_1 : i32
    %mul3A_3 = arith.constant 640 : i32
    %mul3A_4 = arith.muli %arg1, %mul3A_3 : i32
    "tpu.region"() ({
      %run_scoped3A = tpu.sem_alloc : memref<!tpu.dma_semaphore, #tpu.memory_space<semaphore_mem>>
      %dma_start3A_325 = arith.constant 0 : i32
      %dma_start3A_326 = tpu.memref_slice %arg13[%mul3A_4, %dma_start3A_325] : memref<10240x128xf32, #tpu.memory_space<vmem_shared>> -> memref<640x128xf32, #tpu.memory_space<vmem_shared>>
      %dma_start3A_327 = arith.constant 0 : i32
      %dma_start3A_328 = tpu.memref_slice %arg4[%mul3A_2, %dma_start3A_327] : memref<10240x128xf32, #tpu.memory_space<hbm>> -> memref<640x128xf32, #tpu.memory_space<hbm>>
      tpu.enqueue_dma source(%dma_start3A_328 : memref<640x128xf32, #tpu.memory_space<hbm>>) target(%dma_start3A_326 : memref<640x128xf32, #tpu.memory_space<vmem_shared>>) target_semaphore(%run_scoped3A : memref<!tpu.dma_semaphore, #tpu.memory_space<semaphore_mem>>)
      %dma_wait3A_329 = arith.constant 0 : i32
      %dma_wait3A_330 = tpu.memref_slice %arg13[%mul3A_4, %dma_wait3A_329] : memref<10240x128xf32, #tpu.memory_space<vmem_shared>> -> memref<640x128xf32, #tpu.memory_space<vmem_shared>>
      %dma_wait3A_331 = arith.constant 0 : i32
      %dma_wait3A_332 = tpu.memref_slice %arg4[%mul3A_2, %dma_wait3A_331] : memref<10240x128xf32, #tpu.memory_space<hbm>> -> memref<640x128xf32, #tpu.memory_space<hbm>>
      tpu.wait_dma2 semaphore(%run_scoped3A : memref<!tpu.dma_semaphore, #tpu.memory_space<semaphore_mem>>) src(%dma_wait3A_332 : memref<640x128xf32, #tpu.memory_space<hbm>>) dst(%dma_wait3A_330 : memref<640x128xf32, #tpu.memory_space<vmem_shared>>)
      tpu.yield
    }) : () -> ()
    %mul3A_5 = arith.constant 80 : i32
    %mul3A_6 = arith.muli %add3A, %mul3A_5 : i32
    "tpu.region"() ({
      %run_scoped3A = tpu.sem_alloc : memref<!tpu.dma_semaphore, #tpu.memory_space<semaphore_mem>>
      %dma_start3A_325 = arith.constant 0 : i32
      %dma_start3A_326 = tpu.memref_slice %arg3[%mul3A_6, %dma_start3A_325] : memref<2560x128xi32, #tpu.memory_space<hbm>> -> memref<80x128xi32, #tpu.memory_space<hbm>>
      %dma_start3A_327 = arith.constant 0 : i32
      %dma_start3A_328 = tpu.memref_slice %arg3[%mul3A_6, %dma_start3A_327] : memref<2560x128xi32, #tpu.memory_space<hbm>> -> memref<80x128xi32, #tpu.memory_space<hbm>>
      tpu.enqueue_dma source(%dma_start3A_328 : memref<80x128xi32, #tpu.memory_space<hbm>>) target(%arg6 : memref<80x128xi32, #tpu.memory_space<vmem>>) target_semaphore(%run_scoped3A : memref<!tpu.dma_semaphore, #tpu.memory_space<semaphore_mem>>)
      %dma_wait3A_329 = arith.constant 0 : i32
      %dma_wait3A_330 = tpu.memref_slice %arg3[%mul3A_6, %dma_wait3A_329] : memref<2560x128xi32, #tpu.memory_space<hbm>> -> memref<80x128xi32, #tpu.memory_space<hbm>>
      %dma_wait3A_331 = arith.constant 0 : i32
      %dma_wait3A_332 = tpu.memref_slice %arg3[%mul3A_6, %dma_wait3A_331] : memref<2560x128xi32, #tpu.memory_space<hbm>> -> memref<80x128xi32, #tpu.memory_space<hbm>>
      tpu.wait_dma2 semaphore(%run_scoped3A : memref<!tpu.dma_semaphore, #tpu.memory_space<semaphore_mem>>) src(%dma_wait3A_332 : memref<80x128xi32, #tpu.memory_space<hbm>>) dst(%arg6 : memref<80x128xi32, #tpu.memory_space<vmem>>)
      tpu.yield
    }) : () -> ()
    %barrier3A = arith.constant 0 : index
    tpu.barrier barrier_id(%barrier3A)
    %get3A = arith.constant 0 : i32
    %get3A_7 = arith.index_cast %get3A : i32 to index
    %get3A_8 = arith.constant 0 : index
    %get3A_9 = tpu.vector_load %arg6[%get3A_7, %get3A_8] {strides = array<i32>} : memref<80x128xi32, #tpu.memory_space<vmem>>, vector<1x16xi32>,
    %get3A_10 = vector.shape_cast %get3A_9 : vector<1x16xi32> to vector<16xi32>
    %and3A = arith.constant 16383 : i32
    %and3A_11 = vector.broadcast %and3A : i32 to vector<16xi32>
    %and3A_12 = arith.andi %get3A_10, %and3A_11 : vector<16xi32>
    %swap3A = arith.constant 0 : index
    %swap3A_13 = tpu.vector_load %arg7[%swap3A] {strides = array<i32>} : memref<128xi32, #tpu.memory_space<vmem>>, vector<16xi32>,
    %swap3A_14 = vector.shape_cast %swap3A_13 : vector<16xi32> to vector<16xi32>
    %swap3A_15 = vector.shape_cast %and3A_12 : vector<16xi32> to vector<16xi32>
    tpu.vector_store %arg7[%swap3A], %swap3A_15 {strides = array<i32>} : memref<128xi32, #tpu.memory_space<vmem>>, vector<16xi32>,
    %shift_right_arithmetic3A = arith.constant 14 : i32
    %shift_right_arithmetic3A_16 = vector.broadcast %shift_right_arithmetic3A : i32 to vector<16xi32>
    %shift_right_arithmetic3A_17 = arith.shrsi %get3A_10, %shift_right_arithmetic3A_16 : vector<16xi32>
    %swap3A_18 = arith.constant 0 : index
    %swap3A_19 = tpu.vector_load %arg9[%swap3A_18] {strides = array<i32>} : memref<128xi32, #tpu.memory_space<vmem>>, vector<16xi32>,
    %swap3A_20 = vector.shape_cast %swap3A_19 : vector<16xi32> to vector<16xi32>
    %swap3A_21 = vector.shape_cast %shift_right_arithmetic3A_17 : vector<16xi32> to vector<16xi32>
    tpu.vector_store %arg9[%swap3A_18], %swap3A_21 {strides = array<i32>} : memref<128xi32, #tpu.memory_space<vmem>>, vector<16xi32>,
    %get3A_22 = arith.constant 0 : i32
    %get3A_23 = arith.index_cast %get3A_22 : i32 to index
    %get3A_24 = arith.constant 16 : index
    %get3A_25 = tpu.vector_load %arg6[%get3A_23, %get3A_24] {strides = array<i32>} : memref<80x128xi32, #tpu.memory_space<vmem>>, vector<1x16xi32>,
    %get3A_26 = vector.shape_cast %get3A_25 : vector<1x16xi32> to vector<16xi32>
    %and3A_27 = arith.constant 16383 : i32
    %and3A_28 = vector.broadcast %and3A_27 : i32 to vector<16xi32>
    %and3A_29 = arith.andi %get3A_26, %and3A_28 : vector<16xi32>
    %swap3A_30 = arith.constant 16 : index
    %swap3A_31 = tpu.vector_load %arg7[%swap3A_30] {strides = array<i32>} : memref<128xi32, #tpu.memory_space<vmem>>, vector<16xi32>,
    %swap3A_32 = vector.shape_cast %swap3A_31 : vector<16xi32> to vector<16xi32>
    %swap3A_33 = vector.shape_cast %and3A_29 : vector<16xi32> to vector<16xi32>
    tpu.vector_store %arg7[%swap3A_30], %swap3A_33 {strides = array<i32>} : memref<128xi32, #tpu.memory_space<vmem>>, vector<16xi32>,
    %shift_right_arithmetic3A_34 = arith.constant 14 : i32
    %shift_right_arithmetic3A_35 = vector.broadcast %shift_right_arithmetic3A_34 : i32 to vector<16xi32>
    %shift_right_arithmetic3A_36 = arith.shrsi %get3A_26, %shift_right_arithmetic3A_35 : vector<16xi32>
    %swap3A_37 = arith.constant 16 : index
    %swap3A_38 = tpu.vector_load %arg9[%swap3A_37] {strides = array<i32>} : memref<128xi32, #tpu.memory_space<vmem>>, vector<16xi32>,
    %swap3A_39 = vector.shape_cast %swap3A_38 : vector<16xi32> to vector<16xi32>
    %swap3A_40 = vector.shape_cast %shift_right_arithmetic3A_36 : vector<16xi32> to vector<16xi32>
    tpu.vector_store %arg9[%swap3A_37], %swap3A_40 {strides = array<i32>} : memref<128xi32, #tpu.memory_space<vmem>>, vector<16xi32>,
    %get3A_41 = arith.constant 0 : i32
    %get3A_42 = arith.index_cast %get3A_41 : i32 to index
    %get3A_43 = arith.constant 32 : index
    %get3A_44 = tpu.vector_load %arg6[%get3A_42, %get3A_43] {strides = array<i32>} : memref<80x128xi32, #tpu.memory_space<vmem>>, vector<1x16xi32>,
    %get3A_45 = vector.shape_cast %get3A_44 : vector<1x16xi32> to vector<16xi32>
    %and3A_46 = arith.constant 16383 : i32
    %and3A_47 = vector.broadcast %and3A_46 : i32 to vector<16xi32>
    %and3A_48 = arith.andi %get3A_45, %and3A_47 : vector<16xi32>
    %swap3A_49 = arith.constant 32 : index
    %swap3A_50 = tpu.vector_load %arg7[%swap3A_49] {strides = array<i32>} : memref<128xi32, #tpu.memory_space<vmem>>, vector<16xi32>,
    %swap3A_51 = vector.shape_cast %swap3A_50 : vector<16xi32> to vector<16xi32>
    %swap3A_52 = vector.shape_cast %and3A_48 : vector<16xi32> to vector<16xi32>
    tpu.vector_store %arg7[%swap3A_49], %swap3A_52 {strides = array<i32>} : memref<128xi32, #tpu.memory_space<vmem>>, vector<16xi32>,
    %shift_right_arithmetic3A_53 = arith.constant 14 : i32
    %shift_right_arithmetic3A_54 = vector.broadcast %shift_right_arithmetic3A_53 : i32 to vector<16xi32>
    %shift_right_arithmetic3A_55 = arith.shrsi %get3A_45, %shift_right_arithmetic3A_54 : vector<16xi32>
    %swap3A_56 = arith.constant 32 : index
    %swap3A_57 = tpu.vector_load %arg9[%swap3A_56] {strides = array<i32>} : memref<128xi32, #tpu.memory_space<vmem>>, vector<16xi32>,
    %swap3A_58 = vector.shape_cast %swap3A_57 : vector<16xi32> to vector<16xi32>
    %swap3A_59 = vector.shape_cast %shift_right_arithmetic3A_55 : vector<16xi32> to vector<16xi32>
    tpu.vector_store %arg9[%swap3A_56], %swap3A_59 {strides = array<i32>} : memref<128xi32, #tpu.memory_space<vmem>>, vector<16xi32>,
    %get3A_60 = arith.constant 0 : i32
    %get3A_61 = arith.index_cast %get3A_60 : i32 to index
    %get3A_62 = arith.constant 48 : index
    %get3A_63 = tpu.vector_load %arg6[%get3A_61, %get3A_62] {strides = array<i32>} : memref<80x128xi32, #tpu.memory_space<vmem>>, vector<1x16xi32>,
    %get3A_64 = vector.shape_cast %get3A_63 : vector<1x16xi32> to vector<16xi32>
    %and3A_65 = arith.constant 16383 : i32
    %and3A_66 = vector.broadcast %and3A_65 : i32 to vector<16xi32>
    %and3A_67 = arith.andi %get3A_64, %and3A_66 : vector<16xi32>
    %swap3A_68 = arith.constant 48 : index
    %swap3A_69 = tpu.vector_load %arg7[%swap3A_68] {strides = array<i32>} : memref<128xi32, #tpu.memory_space<vmem>>, vector<16xi32>,
    %swap3A_70 = vector.shape_cast %swap3A_69 : vector<16xi32> to vector<16xi32>
    %swap3A_71 = vector.shape_cast %and3A_67 : vector<16xi32> to vector<16xi32>
    tpu.vector_store %arg7[%swap3A_68], %swap3A_71 {strides = array<i32>} : memref<128xi32, #tpu.memory_space<vmem>>, vector<16xi32>,
    %shift_right_arithmetic3A_72 = arith.constant 14 : i32
    %shift_right_arithmetic3A_73 = vector.broadcast %shift_right_arithmetic3A_72 : i32 to vector<16xi32>
    %shift_right_arithmetic3A_74 = arith.shrsi %get3A_64, %shift_right_arithmetic3A_73 : vector<16xi32>
    %swap3A_75 = arith.constant 48 : index
    %swap3A_76 = tpu.vector_load %arg9[%swap3A_75] {strides = array<i32>} : memref<128xi32, #tpu.memory_space<vmem>>, vector<16xi32>,
    %swap3A_77 = vector.shape_cast %swap3A_76 : vector<16xi32> to vector<16xi32>
    %swap3A_78 = vector.shape_cast %shift_right_arithmetic3A_74 : vector<16xi32> to vector<16xi32>
    tpu.vector_store %arg9[%swap3A_75], %swap3A_78 {strides = array<i32>} : memref<128xi32, #tpu.memory_space<vmem>>, vector<16xi32>,
    %get3A_79 = arith.constant 0 : i32
    %get3A_80 = arith.index_cast %get3A_79 : i32 to index
    %get3A_81 = arith.constant 64 : index
    %get3A_82 = tpu.vector_load %arg6[%get3A_80, %get3A_81] {strides = array<i32>} : memref<80x128xi32, #tpu.memory_space<vmem>>, vector<1x16xi32>,
    %get3A_83 = vector.shape_cast %get3A_82 : vector<1x16xi32> to vector<16xi32>
    %and3A_84 = arith.constant 16383 : i32
    %and3A_85 = vector.broadcast %and3A_84 : i32 to vector<16xi32>
    %and3A_86 = arith.andi %get3A_83, %and3A_85 : vector<16xi32>
    %swap3A_87 = arith.constant 64 : index
    %swap3A_88 = tpu.vector_load %arg7[%swap3A_87] {strides = array<i32>} : memref<128xi32, #tpu.memory_space<vmem>>, vector<16xi32>,
    %swap3A_89 = vector.shape_cast %swap3A_88 : vector<16xi32> to vector<16xi32>
    %swap3A_90 = vector.shape_cast %and3A_86 : vector<16xi32> to vector<16xi32>
    tpu.vector_store %arg7[%swap3A_87], %swap3A_90 {strides = array<i32>} : memref<128xi32, #tpu.memory_space<vmem>>, vector<16xi32>,
    %shift_right_arithmetic3A_91 = arith.constant 14 : i32
    %shift_right_arithmetic3A_92 = vector.broadcast %shift_right_arithmetic3A_91 : i32 to vector<16xi32>
    %shift_right_arithmetic3A_93 = arith.shrsi %get3A_83, %shift_right_arithmetic3A_92 : vector<16xi32>
    %swap3A_94 = arith.constant 64 : index
    %swap3A_95 = tpu.vector_load %arg9[%swap3A_94] {strides = array<i32>} : memref<128xi32, #tpu.memory_space<vmem>>, vector<16xi32>,
    %swap3A_96 = vector.shape_cast %swap3A_95 : vector<16xi32> to vector<16xi32>
    %swap3A_97 = vector.shape_cast %shift_right_arithmetic3A_93 : vector<16xi32> to vector<16xi32>
    tpu.vector_store %arg9[%swap3A_94], %swap3A_97 {strides = array<i32>} : memref<128xi32, #tpu.memory_space<vmem>>, vector<16xi32>,
    %get3A_98 = arith.constant 0 : i32
    %get3A_99 = arith.index_cast %get3A_98 : i32 to index
    %get3A_100 = arith.constant 80 : index
    %get3A_101 = tpu.vector_load %arg6[%get3A_99, %get3A_100] {strides = array<i32>} : memref<80x128xi32, #tpu.memory_space<vmem>>, vector<1x16xi32>,
    %get3A_102 = vector.shape_cast %get3A_101 : vector<1x16xi32> to vector<16xi32>
    %and3A_103 = arith.constant 16383 : i32
    %and3A_104 = vector.broadcast %and3A_103 : i32 to vector<16xi32>
    %and3A_105 = arith.andi %get3A_102, %and3A_104 : vector<16xi32>
    %swap3A_106 = arith.constant 80 : index
    %swap3A_107 = tpu.vector_load %arg7[%swap3A_106] {strides = array<i32>} : memref<128xi32, #tpu.memory_space<vmem>>, vector<16xi32>,
    %swap3A_108 = vector.shape_cast %swap3A_107 : vector<16xi32> to vector<16xi32>
    %swap3A_109 = vector.shape_cast %and3A_105 : vector<16xi32> to vector<16xi32>
    tpu.vector_store %arg7[%swap3A_106], %swap3A_109 {strides = array<i32>} : memref<128xi32, #tpu.memory_space<vmem>>, vector<16xi32>,
    %shift_right_arithmetic3A_110 = arith.constant 14 : i32
    %shift_right_arithmetic3A_111 = vector.broadcast %shift_right_arithmetic3A_110 : i32 to vector<16xi32>
    %shift_right_arithmetic3A_112 = arith.shrsi %get3A_102, %shift_right_arithmetic3A_111 : vector<16xi32>
    %swap3A_113 = arith.constant 80 : index
    %swap3A_114 = tpu.vector_load %arg9[%swap3A_113] {strides = array<i32>} : memref<128xi32, #tpu.memory_space<vmem>>, vector<16xi32>,
    %swap3A_115 = vector.shape_cast %swap3A_114 : vector<16xi32> to vector<16xi32>
    %swap3A_116 = vector.shape_cast %shift_right_arithmetic3A_112 : vector<16xi32> to vector<16xi32>
    tpu.vector_store %arg9[%swap3A_113], %swap3A_116 {strides = array<i32>} : memref<128xi32, #tpu.memory_space<vmem>>, vector<16xi32>,
    %get3A_117 = arith.constant 0 : i32
    %get3A_118 = arith.index_cast %get3A_117 : i32 to index
    %get3A_119 = arith.constant 96 : index
    %get3A_120 = tpu.vector_load %arg6[%get3A_118, %get3A_119] {strides = array<i32>} : memref<80x128xi32, #tpu.memory_space<vmem>>, vector<1x16xi32>,
    %get3A_121 = vector.shape_cast %get3A_120 : vector<1x16xi32> to vector<16xi32>
    %and3A_122 = arith.constant 16383 : i32
    %and3A_123 = vector.broadcast %and3A_122 : i32 to vector<16xi32>
    %and3A_124 = arith.andi %get3A_121, %and3A_123 : vector<16xi32>
    %swap3A_125 = arith.constant 96 : index
    %swap3A_126 = tpu.vector_load %arg7[%swap3A_125] {strides = array<i32>} : memref<128xi32, #tpu.memory_space<vmem>>, vector<16xi32>,
    %swap3A_127 = vector.shape_cast %swap3A_126 : vector<16xi32> to vector<16xi32>
    %swap3A_128 = vector.shape_cast %and3A_124 : vector<16xi32> to vector<16xi32>
    tpu.vector_store %arg7[%swap3A_125], %swap3A_128 {strides = array<i32>} : memref<128xi32, #tpu.memory_space<vmem>>, vector<16xi32>,
    %shift_right_arithmetic3A_129 = arith.constant 14 : i32
    %shift_right_arithmetic3A_130 = vector.broadcast %shift_right_arithmetic3A_129 : i32 to vector<16xi32>
    %shift_right_arithmetic3A_131 = arith.shrsi %get3A_121, %shift_right_arithmetic3A_130 : vector<16xi32>
    %swap3A_132 = arith.constant 96 : index
    %swap3A_133 = tpu.vector_load %arg9[%swap3A_132] {strides = array<i32>} : memref<128xi32, #tpu.memory_space<vmem>>, vector<16xi32>,
    %swap3A_134 = vector.shape_cast %swap3A_133 : vector<16xi32> to vector<16xi32>
    %swap3A_135 = vector.shape_cast %shift_right_arithmetic3A_131 : vector<16xi32> to vector<16xi32>
    tpu.vector_store %arg9[%swap3A_132], %swap3A_135 {strides = array<i32>} : memref<128xi32, #tpu.memory_space<vmem>>, vector<16xi32>,
    %get3A_136 = arith.constant 0 : i32
    %get3A_137 = arith.index_cast %get3A_136 : i32 to index
    %get3A_138 = arith.constant 112 : index
    %get3A_139 = tpu.vector_load %arg6[%get3A_137, %get3A_138] {strides = array<i32>} : memref<80x128xi32, #tpu.memory_space<vmem>>, vector<1x16xi32>,
    %get3A_140 = vector.shape_cast %get3A_139 : vector<1x16xi32> to vector<16xi32>
    %and3A_141 = arith.constant 16383 : i32
    %and3A_142 = vector.broadcast %and3A_141 : i32 to vector<16xi32>
    %and3A_143 = arith.andi %get3A_140, %and3A_142 : vector<16xi32>
    %swap3A_144 = arith.constant 112 : index
    %swap3A_145 = tpu.vector_load %arg7[%swap3A_144] {strides = array<i32>} : memref<128xi32, #tpu.memory_space<vmem>>, vector<16xi32>,
    %swap3A_146 = vector.shape_cast %swap3A_145 : vector<16xi32> to vector<16xi32>
    %swap3A_147 = vector.shape_cast %and3A_143 : vector<16xi32> to vector<16xi32>
    tpu.vector_store %arg7[%swap3A_144], %swap3A_147 {strides = array<i32>} : memref<128xi32, #tpu.memory_space<vmem>>, vector<16xi32>,
    %shift_right_arithmetic3A_148 = arith.constant 14 : i32
    %shift_right_arithmetic3A_149 = vector.broadcast %shift_right_arithmetic3A_148 : i32 to vector<16xi32>
    %shift_right_arithmetic3A_150 = arith.shrsi %get3A_140, %shift_right_arithmetic3A_149 : vector<16xi32>
    %swap3A_151 = arith.constant 112 : index
    %swap3A_152 = tpu.vector_load %arg9[%swap3A_151] {strides = array<i32>} : memref<128xi32, #tpu.memory_space<vmem>>, vector<16xi32>,
    %swap3A_153 = vector.shape_cast %swap3A_152 : vector<16xi32> to vector<16xi32>
    %swap3A_154 = vector.shape_cast %shift_right_arithmetic3A_150 : vector<16xi32> to vector<16xi32>
    tpu.vector_store %arg9[%swap3A_151], %swap3A_154 {strides = array<i32>} : memref<128xi32, #tpu.memory_space<vmem>>, vector<16xi32>,
    %get3A_155 = arith.constant 1 : i32
    %get3A_156 = arith.index_cast %get3A_155 : i32 to index
    %get3A_157 = arith.constant 0 : index
    %get3A_158 = tpu.vector_load %arg6[%get3A_156, %get3A_157] {strides = array<i32>} : memref<80x128xi32, #tpu.memory_space<vmem>>, vector<1x16xi32>,
    %get3A_159 = vector.shape_cast %get3A_158 : vector<1x16xi32> to vector<16xi32>
    %and3A_160 = arith.constant 16383 : i32
    %and3A_161 = vector.broadcast %and3A_160 : i32 to vector<16xi32>
    %and3A_162 = arith.andi %get3A_159, %and3A_161 : vector<16xi32>
    %swap3A_163 = arith.constant 0 : index
    %swap3A_164 = tpu.vector_load %arg8[%swap3A_163] {strides = array<i32>} : memref<128xi32, #tpu.memory_space<vmem>>, vector<16xi32>,
    %swap3A_165 = vector.shape_cast %swap3A_164 : vector<16xi32> to vector<16xi32>
    %swap3A_166 = vector.shape_cast %and3A_162 : vector<16xi32> to vector<16xi32>
    tpu.vector_store %arg8[%swap3A_163], %swap3A_166 {strides = array<i32>} : memref<128xi32, #tpu.memory_space<vmem>>, vector<16xi32>,
    %shift_right_arithmetic3A_167 = arith.constant 14 : i32
    %shift_right_arithmetic3A_168 = vector.broadcast %shift_right_arithmetic3A_167 : i32 to vector<16xi32>
    %shift_right_arithmetic3A_169 = arith.shrsi %get3A_159, %shift_right_arithmetic3A_168 : vector<16xi32>
    %swap3A_170 = arith.constant 0 : index
    %swap3A_171 = tpu.vector_load %arg10[%swap3A_170] {strides = array<i32>} : memref<128xi32, #tpu.memory_space<vmem>>, vector<16xi32>,
    %swap3A_172 = vector.shape_cast %swap3A_171 : vector<16xi32> to vector<16xi32>
    %swap3A_173 = vector.shape_cast %shift_right_arithmetic3A_169 : vector<16xi32> to vector<16xi32>
    tpu.vector_store %arg10[%swap3A_170], %swap3A_173 {strides = array<i32>} : memref<128xi32, #tpu.memory_space<vmem>>, vector<16xi32>,
    %get3A_174 = arith.constant 1 : i32
    %get3A_175 = arith.index_cast %get3A_174 : i32 to index
    %get3A_176 = arith.constant 16 : index
    %get3A_177 = tpu.vector_load %arg6[%get3A_175, %get3A_176] {strides = array<i32>} : memref<80x128xi32, #tpu.memory_space<vmem>>, vector<1x16xi32>,
    %get3A_178 = vector.shape_cast %get3A_177 : vector<1x16xi32> to vector<16xi32>
    %and3A_179 = arith.constant 16383 : i32
    %and3A_180 = vector.broadcast %and3A_179 : i32 to vector<16xi32>
    %and3A_181 = arith.andi %get3A_178, %and3A_180 : vector<16xi32>
    %swap3A_182 = arith.constant 16 : index
    %swap3A_183 = tpu.vector_load %arg8[%swap3A_182] {strides = array<i32>} : memref<128xi32, #tpu.memory_space<vmem>>, vector<16xi32>,
    %swap3A_184 = vector.shape_cast %swap3A_183 : vector<16xi32> to vector<16xi32>
    %swap3A_185 = vector.shape_cast %and3A_181 : vector<16xi32> to vector<16xi32>
    tpu.vector_store %arg8[%swap3A_182], %swap3A_185 {strides = array<i32>} : memref<128xi32, #tpu.memory_space<vmem>>, vector<16xi32>,
    %shift_right_arithmetic3A_186 = arith.constant 14 : i32
    %shift_right_arithmetic3A_187 = vector.broadcast %shift_right_arithmetic3A_186 : i32 to vector<16xi32>
    %shift_right_arithmetic3A_188 = arith.shrsi %get3A_178, %shift_right_arithmetic3A_187 : vector<16xi32>
    %swap3A_189 = arith.constant 16 : index
    %swap3A_190 = tpu.vector_load %arg10[%swap3A_189] {strides = array<i32>} : memref<128xi32, #tpu.memory_space<vmem>>, vector<16xi32>,
    %swap3A_191 = vector.shape_cast %swap3A_190 : vector<16xi32> to vector<16xi32>
    %swap3A_192 = vector.shape_cast %shift_right_arithmetic3A_188 : vector<16xi32> to vector<16xi32>
    tpu.vector_store %arg10[%swap3A_189], %swap3A_192 {strides = array<i32>} : memref<128xi32, #tpu.memory_space<vmem>>, vector<16xi32>,
    %get3A_193 = arith.constant 1 : i32
    %get3A_194 = arith.index_cast %get3A_193 : i32 to index
    %get3A_195 = arith.constant 32 : index
    %get3A_196 = tpu.vector_load %arg6[%get3A_194, %get3A_195] {strides = array<i32>} : memref<80x128xi32, #tpu.memory_space<vmem>>, vector<1x16xi32>,
    %get3A_197 = vector.shape_cast %get3A_196 : vector<1x16xi32> to vector<16xi32>
    %and3A_198 = arith.constant 16383 : i32
    %and3A_199 = vector.broadcast %and3A_198 : i32 to vector<16xi32>
    %and3A_200 = arith.andi %get3A_197, %and3A_199 : vector<16xi32>
    %swap3A_201 = arith.constant 32 : index
    %swap3A_202 = tpu.vector_load %arg8[%swap3A_201] {strides = array<i32>} : memref<128xi32, #tpu.memory_space<vmem>>, vector<16xi32>,
    %swap3A_203 = vector.shape_cast %swap3A_202 : vector<16xi32> to vector<16xi32>
    %swap3A_204 = vector.shape_cast %and3A_200 : vector<16xi32> to vector<16xi32>
    tpu.vector_store %arg8[%swap3A_201], %swap3A_204 {strides = array<i32>} : memref<128xi32, #tpu.memory_space<vmem>>, vector<16xi32>,
    %shift_right_arithmetic3A_205 = arith.constant 14 : i32
    %shift_right_arithmetic3A_206 = vector.broadcast %shift_right_arithmetic3A_205 : i32 to vector<16xi32>
    %shift_right_arithmetic3A_207 = arith.shrsi %get3A_197, %shift_right_arithmetic3A_206 : vector<16xi32>
    %swap3A_208 = arith.constant 32 : index
    %swap3A_209 = tpu.vector_load %arg10[%swap3A_208] {strides = array<i32>} : memref<128xi32, #tpu.memory_space<vmem>>, vector<16xi32>,
    %swap3A_210 = vector.shape_cast %swap3A_209 : vector<16xi32> to vector<16xi32>
    %swap3A_211 = vector.shape_cast %shift_right_arithmetic3A_207 : vector<16xi32> to vector<16xi32>
    tpu.vector_store %arg10[%swap3A_208], %swap3A_211 {strides = array<i32>} : memref<128xi32, #tpu.memory_space<vmem>>, vector<16xi32>,
    %get3A_212 = arith.constant 1 : i32
    %get3A_213 = arith.index_cast %get3A_212 : i32 to index
    %get3A_214 = arith.constant 48 : index
    %get3A_215 = tpu.vector_load %arg6[%get3A_213, %get3A_214] {strides = array<i32>} : memref<80x128xi32, #tpu.memory_space<vmem>>, vector<1x16xi32>,
    %get3A_216 = vector.shape_cast %get3A_215 : vector<1x16xi32> to vector<16xi32>
    %and3A_217 = arith.constant 16383 : i32
    %and3A_218 = vector.broadcast %and3A_217 : i32 to vector<16xi32>
    %and3A_219 = arith.andi %get3A_216, %and3A_218 : vector<16xi32>
    %swap3A_220 = arith.constant 48 : index
    %swap3A_221 = tpu.vector_load %arg8[%swap3A_220] {strides = array<i32>} : memref<128xi32, #tpu.memory_space<vmem>>, vector<16xi32>,
    %swap3A_222 = vector.shape_cast %swap3A_221 : vector<16xi32> to vector<16xi32>
    %swap3A_223 = vector.shape_cast %and3A_219 : vector<16xi32> to vector<16xi32>
    tpu.vector_store %arg8[%swap3A_220], %swap3A_223 {strides = array<i32>} : memref<128xi32, #tpu.memory_space<vmem>>, vector<16xi32>,
    %shift_right_arithmetic3A_224 = arith.constant 14 : i32
    %shift_right_arithmetic3A_225 = vector.broadcast %shift_right_arithmetic3A_224 : i32 to vector<16xi32>
    %shift_right_arithmetic3A_226 = arith.shrsi %get3A_216, %shift_right_arithmetic3A_225 : vector<16xi32>
    %swap3A_227 = arith.constant 48 : index
    %swap3A_228 = tpu.vector_load %arg10[%swap3A_227] {strides = array<i32>} : memref<128xi32, #tpu.memory_space<vmem>>, vector<16xi32>,
    %swap3A_229 = vector.shape_cast %swap3A_228 : vector<16xi32> to vector<16xi32>
    %swap3A_230 = vector.shape_cast %shift_right_arithmetic3A_226 : vector<16xi32> to vector<16xi32>
    tpu.vector_store %arg10[%swap3A_227], %swap3A_230 {strides = array<i32>} : memref<128xi32, #tpu.memory_space<vmem>>, vector<16xi32>,
    %get3A_231 = arith.constant 1 : i32
    %get3A_232 = arith.index_cast %get3A_231 : i32 to index
    %get3A_233 = arith.constant 64 : index
    %get3A_234 = tpu.vector_load %arg6[%get3A_232, %get3A_233] {strides = array<i32>} : memref<80x128xi32, #tpu.memory_space<vmem>>, vector<1x16xi32>,
    %get3A_235 = vector.shape_cast %get3A_234 : vector<1x16xi32> to vector<16xi32>
    %and3A_236 = arith.constant 16383 : i32
    %and3A_237 = vector.broadcast %and3A_236 : i32 to vector<16xi32>
    %and3A_238 = arith.andi %get3A_235, %and3A_237 : vector<16xi32>
    %swap3A_239 = arith.constant 64 : index
    %swap3A_240 = tpu.vector_load %arg8[%swap3A_239] {strides = array<i32>} : memref<128xi32, #tpu.memory_space<vmem>>, vector<16xi32>,
    %swap3A_241 = vector.shape_cast %swap3A_240 : vector<16xi32> to vector<16xi32>
    %swap3A_242 = vector.shape_cast %and3A_238 : vector<16xi32> to vector<16xi32>
    tpu.vector_store %arg8[%swap3A_239], %swap3A_242 {strides = array<i32>} : memref<128xi32, #tpu.memory_space<vmem>>, vector<16xi32>,
    %shift_right_arithmetic3A_243 = arith.constant 14 : i32
    %shift_right_arithmetic3A_244 = vector.broadcast %shift_right_arithmetic3A_243 : i32 to vector<16xi32>
    %shift_right_arithmetic3A_245 = arith.shrsi %get3A_235, %shift_right_arithmetic3A_244 : vector<16xi32>
    %swap3A_246 = arith.constant 64 : index
    %swap3A_247 = tpu.vector_load %arg10[%swap3A_246] {strides = array<i32>} : memref<128xi32, #tpu.memory_space<vmem>>, vector<16xi32>,
    %swap3A_248 = vector.shape_cast %swap3A_247 : vector<16xi32> to vector<16xi32>
    %swap3A_249 = vector.shape_cast %shift_right_arithmetic3A_245 : vector<16xi32> to vector<16xi32>
    tpu.vector_store %arg10[%swap3A_246], %swap3A_249 {strides = array<i32>} : memref<128xi32, #tpu.memory_space<vmem>>, vector<16xi32>,
    %get3A_250 = arith.constant 1 : i32
    %get3A_251 = arith.index_cast %get3A_250 : i32 to index
    %get3A_252 = arith.constant 80 : index
    %get3A_253 = tpu.vector_load %arg6[%get3A_251, %get3A_252] {strides = array<i32>} : memref<80x128xi32, #tpu.memory_space<vmem>>, vector<1x16xi32>,
    %get3A_254 = vector.shape_cast %get3A_253 : vector<1x16xi32> to vector<16xi32>
    %and3A_255 = arith.constant 16383 : i32
    %and3A_256 = vector.broadcast %and3A_255 : i32 to vector<16xi32>
    %and3A_257 = arith.andi %get3A_254, %and3A_256 : vector<16xi32>
    %swap3A_258 = arith.constant 80 : index
    %swap3A_259 = tpu.vector_load %arg8[%swap3A_258] {strides = array<i32>} : memref<128xi32, #tpu.memory_space<vmem>>, vector<16xi32>,
    %swap3A_260 = vector.shape_cast %swap3A_259 : vector<16xi32> to vector<16xi32>
    %swap3A_261 = vector.shape_cast %and3A_257 : vector<16xi32> to vector<16xi32>
    tpu.vector_store %arg8[%swap3A_258], %swap3A_261 {strides = array<i32>} : memref<128xi32, #tpu.memory_space<vmem>>, vector<16xi32>,
    %shift_right_arithmetic3A_262 = arith.constant 14 : i32
    %shift_right_arithmetic3A_263 = vector.broadcast %shift_right_arithmetic3A_262 : i32 to vector<16xi32>
    %shift_right_arithmetic3A_264 = arith.shrsi %get3A_254, %shift_right_arithmetic3A_263 : vector<16xi32>
    %swap3A_265 = arith.constant 80 : index
    %swap3A_266 = tpu.vector_load %arg10[%swap3A_265] {strides = array<i32>} : memref<128xi32, #tpu.memory_space<vmem>>, vector<16xi32>,
    %swap3A_267 = vector.shape_cast %swap3A_266 : vector<16xi32> to vector<16xi32>
    %swap3A_268 = vector.shape_cast %shift_right_arithmetic3A_264 : vector<16xi32> to vector<16xi32>
    tpu.vector_store %arg10[%swap3A_265], %swap3A_268 {strides = array<i32>} : memref<128xi32, #tpu.memory_space<vmem>>, vector<16xi32>,
    %get3A_269 = arith.constant 1 : i32
    %get3A_270 = arith.index_cast %get3A_269 : i32 to index
    %get3A_271 = arith.constant 96 : index
    %get3A_272 = tpu.vector_load %arg6[%get3A_270, %get3A_271] {strides = array<i32>} : memref<80x128xi32, #tpu.memory_space<vmem>>, vector<1x16xi32>,
    %get3A_273 = vector.shape_cast %get3A_272 : vector<1x16xi32> to vector<16xi32>
    %and3A_274 = arith.constant 16383 : i32
    %and3A_275 = vector.broadcast %and3A_274 : i32 to vector<16xi32>
    %and3A_276 = arith.andi %get3A_273, %and3A_275 : vector<16xi32>
    %swap3A_277 = arith.constant 96 : index
    %swap3A_278 = tpu.vector_load %arg8[%swap3A_277] {strides = array<i32>} : memref<128xi32, #tpu.memory_space<vmem>>, vector<16xi32>,
    %swap3A_279 = vector.shape_cast %swap3A_278 : vector<16xi32> to vector<16xi32>
    %swap3A_280 = vector.shape_cast %and3A_276 : vector<16xi32> to vector<16xi32>
    tpu.vector_store %arg8[%swap3A_277], %swap3A_280 {strides = array<i32>} : memref<128xi32, #tpu.memory_space<vmem>>, vector<16xi32>,
    %shift_right_arithmetic3A_281 = arith.constant 14 : i32
    %shift_right_arithmetic3A_282 = vector.broadcast %shift_right_arithmetic3A_281 : i32 to vector<16xi32>
    %shift_right_arithmetic3A_283 = arith.shrsi %get3A_273, %shift_right_arithmetic3A_282 : vector<16xi32>
    %swap3A_284 = arith.constant 96 : index
    %swap3A_285 = tpu.vector_load %arg10[%swap3A_284] {strides = array<i32>} : memref<128xi32, #tpu.memory_space<vmem>>, vector<16xi32>,
    %swap3A_286 = vector.shape_cast %swap3A_285 : vector<16xi32> to vector<16xi32>
    %swap3A_287 = vector.shape_cast %shift_right_arithmetic3A_283 : vector<16xi32> to vector<16xi32>
    tpu.vector_store %arg10[%swap3A_284], %swap3A_287 {strides = array<i32>} : memref<128xi32, #tpu.memory_space<vmem>>, vector<16xi32>,
    %get3A_288 = arith.constant 1 : i32
    %get3A_289 = arith.index_cast %get3A_288 : i32 to index
    %get3A_290 = arith.constant 112 : index
    %get3A_291 = tpu.vector_load %arg6[%get3A_289, %get3A_290] {strides = array<i32>} : memref<80x128xi32, #tpu.memory_space<vmem>>, vector<1x16xi32>,
    %get3A_292 = vector.shape_cast %get3A_291 : vector<1x16xi32> to vector<16xi32>
    %and3A_293 = arith.constant 16383 : i32
    %and3A_294 = vector.broadcast %and3A_293 : i32 to vector<16xi32>
    %and3A_295 = arith.andi %get3A_292, %and3A_294 : vector<16xi32>
    %swap3A_296 = arith.constant 112 : index
    %swap3A_297 = tpu.vector_load %arg8[%swap3A_296] {strides = array<i32>} : memref<128xi32, #tpu.memory_space<vmem>>, vector<16xi32>,
    %swap3A_298 = vector.shape_cast %swap3A_297 : vector<16xi32> to vector<16xi32>
    %swap3A_299 = vector.shape_cast %and3A_295 : vector<16xi32> to vector<16xi32>
    tpu.vector_store %arg8[%swap3A_296], %swap3A_299 {strides = array<i32>} : memref<128xi32, #tpu.memory_space<vmem>>, vector<16xi32>,
    %shift_right_arithmetic3A_300 = arith.constant 14 : i32
    %shift_right_arithmetic3A_301 = vector.broadcast %shift_right_arithmetic3A_300 : i32 to vector<16xi32>
    %shift_right_arithmetic3A_302 = arith.shrsi %get3A_292, %shift_right_arithmetic3A_301 : vector<16xi32>
    %swap3A_303 = arith.constant 112 : index
    %swap3A_304 = tpu.vector_load %arg10[%swap3A_303] {strides = array<i32>} : memref<128xi32, #tpu.memory_space<vmem>>, vector<16xi32>,
    %swap3A_305 = vector.shape_cast %swap3A_304 : vector<16xi32> to vector<16xi32>
    %swap3A_306 = vector.shape_cast %shift_right_arithmetic3A_302 : vector<16xi32> to vector<16xi32>
    tpu.vector_store %arg10[%swap3A_303], %swap3A_306 {strides = array<i32>} : memref<128xi32, #tpu.memory_space<vmem>>, vector<16xi32>,
    %dma_start3A = arith.constant 0 : i32
    %dma_start3A_307 = arith.constant 0 : i32
    %dma_start3A_308 = tpu.memref_slice %arg2[%dma_start3A, %dma_start3A_307] : memref<10240x128xf32, #tpu.memory_space<hbm>> -> memref<10240x128xf32, #tpu.memory_space<hbm>>
    tpu.enqueue_indirect_dma source(%dma_start3A_308 : memref<10240x128xf32, #tpu.memory_space<hbm>>) target(%arg11 : memref<128x128xf32, #tpu.memory_space<vmem>>) offsets(%arg7 : memref<128xi32, #tpu.memory_space<vmem>>) semaphore(%arg14 : memref<!tpu.dma_semaphore, #tpu.memory_space<semaphore_mem>>)
    %dma_start3A_309 = arith.constant 0 : i32
    %dma_start3A_310 = arith.constant 0 : i32
    %dma_start3A_311 = tpu.memref_slice %arg2[%dma_start3A_309, %dma_start3A_310] : memref<10240x128xf32, #tpu.memory_space<hbm>> -> memref<10240x128xf32, #tpu.memory_space<hbm>>
    tpu.enqueue_indirect_dma source(%dma_start3A_311 : memref<10240x128xf32, #tpu.memory_space<hbm>>) target(%arg12 : memref<128x128xf32, #tpu.memory_space<vmem>>) offsets(%arg8 : memref<128xi32, #tpu.memory_space<vmem>>) semaphore(%arg15 : memref<!tpu.dma_semaphore, #tpu.memory_space<semaphore_mem>>)
    %scan3A = arith.constant 0 : i32
    %scan3A_312 = arith.constant 0 : i32
    %scan3A_313 = arith.constant 39 : i32
    %scan3A_314 = arith.addi %scan3A_312, %scan3A_313 : i32
    %scan3A_315 = arith.constant 1 : i32
    scf.for %scan3A_325 = %scan3A_312 to %scan3A_314 step %scan3A_315  : i32 {
      %mul3A_326 = arith.constant 2 : i32
      %mul3A_327 = arith.muli %mul3A_326, %scan3A_325 : i32
      %dma_wait3A_328 = arith.constant 0 : i32
      %dma_wait3A_329 = arith.constant 0 : i32
      %dma_wait3A_330 = tpu.memref_slice %arg2[%dma_wait3A_328, %dma_wait3A_329] : memref<10240x128xf32, #tpu.memory_space<hbm>> -> memref<10240x128xf32, #tpu.memory_space<hbm>>
      tpu.wait_indirect_dma semaphore(%arg14 : memref<!tpu.dma_semaphore, #tpu.memory_space<semaphore_mem>>) src(%dma_wait3A_330 : memref<10240x128xf32, #tpu.memory_space<hbm>>) dst(%arg11 : memref<128x128xf32, #tpu.memory_space<vmem>>)
      "tpu.region"() ({
        %run_scoped3A = tpu.sem_alloc : memref<!tpu.dma_semaphore, #tpu.memory_space<semaphore_mem>>
        %dma_start3A_632 = arith.constant 0 : i32
        %dma_start3A_633 = arith.constant 0 : i32
        %dma_start3A_634 = tpu.memref_slice %arg13[%dma_start3A_632, %dma_start3A_633] : memref<10240x128xf32, #tpu.memory_space<vmem_shared>> -> memref<10240x128xf32, #tpu.memory_space<vmem_shared>>
        tpu.enqueue_indirect_dma source(%arg11 : memref<128x128xf32, #tpu.memory_space<vmem>>) target(%dma_start3A_634 : memref<10240x128xf32, #tpu.memory_space<vmem_shared>>) offsets(%arg9 : memref<128xi32, #tpu.memory_space<vmem>>) semaphore(%run_scoped3A : memref<!tpu.dma_semaphore, #tpu.memory_space<semaphore_mem>>) {add = true}
        %dma_wait3A_635 = arith.constant 0 : i32
        %dma_wait3A_636 = arith.constant 0 : i32
        %dma_wait3A_637 = tpu.memref_slice %arg13[%dma_wait3A_635, %dma_wait3A_636] : memref<10240x128xf32, #tpu.memory_space<vmem_shared>> -> memref<10240x128xf32, #tpu.memory_space<vmem_shared>>
        tpu.wait_indirect_dma semaphore(%run_scoped3A : memref<!tpu.dma_semaphore, #tpu.memory_space<semaphore_mem>>) src(%arg11 : memref<128x128xf32, #tpu.memory_space<vmem>>) dst(%dma_wait3A_637 : memref<10240x128xf32, #tpu.memory_space<vmem_shared>>)
        tpu.yield
      }) : () -> ()
      %add3A_331 = arith.constant 2 : i32
      %add3A_332 = arith.addi %mul3A_327, %add3A_331 : i32
      %get3A_333 = arith.index_cast %add3A_332 : i32 to index
      %get3A_334 = arith.constant 0 : index
      %get3A_335 = tpu.vector_load %arg6[%get3A_333, %get3A_334] {strides = array<i32>} : memref<80x128xi32, #tpu.memory_space<vmem>>, vector<1x16xi32>,
      %get3A_336 = vector.shape_cast %get3A_335 : vector<1x16xi32> to vector<16xi32>
      %and3A_337 = arith.constant 16383 : i32
      %and3A_338 = vector.broadcast %and3A_337 : i32 to vector<16xi32>
      %and3A_339 = arith.andi %get3A_336, %and3A_338 : vector<16xi32>
      %swap3A_340 = arith.constant 0 : index
      %swap3A_341 = tpu.vector_load %arg7[%swap3A_340] {strides = array<i32>} : memref<128xi32, #tpu.memory_space<vmem>>, vector<16xi32>,
      %swap3A_342 = vector.shape_cast %swap3A_341 : vector<16xi32> to vector<16xi32>
      %swap3A_343 = vector.shape_cast %and3A_339 : vector<16xi32> to vector<16xi32>
      tpu.vector_store %arg7[%swap3A_340], %swap3A_343 {strides = array<i32>} : memref<128xi32, #tpu.memory_space<vmem>>, vector<16xi32>,
      %shift_right_arithmetic3A_344 = arith.constant 14 : i32
      %shift_right_arithmetic3A_345 = vector.broadcast %shift_right_arithmetic3A_344 : i32 to vector<16xi32>
      %shift_right_arithmetic3A_346 = arith.shrsi %get3A_336, %shift_right_arithmetic3A_345 : vector<16xi32>
      %swap3A_347 = arith.constant 0 : index
      %swap3A_348 = tpu.vector_load %arg9[%swap3A_347] {strides = array<i32>} : memref<128xi32, #tpu.memory_space<vmem>>, vector<16xi32>,
      %swap3A_349 = vector.shape_cast %swap3A_348 : vector<16xi32> to vector<16xi32>
      %swap3A_350 = vector.shape_cast %shift_right_arithmetic3A_346 : vector<16xi32> to vector<16xi32>
      tpu.vector_store %arg9[%swap3A_347], %swap3A_350 {strides = array<i32>} : memref<128xi32, #tpu.memory_space<vmem>>, vector<16xi32>,
      %get3A_351 = arith.index_cast %add3A_332 : i32 to index
      %get3A_352 = arith.constant 16 : index
      %get3A_353 = tpu.vector_load %arg6[%get3A_351, %get3A_352] {strides = array<i32>} : memref<80x128xi32, #tpu.memory_space<vmem>>, vector<1x16xi32>,
      %get3A_354 = vector.shape_cast %get3A_353 : vector<1x16xi32> to vector<16xi32>
      %and3A_355 = arith.constant 16383 : i32
      %and3A_356 = vector.broadcast %and3A_355 : i32 to vector<16xi32>
      %and3A_357 = arith.andi %get3A_354, %and3A_356 : vector<16xi32>
      %swap3A_358 = arith.constant 16 : index
      %swap3A_359 = tpu.vector_load %arg7[%swap3A_358] {strides = array<i32>} : memref<128xi32, #tpu.memory_space<vmem>>, vector<16xi32>,
      %swap3A_360 = vector.shape_cast %swap3A_359 : vector<16xi32> to vector<16xi32>
      %swap3A_361 = vector.shape_cast %and3A_357 : vector<16xi32> to vector<16xi32>
      tpu.vector_store %arg7[%swap3A_358], %swap3A_361 {strides = array<i32>} : memref<128xi32, #tpu.memory_space<vmem>>, vector<16xi32>,
      %shift_right_arithmetic3A_362 = arith.constant 14 : i32
      %shift_right_arithmetic3A_363 = vector.broadcast %shift_right_arithmetic3A_362 : i32 to vector<16xi32>
      %shift_right_arithmetic3A_364 = arith.shrsi %get3A_354, %shift_right_arithmetic3A_363 : vector<16xi32>
      %swap3A_365 = arith.constant 16 : index
      %swap3A_366 = tpu.vector_load %arg9[%swap3A_365] {strides = array<i32>} : memref<128xi32, #tpu.memory_space<vmem>>, vector<16xi32>,
      %swap3A_367 = vector.shape_cast %swap3A_366 : vector<16xi32> to vector<16xi32>
      %swap3A_368 = vector.shape_cast %shift_right_arithmetic3A_364 : vector<16xi32> to vector<16xi32>
      tpu.vector_store %arg9[%swap3A_365], %swap3A_368 {strides = array<i32>} : memref<128xi32, #tpu.memory_space<vmem>>, vector<16xi32>,
      %get3A_369 = arith.index_cast %add3A_332 : i32 to index
      %get3A_370 = arith.constant 32 : index
      %get3A_371 = tpu.vector_load %arg6[%get3A_369, %get3A_370] {strides = array<i32>} : memref<80x128xi32, #tpu.memory_space<vmem>>, vector<1x16xi32>,
      %get3A_372 = vector.shape_cast %get3A_371 : vector<1x16xi32> to vector<16xi32>
      %and3A_373 = arith.constant 16383 : i32
      %and3A_374 = vector.broadcast %and3A_373 : i32 to vector<16xi32>
      %and3A_375 = arith.andi %get3A_372, %and3A_374 : vector<16xi32>
      %swap3A_376 = arith.constant 32 : index
      %swap3A_377 = tpu.vector_load %arg7[%swap3A_376] {strides = array<i32>} : memref<128xi32, #tpu.memory_space<vmem>>, vector<16xi32>,
      %swap3A_378 = vector.shape_cast %swap3A_377 : vector<16xi32> to vector<16xi32>
      %swap3A_379 = vector.shape_cast %and3A_375 : vector<16xi32> to vector<16xi32>
      tpu.vector_store %arg7[%swap3A_376], %swap3A_379 {strides = array<i32>} : memref<128xi32, #tpu.memory_space<vmem>>, vector<16xi32>,
      %shift_right_arithmetic3A_380 = arith.constant 14 : i32
      %shift_right_arithmetic3A_381 = vector.broadcast %shift_right_arithmetic3A_380 : i32 to vector<16xi32>
      %shift_right_arithmetic3A_382 = arith.shrsi %get3A_372, %shift_right_arithmetic3A_381 : vector<16xi32>
      %swap3A_383 = arith.constant 32 : index
      %swap3A_384 = tpu.vector_load %arg9[%swap3A_383] {strides = array<i32>} : memref<128xi32, #tpu.memory_space<vmem>>, vector<16xi32>,
      %swap3A_385 = vector.shape_cast %swap3A_384 : vector<16xi32> to vector<16xi32>
      %swap3A_386 = vector.shape_cast %shift_right_arithmetic3A_382 : vector<16xi32> to vector<16xi32>
      tpu.vector_store %arg9[%swap3A_383], %swap3A_386 {strides = array<i32>} : memref<128xi32, #tpu.memory_space<vmem>>, vector<16xi32>,
      %get3A_387 = arith.index_cast %add3A_332 : i32 to index
      %get3A_388 = arith.constant 48 : index
      %get3A_389 = tpu.vector_load %arg6[%get3A_387, %get3A_388] {strides = array<i32>} : memref<80x128xi32, #tpu.memory_space<vmem>>, vector<1x16xi32>,
      %get3A_390 = vector.shape_cast %get3A_389 : vector<1x16xi32> to vector<16xi32>
      %and3A_391 = arith.constant 16383 : i32
      %and3A_392 = vector.broadcast %and3A_391 : i32 to vector<16xi32>
      %and3A_393 = arith.andi %get3A_390, %and3A_392 : vector<16xi32>
      %swap3A_394 = arith.constant 48 : index
      %swap3A_395 = tpu.vector_load %arg7[%swap3A_394] {strides = array<i32>} : memref<128xi32, #tpu.memory_space<vmem>>, vector<16xi32>,
      %swap3A_396 = vector.shape_cast %swap3A_395 : vector<16xi32> to vector<16xi32>
      %swap3A_397 = vector.shape_cast %and3A_393 : vector<16xi32> to vector<16xi32>
      tpu.vector_store %arg7[%swap3A_394], %swap3A_397 {strides = array<i32>} : memref<128xi32, #tpu.memory_space<vmem>>, vector<16xi32>,
      %shift_right_arithmetic3A_398 = arith.constant 14 : i32
      %shift_right_arithmetic3A_399 = vector.broadcast %shift_right_arithmetic3A_398 : i32 to vector<16xi32>
      %shift_right_arithmetic3A_400 = arith.shrsi %get3A_390, %shift_right_arithmetic3A_399 : vector<16xi32>
      %swap3A_401 = arith.constant 48 : index
      %swap3A_402 = tpu.vector_load %arg9[%swap3A_401] {strides = array<i32>} : memref<128xi32, #tpu.memory_space<vmem>>, vector<16xi32>,
      %swap3A_403 = vector.shape_cast %swap3A_402 : vector<16xi32> to vector<16xi32>
      %swap3A_404 = vector.shape_cast %shift_right_arithmetic3A_400 : vector<16xi32> to vector<16xi32>
      tpu.vector_store %arg9[%swap3A_401], %swap3A_404 {strides = array<i32>} : memref<128xi32, #tpu.memory_space<vmem>>, vector<16xi32>,
      %get3A_405 = arith.index_cast %add3A_332 : i32 to index
      %get3A_406 = arith.constant 64 : index
      %get3A_407 = tpu.vector_load %arg6[%get3A_405, %get3A_406] {strides = array<i32>} : memref<80x128xi32, #tpu.memory_space<vmem>>, vector<1x16xi32>,
      %get3A_408 = vector.shape_cast %get3A_407 : vector<1x16xi32> to vector<16xi32>
      %and3A_409 = arith.constant 16383 : i32
      %and3A_410 = vector.broadcast %and3A_409 : i32 to vector<16xi32>
      %and3A_411 = arith.andi %get3A_408, %and3A_410 : vector<16xi32>
      %swap3A_412 = arith.constant 64 : index
      %swap3A_413 = tpu.vector_load %arg7[%swap3A_412] {strides = array<i32>} : memref<128xi32, #tpu.memory_space<vmem>>, vector<16xi32>,
      %swap3A_414 = vector.shape_cast %swap3A_413 : vector<16xi32> to vector<16xi32>
      %swap3A_415 = vector.shape_cast %and3A_411 : vector<16xi32> to vector<16xi32>
      tpu.vector_store %arg7[%swap3A_412], %swap3A_415 {strides = array<i32>} : memref<128xi32, #tpu.memory_space<vmem>>, vector<16xi32>,
      %shift_right_arithmetic3A_416 = arith.constant 14 : i32
      %shift_right_arithmetic3A_417 = vector.broadcast %shift_right_arithmetic3A_416 : i32 to vector<16xi32>
      %shift_right_arithmetic3A_418 = arith.shrsi %get3A_408, %shift_right_arithmetic3A_417 : vector<16xi32>
      %swap3A_419 = arith.constant 64 : index
      %swap3A_420 = tpu.vector_load %arg9[%swap3A_419] {strides = array<i32>} : memref<128xi32, #tpu.memory_space<vmem>>, vector<16xi32>,
      %swap3A_421 = vector.shape_cast %swap3A_420 : vector<16xi32> to vector<16xi32>
      %swap3A_422 = vector.shape_cast %shift_right_arithmetic3A_418 : vector<16xi32> to vector<16xi32>
      tpu.vector_store %arg9[%swap3A_419], %swap3A_422 {strides = array<i32>} : memref<128xi32, #tpu.memory_space<vmem>>, vector<16xi32>,
      %get3A_423 = arith.index_cast %add3A_332 : i32 to index
      %get3A_424 = arith.constant 80 : index
      %get3A_425 = tpu.vector_load %arg6[%get3A_423, %get3A_424] {strides = array<i32>} : memref<80x128xi32, #tpu.memory_space<vmem>>, vector<1x16xi32>,
      %get3A_426 = vector.shape_cast %get3A_425 : vector<1x16xi32> to vector<16xi32>
      %and3A_427 = arith.constant 16383 : i32
      %and3A_428 = vector.broadcast %and3A_427 : i32 to vector<16xi32>
      %and3A_429 = arith.andi %get3A_426, %and3A_428 : vector<16xi32>
      %swap3A_430 = arith.constant 80 : index
      %swap3A_431 = tpu.vector_load %arg7[%swap3A_430] {strides = array<i32>} : memref<128xi32, #tpu.memory_space<vmem>>, vector<16xi32>,
      %swap3A_432 = vector.shape_cast %swap3A_431 : vector<16xi32> to vector<16xi32>
      %swap3A_433 = vector.shape_cast %and3A_429 : vector<16xi32> to vector<16xi32>
      tpu.vector_store %arg7[%swap3A_430], %swap3A_433 {strides = array<i32>} : memref<128xi32, #tpu.memory_space<vmem>>, vector<16xi32>,
      %shift_right_arithmetic3A_434 = arith.constant 14 : i32
      %shift_right_arithmetic3A_435 = vector.broadcast %shift_right_arithmetic3A_434 : i32 to vector<16xi32>
      %shift_right_arithmetic3A_436 = arith.shrsi %get3A_426, %shift_right_arithmetic3A_435 : vector<16xi32>
      %swap3A_437 = arith.constant 80 : index
      %swap3A_438 = tpu.vector_load %arg9[%swap3A_437] {strides = array<i32>} : memref<128xi32, #tpu.memory_space<vmem>>, vector<16xi32>,
      %swap3A_439 = vector.shape_cast %swap3A_438 : vector<16xi32> to vector<16xi32>
      %swap3A_440 = vector.shape_cast %shift_right_arithmetic3A_436 : vector<16xi32> to vector<16xi32>
      tpu.vector_store %arg9[%swap3A_437], %swap3A_440 {strides = array<i32>} : memref<128xi32, #tpu.memory_space<vmem>>, vector<16xi32>,
      %get3A_441 = arith.index_cast %add3A_332 : i32 to index
      %get3A_442 = arith.constant 96 : index
      %get3A_443 = tpu.vector_load %arg6[%get3A_441, %get3A_442] {strides = array<i32>} : memref<80x128xi32, #tpu.memory_space<vmem>>, vector<1x16xi32>,
      %get3A_444 = vector.shape_cast %get3A_443 : vector<1x16xi32> to vector<16xi32>
      %and3A_445 = arith.constant 16383 : i32
      %and3A_446 = vector.broadcast %and3A_445 : i32 to vector<16xi32>
      %and3A_447 = arith.andi %get3A_444, %and3A_446 : vector<16xi32>
      %swap3A_448 = arith.constant 96 : index
      %swap3A_449 = tpu.vector_load %arg7[%swap3A_448] {strides = array<i32>} : memref<128xi32, #tpu.memory_space<vmem>>, vector<16xi32>,
      %swap3A_450 = vector.shape_cast %swap3A_449 : vector<16xi32> to vector<16xi32>
      %swap3A_451 = vector.shape_cast %and3A_447 : vector<16xi32> to vector<16xi32>
      tpu.vector_store %arg7[%swap3A_448], %swap3A_451 {strides = array<i32>} : memref<128xi32, #tpu.memory_space<vmem>>, vector<16xi32>,
      %shift_right_arithmetic3A_452 = arith.constant 14 : i32
      %shift_right_arithmetic3A_453 = vector.broadcast %shift_right_arithmetic3A_452 : i32 to vector<16xi32>
      %shift_right_arithmetic3A_454 = arith.shrsi %get3A_444, %shift_right_arithmetic3A_453 : vector<16xi32>
      %swap3A_455 = arith.constant 96 : index
      %swap3A_456 = tpu.vector_load %arg9[%swap3A_455] {strides = array<i32>} : memref<128xi32, #tpu.memory_space<vmem>>, vector<16xi32>,
      %swap3A_457 = vector.shape_cast %swap3A_456 : vector<16xi32> to vector<16xi32>
      %swap3A_458 = vector.shape_cast %shift_right_arithmetic3A_454 : vector<16xi32> to vector<16xi32>
      tpu.vector_store %arg9[%swap3A_455], %swap3A_458 {strides = array<i32>} : memref<128xi32, #tpu.memory_space<vmem>>, vector<16xi32>,
      %get3A_459 = arith.index_cast %add3A_332 : i32 to index
      %get3A_460 = arith.constant 112 : index
      %get3A_461 = tpu.vector_load %arg6[%get3A_459, %get3A_460] {strides = array<i32>} : memref<80x128xi32, #tpu.memory_space<vmem>>, vector<1x16xi32>,
      %get3A_462 = vector.shape_cast %get3A_461 : vector<1x16xi32> to vector<16xi32>
      %and3A_463 = arith.constant 16383 : i32
      %and3A_464 = vector.broadcast %and3A_463 : i32 to vector<16xi32>
      %and3A_465 = arith.andi %get3A_462, %and3A_464 : vector<16xi32>
      %swap3A_466 = arith.constant 112 : index
      %swap3A_467 = tpu.vector_load %arg7[%swap3A_466] {strides = array<i32>} : memref<128xi32, #tpu.memory_space<vmem>>, vector<16xi32>,
      %swap3A_468 = vector.shape_cast %swap3A_467 : vector<16xi32> to vector<16xi32>
      %swap3A_469 = vector.shape_cast %and3A_465 : vector<16xi32> to vector<16xi32>
      tpu.vector_store %arg7[%swap3A_466], %swap3A_469 {strides = array<i32>} : memref<128xi32, #tpu.memory_space<vmem>>, vector<16xi32>,
      %shift_right_arithmetic3A_470 = arith.constant 14 : i32
      %shift_right_arithmetic3A_471 = vector.broadcast %shift_right_arithmetic3A_470 : i32 to vector<16xi32>
      %shift_right_arithmetic3A_472 = arith.shrsi %get3A_462, %shift_right_arithmetic3A_471 : vector<16xi32>
      %swap3A_473 = arith.constant 112 : index
      %swap3A_474 = tpu.vector_load %arg9[%swap3A_473] {strides = array<i32>} : memref<128xi32, #tpu.memory_space<vmem>>, vector<16xi32>,
      %swap3A_475 = vector.shape_cast %swap3A_474 : vector<16xi32> to vector<16xi32>
      %swap3A_476 = vector.shape_cast %shift_right_arithmetic3A_472 : vector<16xi32> to vector<16xi32>
      tpu.vector_store %arg9[%swap3A_473], %swap3A_476 {strides = array<i32>} : memref<128xi32, #tpu.memory_space<vmem>>, vector<16xi32>,
      %dma_start3A_477 = arith.constant 0 : i32
      %dma_start3A_478 = arith.constant 0 : i32
      %dma_start3A_479 = tpu.memref_slice %arg2[%dma_start3A_477, %dma_start3A_478] : memref<10240x128xf32, #tpu.memory_space<hbm>> -> memref<10240x128xf32, #tpu.memory_space<hbm>>
      tpu.enqueue_indirect_dma source(%dma_start3A_479 : memref<10240x128xf32, #tpu.memory_space<hbm>>) target(%arg11 : memref<128x128xf32, #tpu.memory_space<vmem>>) offsets(%arg7 : memref<128xi32, #tpu.memory_space<vmem>>) semaphore(%arg14 : memref<!tpu.dma_semaphore, #tpu.memory_space<semaphore_mem>>)
      %dma_wait3A_480 = arith.constant 0 : i32
      %dma_wait3A_481 = arith.constant 0 : i32
      %dma_wait3A_482 = tpu.memref_slice %arg2[%dma_wait3A_480, %dma_wait3A_481] : memref<10240x128xf32, #tpu.memory_space<hbm>> -> memref<10240x128xf32, #tpu.memory_space<hbm>>
      tpu.wait_indirect_dma semaphore(%arg15 : memref<!tpu.dma_semaphore, #tpu.memory_space<semaphore_mem>>) src(%dma_wait3A_482 : memref<10240x128xf32, #tpu.memory_space<hbm>>) dst(%arg12 : memref<128x128xf32, #tpu.memory_space<vmem>>)
      "tpu.region"() ({
        %run_scoped3A = tpu.sem_alloc : memref<!tpu.dma_semaphore, #tpu.memory_space<semaphore_mem>>
        %dma_start3A_632 = arith.constant 0 : i32
        %dma_start3A_633 = arith.constant 0 : i32
        %dma_start3A_634 = tpu.memref_slice %arg13[%dma_start3A_632, %dma_start3A_633] : memref<10240x128xf32, #tpu.memory_space<vmem_shared>> -> memref<10240x128xf32, #tpu.memory_space<vmem_shared>>
        tpu.enqueue_indirect_dma source(%arg12 : memref<128x128xf32, #tpu.memory_space<vmem>>) target(%dma_start3A_634 : memref<10240x128xf32, #tpu.memory_space<vmem_shared>>) offsets(%arg10 : memref<128xi32, #tpu.memory_space<vmem>>) semaphore(%run_scoped3A : memref<!tpu.dma_semaphore, #tpu.memory_space<semaphore_mem>>) {add = true}
        %dma_wait3A_635 = arith.constant 0 : i32
        %dma_wait3A_636 = arith.constant 0 : i32
        %dma_wait3A_637 = tpu.memref_slice %arg13[%dma_wait3A_635, %dma_wait3A_636] : memref<10240x128xf32, #tpu.memory_space<vmem_shared>> -> memref<10240x128xf32, #tpu.memory_space<vmem_shared>>
        tpu.wait_indirect_dma semaphore(%run_scoped3A : memref<!tpu.dma_semaphore, #tpu.memory_space<semaphore_mem>>) src(%arg12 : memref<128x128xf32, #tpu.memory_space<vmem>>) dst(%dma_wait3A_637 : memref<10240x128xf32, #tpu.memory_space<vmem_shared>>)
        tpu.yield
      }) : () -> ()
      %add3A_483 = arith.constant 3 : i32
      %add3A_484 = arith.addi %mul3A_327, %add3A_483 : i32
      %get3A_485 = arith.index_cast %add3A_484 : i32 to index
      %get3A_486 = arith.constant 0 : index
      %get3A_487 = tpu.vector_load %arg6[%get3A_485, %get3A_486] {strides = array<i32>} : memref<80x128xi32, #tpu.memory_space<vmem>>, vector<1x16xi32>,
      %get3A_488 = vector.shape_cast %get3A_487 : vector<1x16xi32> to vector<16xi32>
      %and3A_489 = arith.constant 16383 : i32
      %and3A_490 = vector.broadcast %and3A_489 : i32 to vector<16xi32>
      %and3A_491 = arith.andi %get3A_488, %and3A_490 : vector<16xi32>
      %swap3A_492 = arith.constant 0 : index
      %swap3A_493 = tpu.vector_load %arg8[%swap3A_492] {strides = array<i32>} : memref<128xi32, #tpu.memory_space<vmem>>, vector<16xi32>,
      %swap3A_494 = vector.shape_cast %swap3A_493 : vector<16xi32> to vector<16xi32>
      %swap3A_495 = vector.shape_cast %and3A_491 : vector<16xi32> to vector<16xi32>
      tpu.vector_store %arg8[%swap3A_492], %swap3A_495 {strides = array<i32>} : memref<128xi32, #tpu.memory_space<vmem>>, vector<16xi32>,
      %shift_right_arithmetic3A_496 = arith.constant 14 : i32
      %shift_right_arithmetic3A_497 = vector.broadcast %shift_right_arithmetic3A_496 : i32 to vector<16xi32>
      %shift_right_arithmetic3A_498 = arith.shrsi %get3A_488, %shift_right_arithmetic3A_497 : vector<16xi32>
      %swap3A_499 = arith.constant 0 : index
      %swap3A_500 = tpu.vector_load %arg10[%swap3A_499] {strides = array<i32>} : memref<128xi32, #tpu.memory_space<vmem>>, vector<16xi32>,
      %swap3A_501 = vector.shape_cast %swap3A_500 : vector<16xi32> to vector<16xi32>
      %swap3A_502 = vector.shape_cast %shift_right_arithmetic3A_498 : vector<16xi32> to vector<16xi32>
      tpu.vector_store %arg10[%swap3A_499], %swap3A_502 {strides = array<i32>} : memref<128xi32, #tpu.memory_space<vmem>>, vector<16xi32>,
      %get3A_503 = arith.index_cast %add3A_484 : i32 to index
      %get3A_504 = arith.constant 16 : index
      %get3A_505 = tpu.vector_load %arg6[%get3A_503, %get3A_504] {strides = array<i32>} : memref<80x128xi32, #tpu.memory_space<vmem>>, vector<1x16xi32>,
      %get3A_506 = vector.shape_cast %get3A_505 : vector<1x16xi32> to vector<16xi32>
      %and3A_507 = arith.constant 16383 : i32
      %and3A_508 = vector.broadcast %and3A_507 : i32 to vector<16xi32>
      %and3A_509 = arith.andi %get3A_506, %and3A_508 : vector<16xi32>
      %swap3A_510 = arith.constant 16 : index
      %swap3A_511 = tpu.vector_load %arg8[%swap3A_510] {strides = array<i32>} : memref<128xi32, #tpu.memory_space<vmem>>, vector<16xi32>,
      %swap3A_512 = vector.shape_cast %swap3A_511 : vector<16xi32> to vector<16xi32>
      %swap3A_513 = vector.shape_cast %and3A_509 : vector<16xi32> to vector<16xi32>
      tpu.vector_store %arg8[%swap3A_510], %swap3A_513 {strides = array<i32>} : memref<128xi32, #tpu.memory_space<vmem>>, vector<16xi32>,
      %shift_right_arithmetic3A_514 = arith.constant 14 : i32
      %shift_right_arithmetic3A_515 = vector.broadcast %shift_right_arithmetic3A_514 : i32 to vector<16xi32>
      %shift_right_arithmetic3A_516 = arith.shrsi %get3A_506, %shift_right_arithmetic3A_515 : vector<16xi32>
      %swap3A_517 = arith.constant 16 : index
      %swap3A_518 = tpu.vector_load %arg10[%swap3A_517] {strides = array<i32>} : memref<128xi32, #tpu.memory_space<vmem>>, vector<16xi32>,
      %swap3A_519 = vector.shape_cast %swap3A_518 : vector<16xi32> to vector<16xi32>
      %swap3A_520 = vector.shape_cast %shift_right_arithmetic3A_516 : vector<16xi32> to vector<16xi32>
      tpu.vector_store %arg10[%swap3A_517], %swap3A_520 {strides = array<i32>} : memref<128xi32, #tpu.memory_space<vmem>>, vector<16xi32>,
      %get3A_521 = arith.index_cast %add3A_484 : i32 to index
      %get3A_522 = arith.constant 32 : index
      %get3A_523 = tpu.vector_load %arg6[%get3A_521, %get3A_522] {strides = array<i32>} : memref<80x128xi32, #tpu.memory_space<vmem>>, vector<1x16xi32>,
      %get3A_524 = vector.shape_cast %get3A_523 : vector<1x16xi32> to vector<16xi32>
      %and3A_525 = arith.constant 16383 : i32
      %and3A_526 = vector.broadcast %and3A_525 : i32 to vector<16xi32>
      %and3A_527 = arith.andi %get3A_524, %and3A_526 : vector<16xi32>
      %swap3A_528 = arith.constant 32 : index
      %swap3A_529 = tpu.vector_load %arg8[%swap3A_528] {strides = array<i32>} : memref<128xi32, #tpu.memory_space<vmem>>, vector<16xi32>,
      %swap3A_530 = vector.shape_cast %swap3A_529 : vector<16xi32> to vector<16xi32>
      %swap3A_531 = vector.shape_cast %and3A_527 : vector<16xi32> to vector<16xi32>
      tpu.vector_store %arg8[%swap3A_528], %swap3A_531 {strides = array<i32>} : memref<128xi32, #tpu.memory_space<vmem>>, vector<16xi32>,
      %shift_right_arithmetic3A_532 = arith.constant 14 : i32
      %shift_right_arithmetic3A_533 = vector.broadcast %shift_right_arithmetic3A_532 : i32 to vector<16xi32>
      %shift_right_arithmetic3A_534 = arith.shrsi %get3A_524, %shift_right_arithmetic3A_533 : vector<16xi32>
      %swap3A_535 = arith.constant 32 : index
      %swap3A_536 = tpu.vector_load %arg10[%swap3A_535] {strides = array<i32>} : memref<128xi32, #tpu.memory_space<vmem>>, vector<16xi32>,
      %swap3A_537 = vector.shape_cast %swap3A_536 : vector<16xi32> to vector<16xi32>
      %swap3A_538 = vector.shape_cast %shift_right_arithmetic3A_534 : vector<16xi32> to vector<16xi32>
      tpu.vector_store %arg10[%swap3A_535], %swap3A_538 {strides = array<i32>} : memref<128xi32, #tpu.memory_space<vmem>>, vector<16xi32>,
      %get3A_539 = arith.index_cast %add3A_484 : i32 to index
      %get3A_540 = arith.constant 48 : index
      %get3A_541 = tpu.vector_load %arg6[%get3A_539, %get3A_540] {strides = array<i32>} : memref<80x128xi32, #tpu.memory_space<vmem>>, vector<1x16xi32>,
      %get3A_542 = vector.shape_cast %get3A_541 : vector<1x16xi32> to vector<16xi32>
      %and3A_543 = arith.constant 16383 : i32
      %and3A_544 = vector.broadcast %and3A_543 : i32 to vector<16xi32>
      %and3A_545 = arith.andi %get3A_542, %and3A_544 : vector<16xi32>
      %swap3A_546 = arith.constant 48 : index
      %swap3A_547 = tpu.vector_load %arg8[%swap3A_546] {strides = array<i32>} : memref<128xi32, #tpu.memory_space<vmem>>, vector<16xi32>,
      %swap3A_548 = vector.shape_cast %swap3A_547 : vector<16xi32> to vector<16xi32>
      %swap3A_549 = vector.shape_cast %and3A_545 : vector<16xi32> to vector<16xi32>
      tpu.vector_store %arg8[%swap3A_546], %swap3A_549 {strides = array<i32>} : memref<128xi32, #tpu.memory_space<vmem>>, vector<16xi32>,
      %shift_right_arithmetic3A_550 = arith.constant 14 : i32
      %shift_right_arithmetic3A_551 = vector.broadcast %shift_right_arithmetic3A_550 : i32 to vector<16xi32>
      %shift_right_arithmetic3A_552 = arith.shrsi %get3A_542, %shift_right_arithmetic3A_551 : vector<16xi32>
      %swap3A_553 = arith.constant 48 : index
      %swap3A_554 = tpu.vector_load %arg10[%swap3A_553] {strides = array<i32>} : memref<128xi32, #tpu.memory_space<vmem>>, vector<16xi32>,
      %swap3A_555 = vector.shape_cast %swap3A_554 : vector<16xi32> to vector<16xi32>
      %swap3A_556 = vector.shape_cast %shift_right_arithmetic3A_552 : vector<16xi32> to vector<16xi32>
      tpu.vector_store %arg10[%swap3A_553], %swap3A_556 {strides = array<i32>} : memref<128xi32, #tpu.memory_space<vmem>>, vector<16xi32>,
      %get3A_557 = arith.index_cast %add3A_484 : i32 to index
      %get3A_558 = arith.constant 64 : index
      %get3A_559 = tpu.vector_load %arg6[%get3A_557, %get3A_558] {strides = array<i32>} : memref<80x128xi32, #tpu.memory_space<vmem>>, vector<1x16xi32>,
      %get3A_560 = vector.shape_cast %get3A_559 : vector<1x16xi32> to vector<16xi32>
      %and3A_561 = arith.constant 16383 : i32
      %and3A_562 = vector.broadcast %and3A_561 : i32 to vector<16xi32>
      %and3A_563 = arith.andi %get3A_560, %and3A_562 : vector<16xi32>
      %swap3A_564 = arith.constant 64 : index
      %swap3A_565 = tpu.vector_load %arg8[%swap3A_564] {strides = array<i32>} : memref<128xi32, #tpu.memory_space<vmem>>, vector<16xi32>,
      %swap3A_566 = vector.shape_cast %swap3A_565 : vector<16xi32> to vector<16xi32>
      %swap3A_567 = vector.shape_cast %and3A_563 : vector<16xi32> to vector<16xi32>
      tpu.vector_store %arg8[%swap3A_564], %swap3A_567 {strides = array<i32>} : memref<128xi32, #tpu.memory_space<vmem>>, vector<16xi32>,
      %shift_right_arithmetic3A_568 = arith.constant 14 : i32
      %shift_right_arithmetic3A_569 = vector.broadcast %shift_right_arithmetic3A_568 : i32 to vector<16xi32>
      %shift_right_arithmetic3A_570 = arith.shrsi %get3A_560, %shift_right_arithmetic3A_569 : vector<16xi32>
      %swap3A_571 = arith.constant 64 : index
      %swap3A_572 = tpu.vector_load %arg10[%swap3A_571] {strides = array<i32>} : memref<128xi32, #tpu.memory_space<vmem>>, vector<16xi32>,
      %swap3A_573 = vector.shape_cast %swap3A_572 : vector<16xi32> to vector<16xi32>
      %swap3A_574 = vector.shape_cast %shift_right_arithmetic3A_570 : vector<16xi32> to vector<16xi32>
      tpu.vector_store %arg10[%swap3A_571], %swap3A_574 {strides = array<i32>} : memref<128xi32, #tpu.memory_space<vmem>>, vector<16xi32>,
      %get3A_575 = arith.index_cast %add3A_484 : i32 to index
      %get3A_576 = arith.constant 80 : index
      %get3A_577 = tpu.vector_load %arg6[%get3A_575, %get3A_576] {strides = array<i32>} : memref<80x128xi32, #tpu.memory_space<vmem>>, vector<1x16xi32>,
      %get3A_578 = vector.shape_cast %get3A_577 : vector<1x16xi32> to vector<16xi32>
      %and3A_579 = arith.constant 16383 : i32
      %and3A_580 = vector.broadcast %and3A_579 : i32 to vector<16xi32>
      %and3A_581 = arith.andi %get3A_578, %and3A_580 : vector<16xi32>
      %swap3A_582 = arith.constant 80 : index
      %swap3A_583 = tpu.vector_load %arg8[%swap3A_582] {strides = array<i32>} : memref<128xi32, #tpu.memory_space<vmem>>, vector<16xi32>,
      %swap3A_584 = vector.shape_cast %swap3A_583 : vector<16xi32> to vector<16xi32>
      %swap3A_585 = vector.shape_cast %and3A_581 : vector<16xi32> to vector<16xi32>
      tpu.vector_store %arg8[%swap3A_582], %swap3A_585 {strides = array<i32>} : memref<128xi32, #tpu.memory_space<vmem>>, vector<16xi32>,
      %shift_right_arithmetic3A_586 = arith.constant 14 : i32
      %shift_right_arithmetic3A_587 = vector.broadcast %shift_right_arithmetic3A_586 : i32 to vector<16xi32>
      %shift_right_arithmetic3A_588 = arith.shrsi %get3A_578, %shift_right_arithmetic3A_587 : vector<16xi32>
      %swap3A_589 = arith.constant 80 : index
      %swap3A_590 = tpu.vector_load %arg10[%swap3A_589] {strides = array<i32>} : memref<128xi32, #tpu.memory_space<vmem>>, vector<16xi32>,
      %swap3A_591 = vector.shape_cast %swap3A_590 : vector<16xi32> to vector<16xi32>
      %swap3A_592 = vector.shape_cast %shift_right_arithmetic3A_588 : vector<16xi32> to vector<16xi32>
      tpu.vector_store %arg10[%swap3A_589], %swap3A_592 {strides = array<i32>} : memref<128xi32, #tpu.memory_space<vmem>>, vector<16xi32>,
      %get3A_593 = arith.index_cast %add3A_484 : i32 to index
      %get3A_594 = arith.constant 96 : index
      %get3A_595 = tpu.vector_load %arg6[%get3A_593, %get3A_594] {strides = array<i32>} : memref<80x128xi32, #tpu.memory_space<vmem>>, vector<1x16xi32>,
      %get3A_596 = vector.shape_cast %get3A_595 : vector<1x16xi32> to vector<16xi32>
      %and3A_597 = arith.constant 16383 : i32
      %and3A_598 = vector.broadcast %and3A_597 : i32 to vector<16xi32>
      %and3A_599 = arith.andi %get3A_596, %and3A_598 : vector<16xi32>
      %swap3A_600 = arith.constant 96 : index
      %swap3A_601 = tpu.vector_load %arg8[%swap3A_600] {strides = array<i32>} : memref<128xi32, #tpu.memory_space<vmem>>, vector<16xi32>,
      %swap3A_602 = vector.shape_cast %swap3A_601 : vector<16xi32> to vector<16xi32>
      %swap3A_603 = vector.shape_cast %and3A_599 : vector<16xi32> to vector<16xi32>
      tpu.vector_store %arg8[%swap3A_600], %swap3A_603 {strides = array<i32>} : memref<128xi32, #tpu.memory_space<vmem>>, vector<16xi32>,
      %shift_right_arithmetic3A_604 = arith.constant 14 : i32
      %shift_right_arithmetic3A_605 = vector.broadcast %shift_right_arithmetic3A_604 : i32 to vector<16xi32>
      %shift_right_arithmetic3A_606 = arith.shrsi %get3A_596, %shift_right_arithmetic3A_605 : vector<16xi32>
      %swap3A_607 = arith.constant 96 : index
      %swap3A_608 = tpu.vector_load %arg10[%swap3A_607] {strides = array<i32>} : memref<128xi32, #tpu.memory_space<vmem>>, vector<16xi32>,
      %swap3A_609 = vector.shape_cast %swap3A_608 : vector<16xi32> to vector<16xi32>
      %swap3A_610 = vector.shape_cast %shift_right_arithmetic3A_606 : vector<16xi32> to vector<16xi32>
      tpu.vector_store %arg10[%swap3A_607], %swap3A_610 {strides = array<i32>} : memref<128xi32, #tpu.memory_space<vmem>>, vector<16xi32>,
      %get3A_611 = arith.index_cast %add3A_484 : i32 to index
      %get3A_612 = arith.constant 112 : index
      %get3A_613 = tpu.vector_load %arg6[%get3A_611, %get3A_612] {strides = array<i32>} : memref<80x128xi32, #tpu.memory_space<vmem>>, vector<1x16xi32>,
      %get3A_614 = vector.shape_cast %get3A_613 : vector<1x16xi32> to vector<16xi32>
      %and3A_615 = arith.constant 16383 : i32
      %and3A_616 = vector.broadcast %and3A_615 : i32 to vector<16xi32>
      %and3A_617 = arith.andi %get3A_614, %and3A_616 : vector<16xi32>
      %swap3A_618 = arith.constant 112 : index
      %swap3A_619 = tpu.vector_load %arg8[%swap3A_618] {strides = array<i32>} : memref<128xi32, #tpu.memory_space<vmem>>, vector<16xi32>,
      %swap3A_620 = vector.shape_cast %swap3A_619 : vector<16xi32> to vector<16xi32>
      %swap3A_621 = vector.shape_cast %and3A_617 : vector<16xi32> to vector<16xi32>
      tpu.vector_store %arg8[%swap3A_618], %swap3A_621 {strides = array<i32>} : memref<128xi32, #tpu.memory_space<vmem>>, vector<16xi32>,
      %shift_right_arithmetic3A_622 = arith.constant 14 : i32
      %shift_right_arithmetic3A_623 = vector.broadcast %shift_right_arithmetic3A_622 : i32 to vector<16xi32>
      %shift_right_arithmetic3A_624 = arith.shrsi %get3A_614, %shift_right_arithmetic3A_623 : vector<16xi32>
      %swap3A_625 = arith.constant 112 : index
      %swap3A_626 = tpu.vector_load %arg10[%swap3A_625] {strides = array<i32>} : memref<128xi32, #tpu.memory_space<vmem>>, vector<16xi32>,
      %swap3A_627 = vector.shape_cast %swap3A_626 : vector<16xi32> to vector<16xi32>
      %swap3A_628 = vector.shape_cast %shift_right_arithmetic3A_624 : vector<16xi32> to vector<16xi32>
      tpu.vector_store %arg10[%swap3A_625], %swap3A_628 {strides = array<i32>} : memref<128xi32, #tpu.memory_space<vmem>>, vector<16xi32>,
      %dma_start3A_629 = arith.constant 0 : i32
      %dma_start3A_630 = arith.constant 0 : i32
      %dma_start3A_631 = tpu.memref_slice %arg2[%dma_start3A_629, %dma_start3A_630] : memref<10240x128xf32, #tpu.memory_space<hbm>> -> memref<10240x128xf32, #tpu.memory_space<hbm>>
      tpu.enqueue_indirect_dma source(%dma_start3A_631 : memref<10240x128xf32, #tpu.memory_space<hbm>>) target(%arg12 : memref<128x128xf32, #tpu.memory_space<vmem>>) offsets(%arg8 : memref<128xi32, #tpu.memory_space<vmem>>) semaphore(%arg15 : memref<!tpu.dma_semaphore, #tpu.memory_space<semaphore_mem>>)
    }
    %scan3A_316 = arith.constant 39 : i32
    %dma_wait3A = arith.constant 0 : i32
    %dma_wait3A_317 = arith.constant 0 : i32
    %dma_wait3A_318 = tpu.memref_slice %arg2[%dma_wait3A, %dma_wait3A_317] : memref<10240x128xf32, #tpu.memory_space<hbm>> -> memref<10240x128xf32, #tpu.memory_space<hbm>>
    tpu.wait_indirect_dma semaphore(%arg14 : memref<!tpu.dma_semaphore, #tpu.memory_space<semaphore_mem>>) src(%dma_wait3A_318 : memref<10240x128xf32, #tpu.memory_space<hbm>>) dst(%arg11 : memref<128x128xf32, #tpu.memory_space<vmem>>)
    "tpu.region"() ({
      %run_scoped3A = tpu.sem_alloc : memref<!tpu.dma_semaphore, #tpu.memory_space<semaphore_mem>>
      %dma_start3A_325 = arith.constant 0 : i32
      %dma_start3A_326 = arith.constant 0 : i32
      %dma_start3A_327 = tpu.memref_slice %arg13[%dma_start3A_325, %dma_start3A_326] : memref<10240x128xf32, #tpu.memory_space<vmem_shared>> -> memref<10240x128xf32, #tpu.memory_space<vmem_shared>>
      tpu.enqueue_indirect_dma source(%arg11 : memref<128x128xf32, #tpu.memory_space<vmem>>) target(%dma_start3A_327 : memref<10240x128xf32, #tpu.memory_space<vmem_shared>>) offsets(%arg9 : memref<128xi32, #tpu.memory_space<vmem>>) semaphore(%run_scoped3A : memref<!tpu.dma_semaphore, #tpu.memory_space<semaphore_mem>>) {add = true}
      %dma_wait3A_328 = arith.constant 0 : i32
      %dma_wait3A_329 = arith.constant 0 : i32
      %dma_wait3A_330 = tpu.memref_slice %arg13[%dma_wait3A_328, %dma_wait3A_329] : memref<10240x128xf32, #tpu.memory_space<vmem_shared>> -> memref<10240x128xf32, #tpu.memory_space<vmem_shared>>
      tpu.wait_indirect_dma semaphore(%run_scoped3A : memref<!tpu.dma_semaphore, #tpu.memory_space<semaphore_mem>>) src(%arg11 : memref<128x128xf32, #tpu.memory_space<vmem>>) dst(%dma_wait3A_330 : memref<10240x128xf32, #tpu.memory_space<vmem_shared>>)
      tpu.yield
    }) : () -> ()
    %dma_wait3A_319 = arith.constant 0 : i32
    %dma_wait3A_320 = arith.constant 0 : i32
    %dma_wait3A_321 = tpu.memref_slice %arg2[%dma_wait3A_319, %dma_wait3A_320] : memref<10240x128xf32, #tpu.memory_space<hbm>> -> memref<10240x128xf32, #tpu.memory_space<hbm>>
    tpu.wait_indirect_dma semaphore(%arg15 : memref<!tpu.dma_semaphore, #tpu.memory_space<semaphore_mem>>) src(%dma_wait3A_321 : memref<10240x128xf32, #tpu.memory_space<hbm>>) dst(%arg12 : memref<128x128xf32, #tpu.memory_space<vmem>>)
    "tpu.region"() ({
      %run_scoped3A = tpu.sem_alloc : memref<!tpu.dma_semaphore, #tpu.memory_space<semaphore_mem>>
      %dma_start3A_325 = arith.constant 0 : i32
      %dma_start3A_326 = arith.constant 0 : i32
      %dma_start3A_327 = tpu.memref_slice %arg13[%dma_start3A_325, %dma_start3A_326] : memref<10240x128xf32, #tpu.memory_space<vmem_shared>> -> memref<10240x128xf32, #tpu.memory_space<vmem_shared>>
      tpu.enqueue_indirect_dma source(%arg12 : memref<128x128xf32, #tpu.memory_space<vmem>>) target(%dma_start3A_327 : memref<10240x128xf32, #tpu.memory_space<vmem_shared>>) offsets(%arg10 : memref<128xi32, #tpu.memory_space<vmem>>) semaphore(%run_scoped3A : memref<!tpu.dma_semaphore, #tpu.memory_space<semaphore_mem>>) {add = true}
      %dma_wait3A_328 = arith.constant 0 : i32
      %dma_wait3A_329 = arith.constant 0 : i32
      %dma_wait3A_330 = tpu.memref_slice %arg13[%dma_wait3A_328, %dma_wait3A_329] : memref<10240x128xf32, #tpu.memory_space<vmem_shared>> -> memref<10240x128xf32, #tpu.memory_space<vmem_shared>>
      tpu.wait_indirect_dma semaphore(%run_scoped3A : memref<!tpu.dma_semaphore, #tpu.memory_space<semaphore_mem>>) src(%arg12 : memref<128x128xf32, #tpu.memory_space<vmem>>) dst(%dma_wait3A_330 : memref<10240x128xf32, #tpu.memory_space<vmem_shared>>)
      tpu.yield
    }) : () -> ()
    %barrier3A_322 = arith.constant 0 : index
    tpu.barrier barrier_id(%barrier3A_322)
    %mul3A_323 = arith.constant 640 : i32
    %mul3A_324 = arith.muli %arg1, %mul3A_323 : i32
    "tpu.region"() ({
      %run_scoped3A = tpu.sem_alloc : memref<!tpu.dma_semaphore, #tpu.memory_space<semaphore_mem>>
      %dma_start3A_325 = arith.constant 0 : i32
      %dma_start3A_326 = arith.constant 0 : i32
      %dma_start3A_327 = tpu.memref_slice %arg5[%arg0, %arg1, %dma_start3A_325, %dma_start3A_326] : memref<2x16x640x128xf32, #tpu.memory_space<hbm>> -> memref<1x1x640x128xf32, #tpu.memory_space<hbm>>
      %dma_start3A_328 = tpu.memref_squeeze %dma_start3A_327 : memref<1x1x640x128xf32, #tpu.memory_space<hbm>> -> memref<640x128xf32, #tpu.memory_space<hbm>>
      %dma_start3A_329 = arith.constant 0 : i32
      %dma_start3A_330 = tpu.memref_slice %arg13[%mul3A_324, %dma_start3A_329] : memref<10240x128xf32, #tpu.memory_space<vmem_shared>> -> memref<640x128xf32, #tpu.memory_space<vmem_shared>>
      tpu.enqueue_dma source(%dma_start3A_330 : memref<640x128xf32, #tpu.memory_space<vmem_shared>>) target(%dma_start3A_328 : memref<640x128xf32, #tpu.memory_space<hbm>>) target_semaphore(%run_scoped3A : memref<!tpu.dma_semaphore, #tpu.memory_space<semaphore_mem>>)
      %dma_wait3A_331 = arith.constant 0 : i32
      %dma_wait3A_332 = arith.constant 0 : i32
      %dma_wait3A_333 = tpu.memref_slice %arg5[%arg0, %arg1, %dma_wait3A_331, %dma_wait3A_332] : memref<2x16x640x128xf32, #tpu.memory_space<hbm>> -> memref<1x1x640x128xf32, #tpu.memory_space<hbm>>
      %dma_wait3A_334 = tpu.memref_squeeze %dma_wait3A_333 : memref<1x1x640x128xf32, #tpu.memory_space<hbm>> -> memref<640x128xf32, #tpu.memory_space<hbm>>
      %dma_wait3A_335 = arith.constant 0 : i32
      %dma_wait3A_336 = tpu.memref_slice %arg13[%mul3A_324, %dma_wait3A_335] : memref<10240x128xf32, #tpu.memory_space<vmem_shared>> -> memref<640x128xf32, #tpu.memory_space<vmem_shared>>
      tpu.wait_dma2 semaphore(%run_scoped3A : memref<!tpu.dma_semaphore, #tpu.memory_space<semaphore_mem>>) src(%dma_wait3A_336 : memref<640x128xf32, #tpu.memory_space<vmem_shared>>) dst(%dma_wait3A_334 : memref<640x128xf32, #tpu.memory_space<hbm>>)
      tpu.yield
    }) : () -> ()
    return
  }
}

module attributes {stable_mosaic.version = 14 : i64} {
  func.func @_tc_pre_body(%arg0: i32, %arg1: memref<1280x2xf32, #tpu.memory_space<vmem>>, %arg2: memref<1280x128xf32, #tpu.memory_space<vmem>>, %arg3: memref<128x128xf32, #tpu.memory_space<vmem>>, %arg4: memref<1280x128xf32, #tpu.memory_space<vmem>>, %arg5: memref<1280x1xf32, #tpu.memory_space<vmem>>) attributes {dimension_semantics = [#tpu.dimension_semantics<arbitrary>], iteration_bounds = array<i64: 8>, scalar_prefetch = 0 : i64, scratch_operands = 0 : i64, tpu.core_type = #tpu.core_type<tc>, window_params = [{transform_indices = @transform_0, window_bounds = array<i64: 1280, 2>}, {transform_indices = @transform_1, window_bounds = array<i64: 1280, 128>}, {pipeline_mode = #tpu.pipeline_mode<synchronous>, transform_indices = @transform_2, window_bounds = array<i64: 128, 128>}, {transform_indices = @transform_3, window_bounds = array<i64: 1280, 128>}, {transform_indices = @transform_4, window_bounds = array<i64: 1280, 1>}]} {
    %get3A = arith.constant 0 : index
    %get3A_0 = arith.constant 0 : index
    %get3A_1 = vector.load %arg1[%get3A, %get3A_0] : memref<1280x2xf32, #tpu.memory_space<vmem>>, vector<1280x1xf32>
    %get3A_2 = arith.constant 0 : index
    %get3A_3 = arith.constant 1 : index
    %get3A_4 = vector.load %arg1[%get3A_2, %get3A_3] : memref<1280x2xf32, #tpu.memory_space<vmem>>, vector<1280x1xf32>
    %add3A = arith.addf %get3A_1, %get3A_4 : vector<1280x1xf32>
    %add3A_5 = arith.constant 1.000000e+00 : f32
    %add3A_6 = vector.broadcast %add3A_5 : f32 to vector<1280x1xf32>
    %add3A_7 = arith.addf %add3A, %add3A_6 : vector<1280x1xf32>
    %rsqrt3A = math.rsqrt %add3A_7 : vector<1280x1xf32>
    %get3A_8 = arith.constant 0 : index
    %get3A_9 = arith.constant 0 : index
    %get3A_10 = vector.load %arg2[%get3A_8, %get3A_9] : memref<1280x128xf32, #tpu.memory_space<vmem>>, vector<1280x128xf32>
    %get3A_11 = arith.constant 0 : index
    %get3A_12 = arith.constant 0 : index
    %get3A_13 = vector.load %arg3[%get3A_11, %get3A_12] : memref<128x128xf32, #tpu.memory_space<vmem>>, vector<128x128xf32>
    %dot_general3A = arith.constant dense<0.000000e+00> : vector<1280x128xf32>
    %dot_general3A_14 = tpu.matmul %get3A_10, %get3A_13, %dot_general3A {dimension_numbers = #tpu.dot_dimension_numbers<[1], [0], [0], [1], [0, 0, 1, 1], [], []>, transpose_lhs_hint = false} : vector<1280x128xf32>, vector<128x128xf32>, vector<1280x128xf32> -> vector<1280x128xf32>
    %mul3A = vector.broadcast %rsqrt3A : vector<1280x1xf32> to vector<1280x128xf32>
    %mul3A_15 = arith.mulf %dot_general3A_14, %mul3A : vector<1280x128xf32>
    %swap3A = arith.constant 0 : index
    %swap3A_16 = arith.constant 0 : index
    %swap3A_17 = vector.load %arg4[%swap3A, %swap3A_16] : memref<1280x128xf32, #tpu.memory_space<vmem>>, vector<1280x128xf32>
    tpu.vector_store %arg4[%swap3A, %swap3A_16], %mul3A_15 {strides = array<i32>} : memref<1280x128xf32, #tpu.memory_space<vmem>>, vector<1280x128xf32>,
    %swap3A_18 = arith.constant 0 : index
    %swap3A_19 = arith.constant 0 : index
    %swap3A_20 = vector.load %arg5[%swap3A_18, %swap3A_19] : memref<1280x1xf32, #tpu.memory_space<vmem>>, vector<1280x1xf32>
    tpu.vector_store %arg5[%swap3A_18, %swap3A_19], %rsqrt3A {strides = array<i32>} : memref<1280x1xf32, #tpu.memory_space<vmem>>, vector<1280x1xf32>,
    return
  }
  func.func @transform_0(%arg0: i32) -> (i32, i32) {
    %c0_i32 = arith.constant 0 : i32
    %c0_i32_0 = arith.constant 0 : i32
    return %arg0, %c0_i32 : i32, i32
  }
  func.func @transform_1(%arg0: i32) -> (i32, i32) {
    %c0_i32 = arith.constant 0 : i32
    %c0_i32_0 = arith.constant 0 : i32
    return %arg0, %c0_i32 : i32, i32
  }
  func.func @transform_2(%arg0: i32) -> (i32, i32) {
    %c0_i32 = arith.constant 0 : i32
    %c0_i32_0 = arith.constant 0 : i32
    %c0_i32_1 = arith.constant 0 : i32
    return %c0_i32, %c0_i32_0 : i32, i32
  }
  func.func @transform_3(%arg0: i32) -> (i32, i32) {
    %c0_i32 = arith.constant 0 : i32
    %c0_i32_0 = arith.constant 0 : i32
    return %arg0, %c0_i32 : i32, i32
  }
  func.func @transform_4(%arg0: i32) -> (i32, i32) {
    %c0_i32 = arith.constant 0 : i32
    %c0_i32_0 = arith.constant 0 : i32
    return %arg0, %c0_i32 : i32, i32
  }
}

module attributes {stable_mosaic.version = 14 : i64} {
  func.func @_tc_mid_body(%arg0: i32, %arg1: memref<2x1280x128xf32, #tpu.memory_space<vmem>>, %arg2: memref<1280x128xf32, #tpu.memory_space<vmem>>, %arg3: memref<1280x1xf32, #tpu.memory_space<vmem>>, %arg4: memref<1x128xf32, #tpu.memory_space<vmem>>, %arg5: memref<128x128xf32, #tpu.memory_space<vmem>>, %arg6: memref<1280x128xf32, #tpu.memory_space<vmem>>) attributes {dimension_semantics = [#tpu.dimension_semantics<arbitrary>], iteration_bounds = array<i64: 8>, scalar_prefetch = 0 : i64, scratch_operands = 0 : i64, tpu.core_type = #tpu.core_type<tc>, window_params = [{transform_indices = @transform_0, window_bounds = array<i64: 2, 1280, 128>}, {transform_indices = @transform_1, window_bounds = array<i64: 1280, 128>}, {transform_indices = @transform_2, window_bounds = array<i64: 1280, 1>}, {pipeline_mode = #tpu.pipeline_mode<synchronous>, transform_indices = @transform_3, window_bounds = array<i64: 1, 128>}, {pipeline_mode = #tpu.pipeline_mode<synchronous>, transform_indices = @transform_4, window_bounds = array<i64: 128, 128>}, {transform_indices = @transform_5, window_bounds = array<i64: 1280, 128>}]} {
    %get3A = arith.constant 0 : index
    %get3A_0 = arith.constant 0 : index
    %get3A_1 = arith.constant 0 : index
    %get3A_2 = vector.load %arg1[%get3A, %get3A_0, %get3A_1] : memref<2x1280x128xf32, #tpu.memory_space<vmem>>, vector<1x1280x128xf32>
    %get3A_3 = vector.shape_cast %get3A_2 : vector<1x1280x128xf32> to vector<1280x128xf32>
    %get3A_4 = arith.constant 1 : index
    %get3A_5 = arith.constant 0 : index
    %get3A_6 = arith.constant 0 : index
    %get3A_7 = vector.load %arg1[%get3A_4, %get3A_5, %get3A_6] : memref<2x1280x128xf32, #tpu.memory_space<vmem>>, vector<1x1280x128xf32>
    %get3A_8 = vector.shape_cast %get3A_7 : vector<1x1280x128xf32> to vector<1280x128xf32>
    %add3A = arith.addf %get3A_3, %get3A_8 : vector<1280x128xf32>
    %get3A_9 = arith.constant 0 : index
    %get3A_10 = arith.constant 0 : index
    %get3A_11 = vector.load %arg2[%get3A_9, %get3A_10] : memref<1280x128xf32, #tpu.memory_space<vmem>>, vector<1280x128xf32>
    %add3A_12 = arith.addf %add3A, %get3A_11 : vector<1280x128xf32>
    %get3A_13 = arith.constant 0 : index
    %get3A_14 = arith.constant 0 : index
    %get3A_15 = vector.load %arg3[%get3A_13, %get3A_14] : memref<1280x1xf32, #tpu.memory_space<vmem>>, vector<1280x1xf32>
    %mul3A = vector.broadcast %get3A_15 : vector<1280x1xf32> to vector<1280x128xf32>
    %mul3A_16 = arith.mulf %add3A_12, %mul3A : vector<1280x128xf32>
    %get3A_17 = arith.constant 0 : index
    %get3A_18 = arith.constant 0 : index
    %get3A_19 = vector.load %arg4[%get3A_17, %get3A_18] : memref<1x128xf32, #tpu.memory_space<vmem>>, vector<1x128xf32>
    %add3A_20 = vector.broadcast %get3A_19 : vector<1x128xf32> to vector<1280x128xf32>
    %add3A_21 = arith.addf %mul3A_16, %add3A_20 : vector<1280x128xf32>
    %max3A = arith.constant 0.000000e+00 : f32
    %max3A_22 = vector.broadcast %max3A : f32 to vector<1280x128xf32>
    %max3A_23 = arith.maximumf %add3A_21, %max3A_22 : vector<1280x128xf32>
    %get3A_24 = arith.constant 0 : index
    %get3A_25 = arith.constant 0 : index
    %get3A_26 = vector.load %arg5[%get3A_24, %get3A_25] : memref<128x128xf32, #tpu.memory_space<vmem>>, vector<128x128xf32>
    %dot_general3A = arith.constant dense<0.000000e+00> : vector<1280x128xf32>
    %dot_general3A_27 = tpu.matmul %max3A_23, %get3A_26, %dot_general3A {dimension_numbers = #tpu.dot_dimension_numbers<[1], [0], [0], [1], [0, 0, 1, 1], [], []>, transpose_lhs_hint = false} : vector<1280x128xf32>, vector<128x128xf32>, vector<1280x128xf32> -> vector<1280x128xf32>
    %get3A_28 = arith.constant 0 : index
    %get3A_29 = arith.constant 0 : index
    %get3A_30 = vector.load %arg3[%get3A_28, %get3A_29] : memref<1280x1xf32, #tpu.memory_space<vmem>>, vector<1280x1xf32>
    %mul3A_31 = vector.broadcast %get3A_30 : vector<1280x1xf32> to vector<1280x128xf32>
    %mul3A_32 = arith.mulf %dot_general3A_27, %mul3A_31 : vector<1280x128xf32>
    %swap3A = arith.constant 0 : index
    %swap3A_33 = arith.constant 0 : index
    %swap3A_34 = vector.load %arg6[%swap3A, %swap3A_33] : memref<1280x128xf32, #tpu.memory_space<vmem>>, vector<1280x128xf32>
    tpu.vector_store %arg6[%swap3A, %swap3A_33], %mul3A_32 {strides = array<i32>} : memref<1280x128xf32, #tpu.memory_space<vmem>>, vector<1280x128xf32>,
    return
  }
  func.func @transform_0(%arg0: i32) -> (i32, i32, i32) {
    %c0_i32 = arith.constant 0 : i32
    %c0_i32_0 = arith.constant 0 : i32
    %c0_i32_1 = arith.constant 0 : i32
    return %c0_i32, %arg0, %c0_i32_0 : i32, i32, i32
  }
  func.func @transform_1(%arg0: i32) -> (i32, i32) {
    %c0_i32 = arith.constant 0 : i32
    %c0_i32_0 = arith.constant 0 : i32
    return %arg0, %c0_i32 : i32, i32
  }
  func.func @transform_2(%arg0: i32) -> (i32, i32) {
    %c0_i32 = arith.constant 0 : i32
    %c0_i32_0 = arith.constant 0 : i32
    return %arg0, %c0_i32 : i32, i32
  }
  func.func @transform_3(%arg0: i32) -> (i32, i32) {
    %c0_i32 = arith.constant 0 : i32
    %c0_i32_0 = arith.constant 0 : i32
    %c0_i32_1 = arith.constant 0 : i32
    return %c0_i32, %c0_i32_0 : i32, i32
  }
  func.func @transform_4(%arg0: i32) -> (i32, i32) {
    %c0_i32 = arith.constant 0 : i32
    %c0_i32_0 = arith.constant 0 : i32
    %c0_i32_1 = arith.constant 0 : i32
    return %c0_i32, %c0_i32_0 : i32, i32
  }
  func.func @transform_5(%arg0: i32) -> (i32, i32) {
    %c0_i32 = arith.constant 0 : i32
    %c0_i32_0 = arith.constant 0 : i32
    return %arg0, %c0_i32 : i32, i32
  }
}

module attributes {stable_mosaic.version = 14 : i64} {
  func.func @_tc_head_body(%arg0: i32, %arg1: memref<2x1280x128xf32, #tpu.memory_space<vmem>>, %arg2: memref<1280x128xf32, #tpu.memory_space<vmem>>, %arg3: memref<1280x1xf32, #tpu.memory_space<vmem>>, %arg4: memref<1x128xf32, #tpu.memory_space<vmem>>, %arg5: memref<128x16xf32, #tpu.memory_space<vmem>>, %arg6: memref<1x16xf32, #tpu.memory_space<vmem>>, %arg7: memref<1280x16xf32, #tpu.memory_space<vmem>>) attributes {dimension_semantics = [#tpu.dimension_semantics<arbitrary>], iteration_bounds = array<i64: 8>, scalar_prefetch = 0 : i64, scratch_operands = 0 : i64, tpu.core_type = #tpu.core_type<tc>, window_params = [{transform_indices = @transform_0, window_bounds = array<i64: 2, 1280, 128>}, {transform_indices = @transform_1, window_bounds = array<i64: 1280, 128>}, {transform_indices = @transform_2, window_bounds = array<i64: 1280, 1>}, {pipeline_mode = #tpu.pipeline_mode<synchronous>, transform_indices = @transform_3, window_bounds = array<i64: 1, 128>}, {pipeline_mode = #tpu.pipeline_mode<synchronous>, transform_indices = @transform_4, window_bounds = array<i64: 128, 16>}, {pipeline_mode = #tpu.pipeline_mode<synchronous>, transform_indices = @transform_5, window_bounds = array<i64: 1, 16>}, {transform_indices = @transform_6, window_bounds = array<i64: 1280, 16>}]} {
    %get3A = arith.constant 0 : index
    %get3A_0 = arith.constant 0 : index
    %get3A_1 = arith.constant 0 : index
    %get3A_2 = vector.load %arg1[%get3A, %get3A_0, %get3A_1] : memref<2x1280x128xf32, #tpu.memory_space<vmem>>, vector<1x1280x128xf32>
    %get3A_3 = vector.shape_cast %get3A_2 : vector<1x1280x128xf32> to vector<1280x128xf32>
    %get3A_4 = arith.constant 1 : index
    %get3A_5 = arith.constant 0 : index
    %get3A_6 = arith.constant 0 : index
    %get3A_7 = vector.load %arg1[%get3A_4, %get3A_5, %get3A_6] : memref<2x1280x128xf32, #tpu.memory_space<vmem>>, vector<1x1280x128xf32>
    %get3A_8 = vector.shape_cast %get3A_7 : vector<1x1280x128xf32> to vector<1280x128xf32>
    %add3A = arith.addf %get3A_3, %get3A_8 : vector<1280x128xf32>
    %get3A_9 = arith.constant 0 : index
    %get3A_10 = arith.constant 0 : index
    %get3A_11 = vector.load %arg2[%get3A_9, %get3A_10] : memref<1280x128xf32, #tpu.memory_space<vmem>>, vector<1280x128xf32>
    %add3A_12 = arith.addf %add3A, %get3A_11 : vector<1280x128xf32>
    %get3A_13 = arith.constant 0 : index
    %get3A_14 = arith.constant 0 : index
    %get3A_15 = vector.load %arg3[%get3A_13, %get3A_14] : memref<1280x1xf32, #tpu.memory_space<vmem>>, vector<1280x1xf32>
    %mul3A = vector.broadcast %get3A_15 : vector<1280x1xf32> to vector<1280x128xf32>
    %mul3A_16 = arith.mulf %add3A_12, %mul3A : vector<1280x128xf32>
    %get3A_17 = arith.constant 0 : index
    %get3A_18 = arith.constant 0 : index
    %get3A_19 = vector.load %arg4[%get3A_17, %get3A_18] : memref<1x128xf32, #tpu.memory_space<vmem>>, vector<1x128xf32>
    %add3A_20 = vector.broadcast %get3A_19 : vector<1x128xf32> to vector<1280x128xf32>
    %add3A_21 = arith.addf %mul3A_16, %add3A_20 : vector<1280x128xf32>
    %max3A = arith.constant 0.000000e+00 : f32
    %max3A_22 = vector.broadcast %max3A : f32 to vector<1280x128xf32>
    %max3A_23 = arith.maximumf %add3A_21, %max3A_22 : vector<1280x128xf32>
    %get3A_24 = arith.constant 0 : index
    %get3A_25 = arith.constant 0 : index
    %get3A_26 = vector.load %arg5[%get3A_24, %get3A_25] : memref<128x16xf32, #tpu.memory_space<vmem>>, vector<128x16xf32>
    %dot_general3A = arith.constant dense<0.000000e+00> : vector<1280x16xf32>
    %dot_general3A_27 = tpu.matmul %max3A_23, %get3A_26, %dot_general3A {dimension_numbers = #tpu.dot_dimension_numbers<[1], [0], [0], [1], [0, 0, 1, 1], [], []>, transpose_lhs_hint = false} : vector<1280x128xf32>, vector<128x16xf32>, vector<1280x16xf32> -> vector<1280x16xf32>
    %get3A_28 = arith.constant 0 : index
    %get3A_29 = arith.constant 0 : index
    %get3A_30 = vector.load %arg6[%get3A_28, %get3A_29] : memref<1x16xf32, #tpu.memory_space<vmem>>, vector<1x16xf32>
    %add3A_31 = vector.broadcast %get3A_30 : vector<1x16xf32> to vector<1280x16xf32>
    %add3A_32 = arith.addf %dot_general3A_27, %add3A_31 : vector<1280x16xf32>
    %swap3A = arith.constant 0 : index
    %swap3A_33 = arith.constant 0 : index
    %swap3A_34 = vector.load %arg7[%swap3A, %swap3A_33] : memref<1280x16xf32, #tpu.memory_space<vmem>>, vector<1280x16xf32>
    tpu.vector_store %arg7[%swap3A, %swap3A_33], %add3A_32 {strides = array<i32>} : memref<1280x16xf32, #tpu.memory_space<vmem>>, vector<1280x16xf32>,
    return
  }
  func.func @transform_0(%arg0: i32) -> (i32, i32, i32) {
    %c0_i32 = arith.constant 0 : i32
    %c0_i32_0 = arith.constant 0 : i32
    %c0_i32_1 = arith.constant 0 : i32
    return %c0_i32, %arg0, %c0_i32_0 : i32, i32, i32
  }
  func.func @transform_1(%arg0: i32) -> (i32, i32) {
    %c0_i32 = arith.constant 0 : i32
    %c0_i32_0 = arith.constant 0 : i32
    return %arg0, %c0_i32 : i32, i32
  }
  func.func @transform_2(%arg0: i32) -> (i32, i32) {
    %c0_i32 = arith.constant 0 : i32
    %c0_i32_0 = arith.constant 0 : i32
    return %arg0, %c0_i32 : i32, i32
  }
  func.func @transform_3(%arg0: i32) -> (i32, i32) {
    %c0_i32 = arith.constant 0 : i32
    %c0_i32_0 = arith.constant 0 : i32
    %c0_i32_1 = arith.constant 0 : i32
    return %c0_i32, %c0_i32_0 : i32, i32
  }
  func.func @transform_4(%arg0: i32) -> (i32, i32) {
    %c0_i32 = arith.constant 0 : i32
    %c0_i32_0 = arith.constant 0 : i32
    %c0_i32_1 = arith.constant 0 : i32
    return %c0_i32, %c0_i32_0 : i32, i32
  }
  func.func @transform_5(%arg0: i32) -> (i32, i32) {
    %c0_i32 = arith.constant 0 : i32
    %c0_i32_0 = arith.constant 0 : i32
    %c0_i32_1 = arith.constant 0 : i32
    return %c0_i32, %c0_i32_0 : i32, i32
  }
  func.func @transform_6(%arg0: i32) -> (i32, i32) {
    %c0_i32 = arith.constant 0 : i32
    %c0_i32_0 = arith.constant 0 : i32
    return %arg0, %c0_i32 : i32, i32
  }
}

</mosaic_0001>

<sc_bundles>
// kernel: kernel.11.cloned.1.call-start
scs
__scs_entry_jumppad:
0x0: {  	(pc) =	sbr.rel $0x88, $3  }
0x1: {  	(tag) =	ssettag $0x0;
	lr =	simm.s32 $0x1  }
0x2: {  	[smem:$0x3F99] =	sst lr;
	_ =	strace $0xD0000000  }
0x3: {  	_ = 	snop  }
0x4: {  	_ = 	snop  }
0x5: {  	_ = 	snop  }
0x6: {  	_ = 	snop  }
0x7: {  	_ = 	snop  }
__scs_overlays_trampoline_lowered:
0x8: {  	[smem:$0x3FA8] =	sst s0  }
0x9: {  	[smem:$0x3FA9] =	sst s1  }
0xa: {  	[smem:$0x3FAA] =	sst s2  }
0xb: {  	[smem:$0x3FAB] =	sst s3  }
0xc: {  	[smem:$0x3FAC] =	sst s4  }
0xd: {  	[smem:$0x3FAD] =	sst s5  }
0xe: {  	[smem:$0x3FAE] =	sst s6  }
0xf: {  	[smem:$0x3FAF] =	sst s7  }
0x10: {  	[smem:$0x3FB0] =	sst s8  }
0x11: {  	[smem:$0x3FB1] =	sst s9;
	s0 =	simm.s32 @!p0 $0x0  }
0x12: {  	s1 =	sld [smem:$0x3F97];
	s0 =	simm.s32 @p0 $0x1  }
0x13: {  	[smem:$0x3FB2] =	sst s0;
	s0 =	simm.s32 @!p1 $0x0  }
0x14: {  	s2 =	sld [smem:$0x3F96];
	s0 =	simm.s32 @p1 $0x1  }
0x15: {  	[smem:$0x3FB3] =	sst s0;
	s0 =	simm.s32 @!p2 $0x0  }
0x16: {  	s3 =	sld [smem:$0x3FDB];
	s0 =	simm.s32 @p2 $0x1  }
0x17: {  	s4 =	simm.s32 $0x1BF5;
	[smem:$0x3FB5] =	sst s0  }
0x18: {  	s0 =	sld [smem:$0x3F98];
	_ =	swait.ge [sflag:s4], $0x0  }
0x19: {  	s7 =	sld [smem:$0x3F99]  }
0x1a: {  	s8 =	sadd.s32 $0xFFFFE003, lr  }
0x1b: {  	s9 =	sadd.s32 $0xFFFFFEF7, lr;
	s5 =	simm.s32 $0xFFFFFFFF;
	p2 =	slt.u32 s8, $0xFFFFF086  }
0x1c: {  	p1 =	slt.u32 s9, $0xF7A;
	s5 =	simm.s32 @!p2 $0x0  }
0x1d: {  	s5 =	simm.s32 @p1 $0x1;
	p0 =	seq.s32 s7, s2  }
0x1e: {  	s7 =	smul.u32 @!p0 $0xF7A, s2;
	p2 =	seq.s32 @!p0 s5, $0x0  }
0x1f: {  	s9 =	smul.u32 $0xF7A, s1;
	s8 =	simm.s32 @!p0 $0x1BF5;
	p2 =	por !p2, p0  }
0x20: {  	[sflag:s8] =	ssyncset.s32 @!p0 $0xFFFFF086;
	s6 =	sadd.s32 @!p0 s3, s7;
	s7 =	simm.s32 @!p0 $0x108  }
0x21: {  	s3 =	sadd.s32 s3, s9;
	s6 =	sadd.s32 @!p0 $0x88, s6;
	s7 =	simm.s32 @p2 $0x1082  }
0x22: {  	[simem:s7], [sflag:s8] =	dma.local @!p0 [hbm:s6], $0xF7A  }
0x23: {  	s9 =	sor.u32 $0xD0000000, s2;
	s6 =	simm.s32 $0x108;
	_ =	swait.ge @!p0 [sflag:s8], $0x0  }
0x24: {  	s3 =	sadd.s32 $0x88, s3;
	s6 =	simm.s32 @!p1 $0x1082;
	[sflag:s4] =	ssyncset.s32 $0xFFFFF086  }
0x25: {  	[simem:s6], [sflag:s4] =	dma.local [hbm:s3], $0xF7A  }
0x26: {  	[smem:$0x3F99] =	sst s1;
	(tag) =	ssettag s2;
	_ =	strace s9  }
0x27: {  	s1 =	sld [smem:$0x3FA9]  }
0x28: {  	s2 =	sld [smem:$0x3FAA]  }
0x29: {  	s4 =	sld [smem:$0x3FAC]  }
0x2a: {  	p0 =	seq.s32 s5, $0x0;
	s5 =	sld [smem:$0x3FAD]  }
0x2b: {  	s6 =	sld [smem:$0x3FAE]  }
0x2c: {  	s7 =	sld [smem:$0x3FAF]  }
0x2d: {  	s3 =	simm.s32 $0x108;
	s8 =	sld [smem:$0x3FB0]  }
0x2e: {  	s3 =	simm.s32 @!p0 $0x1082;
	s9 =	sld [smem:$0x3FB1]  }
0x2f: {  	lr =	sadd.s32 s0, s3;
	s0 =	sld [smem:$0x3FA8]  }
0x30: {  	s3 =	sld [smem:$0x3FAB]  }
0x31: {  	[smem:$0x3FB4] =	sst s10  }
0x32: {  	s10 =	sld [smem:$0x3FB2];
	_ =	sdelay $0x3  }
0x33: {  	p0 =	seq.s32 s10, $0x1;
	s10 =	sld [smem:$0x3FB4];
	_ =	sdelay $0x3  }
0x34: {  	[smem:$0x3FB4] =	sst s10  }
0x35: {  	s10 =	sld [smem:$0x3FB3];
	_ =	sdelay $0x3  }
0x36: {  	p1 =	seq.s32 s10, $0x1;
	s10 =	sld [smem:$0x3FB4];
	_ =	sdelay $0x3  }
0x37: {  	[smem:$0x3FB4] =	sst s10  }
0x38: {  	s10 =	sld [smem:$0x3FB5]  }
0x39: {  	_ = 	snop;
	(pc) =	sbr.ind lr, $3  }
0x3a: {  	_ = 	snop  }
0x3b: {  	_ = 	snop  }
0x3c: {  	p2 =	seq.s32 s10, $0x1;
	s10 =	sld [smem:$0x3FB4]  }
0x3d: {  	_ =	shalt  }
0x3e: {  	_ =	shalt  }
0x3f: {  	_ =	shalt  }
0x40: {  	_ =	shalt  }
0x41: {  	_ =	shalt  }
0x42: {  	_ =	shalt  }
0x43: {  	_ =	shalt  }
0x44: {  	_ =	shalt  }
0x45: {  	_ =	shalt  }
0x46: {  	_ =	shalt  }
0x47: {  	_ =	shalt  }
0x48: {  	_ =	shalt  }
0x49: {  	_ =	shalt  }
0x4a: {  	_ =	shalt  }
0x4b: {  	_ =	shalt  }
0x4c: {  	_ =	shalt  }
0x4d: {  	_ =	shalt  }
0x4e: {  	_ =	shalt  }
0x4f: {  	_ =	shalt  }
0x50: {  	_ =	shalt  }
0x51: {  	_ =	shalt  }
0x52: {  	_ =	shalt  }
0x53: {  	_ =	shalt  }
0x54: {  	_ =	shalt  }
0x55: {  	_ =	shalt  }
0x56: {  	_ =	shalt  }
0x57: {  	_ =	shalt  }
0x58: {  	_ =	shalt  }
0x59: {  	_ =	shalt  }
0x5a: {  	_ =	shalt  }
0x5b: {  	_ =	shalt  }
0x5c: {  	_ =	shalt  }
0x5d: {  	_ =	shalt  }
0x5e: {  	_ =	shalt  }
0x5f: {  	_ =	shalt  }
0x60: {  	_ =	shalt  }
0x61: {  	_ =	shalt  }
0x62: {  	_ =	shalt  }
0x63: {  	_ =	shalt  }
0x64: {  	_ =	shalt  }
0x65: {  	_ =	shalt  }
0x66: {  	_ =	shalt  }
0x67: {  	_ =	shalt  }
0x68: {  	_ =	shalt  }
0x69: {  	_ =	shalt  }
0x6a: {  	_ =	shalt  }
0x6b: {  	_ =	shalt  }
0x6c: {  	_ =	shalt  }
0x6d: {  	_ =	shalt  }
0x6e: {  	_ =	shalt  }
0x6f: {  	_ =	shalt  }
0x70: {  	_ =	shalt  }
0x71: {  	_ =	shalt  }
0x72: {  	_ =	shalt  }
0x73: {  	_ =	shalt  }
0x74: {  	_ =	shalt  }
0x75: {  	_ =	shalt  }
0x76: {  	_ =	shalt  }
0x77: {  	_ =	shalt  }
0x78: {  	_ =	shalt  }
0x79: {  	_ =	shalt  }
0x7a: {  	_ =	shalt  }
0x7b: {  	_ =	shalt  }
0x7c: {  	_ =	shalt  }
0x7d: {  	_ =	shalt  }
0x7e: {  	_ =	shalt  }
0x7f: {  	_ =	shalt  }
0x80: {  	_ =	shalt  }
0x81: {  	_ =	shalt  }
0x82: {  	_ =	shalt  }
0x83: {  	_ =	shalt  }
0x84: {  	_ =	shalt  }
0x85: {  	_ =	shalt  }
0x86: {  	_ =	shalt  }
0x87: {  	_ =	shalt  }
.Lfunc_end0:
.L_simem_size_0:
called_computation.1_lowered:
.L_overlay_start_0:
0x88: {  	s2 =	sld [smem:$0x3FD9]  }
0x89: {  	s3 =	sld [smem:$0x3FFE];
	_ =	sdelay $0x1  }
0x8a: {  	s1 =	srdreg.scid  }
0x8b: {  	s0 =	sand.u32 $0x1, s1  }
0x8c: {  	s16 =	sshll.u32 s0, $0xA;
	s2 =	sadd.s32 s3, s2  }
0x8d: {  	s2 =	sadd.s32 s2, s16  }
0x8e: {  	[smem:$0x3FC0] =	sst s2  }
0x8f: {  	_ = 	snop  }
0x90: {  	(tm) =	ssettm $0x1  }
0x91: {  	s17 =	sld [smem:$0x3FFB];
	_ =	sdelay $0x3  }
0x92: {  	_ =	strace s17  }
0x93: {  	s2 =	sld [smem:$0x3FFC];
	_ =	sdelay $0x3  }
0x94: {  	_ =	strace s2  }
0x95: {  	s2 =	sld [smem:$0x3FFD];
	_ =	sdelay $0x3  }
0x96: {  	_ =	strace s2  }
0x97: {  	_ =	strace $0x8FFFFFFF  }
0x98: {  	s18 =	sld [smem:$0x3FDB];
	_ =	sdelay $0x1  }
0x99: {  	s19 =	simm.s32 $_scs_section_size  }
0x9a: {  	s4 =	simm.s32 $_size__tile_overlayer_lowered;
	s5 =	simm.s32 $_tile_overlayer_lowered  }
0x9b: {  	s22 =	simm.s32 $0x1BFF;
	s21 =	sshll.u32 s5, $0x1;
	s2 =	sadd.s32 s19, s18  }
0x9c: {  	s6 =	simm.s32 $0x0;
	s20 =	sshll.u32 s4, $0x1;
	s4 =	sadd.s32 s21, s2  }
0x9d: {  	[timem:s6], [sflag:s22] =	dma.local [hbm:s4], s20  }
0x9e: {  	_ =	swait.ge [sflag:s22], s20  }
0x9f: {  	s3 =	ssub.s32 $0x0, s20;
	[sflag:s22] =	ssyncset.done $0x0  }
0xa0: {  	[sflag:s22] =	ssyncadd.s32 s3;
	_ =	sdelay $0x1  }
0xa1: {  	s23 =	simm.s32 $0x1B8B  }
0xa2: {  	_ =	swait.ge [sflag:s23], $0x1  }
0xa3: {  	[sflag:s23] =	ssyncset.done $0x0  }
0xa4: {  	s25 =	simm.s32 $0x1B8E;
	s24 =	sld [smem:$0x3FFE];
	[sflag:s23] =	ssyncadd.s32 $0xFFFFFFFF  }
0xa5: {  	s26 =	simm.s32 $execute0_lowered;
	[smem:$0x3FD2] =	sst s25  }
0xa6: {  	s4 =	sshll.u32 s26, $0x1;
	_ =	strace $0x80000049;
	[dreg:$0x1] =	wrdreg $0xFFFFFFFF  }
0xa7: {  	s28 =	simm.s32 $_size_execute0_lowered;
	s2 =	sadd.s32 s2, s4;
	[dreg:$0x0] =	wrdreg $0x0  }
0xa8: {  	s4 =	sshll.u32 s28, $0x1;
	[dreg:$0x2] =	wrdreg s2  }
0xa9: {  	[dreg:$0x3] =	wrdreg s4  }
0xaa: {  	[dreg:$0x4] =	wrdreg $0xC0  }
0xab: {  	_ =	task [dreg:s6], $0x5FFFF  }
0xac: {  	[dreg:$0x1] =	wrdreg $0xFFFFFFFF  }
0xad: {  	[dreg:$0x0] =	wrdreg $0x60  }
0xae: {  	[dreg:$0x2] =	wrdreg s24  }
0xaf: {  	[dreg:$0x3] =	wrdreg $0xAA000  }
0xb0: {  	[dreg:$0x4] =	wrdreg $0x9  }
0xb1: {  	_ =	task.clear_ibuf [dreg:s6], $0x5FFFF;
	_ =	strace $0x90000049  }
0xb2: {  	s29 =	simm.s32 $0x9;
	_ =	strace $0x8000004B  }
0xb3: {  	_ =	swait.ge [sflag:s29], $0x1  }
0xb4: {  	[sflag:s29] =	ssyncadd.s32 $0xFFFFFFFF  }
0xb5: {  	_ =	strace $0x9000004B  }
0xb6: {  	_ =	sfence  }
0xb7: {  	s30 =	sld [smem:$0x0];
	_ =	sdelay $0x2  }
0xb8: {  	s31 =	sshll.u32 s1, $0xD;
	s1 =	sshrl.u32 s1, $0x2  }
0xb9: {  	s3 =	sand.u32 $0x4000, s31;
	s1 =	sadd.s32 s1, s30  }
0xba: {  	s0 =	sor.u32 s3, s0;
	s1 =	sshll.u32 s1, $0x11  }
0xbb: {  	s0 =	sor.u32 s1, s0  }
0xbc: {  	s0 =	sadd.s32 $0x8F2B, s0  }
0xbd: {  	[sflag:s0] =	ssyncadd.remote.s32 $0x1  }
0xbe: {  	_ =	sfence.sel $0xFFFF  }
0xbf: {  	[dreg:$0x0] =	wrdreg $0xFFFFFFFF;
	(pc) =	sbr.abs _section_cstart, $3  }
0xc0: {  	[dreg:$0x1] =	wrdreg $0xFFFFFFFF  }
0xc1: {  	_ =	task.clear_ibuf [dreg:s6], $0x2FFFF;
	_ =	strace $0x9FFFFFFF  }
0xc2: {  	(tm) =	ssettm $0x7FFFFFFF  }
0xc3: {  	_ =	shalt  }
tec
execute0_lowered:
.L_overlay_start_1:
0x0: {  	(tag) =	ssettag $0x1  }
0x1: {  	s6 =	rddreg [dreg:$0x0]  }
0x2: {  	s0 =	srdreg.scid;
	s2 =	rddreg [dreg:$0x1]  }
0x3: {  	s3 =	simm.s32 $0x0;
	s13 =	simm.s32 $0x2800;
	s14 =	simm.s32 $0x2A00  }
0x4: {  	s15 =	simm.s32 $0x2880;
	s16 =	simm.s32 $0x6A00;
	s17 =	simm.s32 $0x1  }
0x5: {  	s18 =	simm.s32 $0x2900;
	s19 =	simm.s32 $0x2;
	s5 =	sand.u32 $0x1, s0  }
0x6: {  	s20 =	simm.s32 $0x2980;
	s0 =	stileid.u32;
	s8 =	smul.u32 $0x140000, s5  }
0x7: {  	s21 =	simm.s32 $0x0;
	[smem:$0x7FF] =	sst s3;
	s9 =	smul.u32 $0x14000, s0  }
0x8: {  	s4 =	sadd.s32 $0x16600, s6;
	s1 =	sshll.u32 s5, $0x4;
	s10 =	smul.u32 $0x2800, s0  }
0x9: {  	s5 =	ssub.s32 $0x2, s5;
	s28 =	smul.u32 $0x50000, s0;
	s1 =	sor.u32 s0, s1  }
0xa: {  	s31 =	sshll.u32 s0, $0x6;
	s29 =	sshrl.u32 s5, $0x1;
	s7 =	smul.u32 $0x500, s1  }
0xb: {  	s1 =	rddreg [dreg:$0x2];
	_ =	strace $0x8000004A;
	s8 =	sadd.s32 s9, s8  }
0xc: {  	s10 =	sadd.s32 s10, s6;
	s11 =	ssub.s32 s5, s29;
	s30 =	sshrl.u32 s28, $0x2  }
0xd: {  	s8 =	sshrl.u32 s8, $0x3;
	s12 =	sadd.s32 s30, s2;
	s5 =	sadd.s32 $0x3E600, s10  }
0xe: {  	s9 =	smax.u32 s11, $0x1;
	s11 =	simm.s32 $0x3;
	s7 =	sadd.s32 s7, s6  }
0xf: {  	s8 =	sadd.s32 s8, s6;
	s6 =	sor.u32 $0x1C03, s31;
	s10 =	sshrl.u32 s12, $0x3  }
0x10: {  	s12 =	simm.s32 $0x80;
	s7 =	sadd.s32 $0xC600, s7;
	s8 =	sadd.s32 $0x66600, s8  }
.LBB2_1:
0x11: {  	[spmem:s10], [sflag:s6] =	dma.local [hbm:s5], $0x2800  }
0x12: {  	_ =	swait.ge [sflag:s11], $0x2800  }
0x13: {  	[sflag:s11] =	ssyncset.done $0x0  }
0x14: {  	[sflag:s11] =	ssyncadd.s32 $0xFFFFD800  }
0x15: {  	[tilespmem:s3], [sflag:$0x3] =	stream.linear.gather [hbm4b:s7+s3], $0x2800, $0x38;
	[tilespmem:$0x1EA00] =	vst v63  }
0x16: {  	_ =	swait.ge [sflag:s11], $0x2800  }
0x17: {  	[sflag:s11] =	ssyncset.done $0x0  }
0x18: {  	[sflag:s11] =	ssyncadd.s32 $0xFFFFD800  }
0x19: {  	[bflag:$0x0] =	sbarrier.arrive $0xFFFF  }
0x1a: {  	v0 =	vld [tilespmem:$0x0];
	_ =	sdelay $0x1  }
0x1b: {  	v1 =	vld [tilespmem:$0x10];
	_ =	sdelay $0x1  }
0x1c: {  	v2 =	vld [tilespmem:$0x20]  }
0x1d: {  	v3 =	vand.u32 $0x3FFF, v0  }
0x1e: {  	v63 =	vld [tilespmem:$0x30];
	v0 =	vshra.s32 v0, $0xE;
	[tilespmem:$0x2800] =	vst v3  }
0x1f: {  	v6 =	vand.u32 $0x3FFF, v1;
	[tilespmem:$0x2900] =	vst v0  }
0x20: {  	v8 =	vld [tilespmem:$0x40];
	v7 =	vshra.s32 v1, $0xE;
	[tilespmem:$0x2810] =	vst v6  }
0x21: {  	v9 =	vand.u32 $0x3FFF, v2;
	[tilespmem:$0x2910] =	vst v7  }
0x22: {  	v11 =	vld [tilespmem:$0x50];
	v10 =	vshra.s32 v2, $0xE;
	[tilespmem:$0x2820] =	vst v9  }
0x23: {  	v12 =	vand.u32 $0x3FFF, v63;
	[tilespmem:$0x2920] =	vst v10  }
0x24: {  	v14 =	vld [tilespmem:$0x60];
	v13 =	vshra.s32 v63, $0xE;
	[tilespmem:$0x2830] =	vst v12  }
0x25: {  	v15 =	vand.u32 $0x3FFF, v8;
	[tilespmem:$0x2930] =	vst v13  }
0x26: {  	v17 =	vld [tilespmem:$0x70];
	v16 =	vshra.s32 v8, $0xE;
	[tilespmem:$0x2840] =	vst v15  }
0x27: {  	v18 =	vand.u32 $0x3FFF, v11;
	[tilespmem:$0x2940] =	vst v16  }
0x28: {  	v20 =	vld [tilespmem:$0x80];
	v19 =	vshra.s32 v11, $0xE;
	[tilespmem:$0x2850] =	vst v18  }
0x29: {  	v21 =	vand.u32 $0x3FFF, v14;
	[tilespmem:$0x2950] =	vst v19  }
0x2a: {  	v23 =	vld [tilespmem:$0x90];
	v22 =	vshra.s32 v14, $0xE;
	[tilespmem:$0x2860] =	vst v21  }
0x2b: {  	v24 =	vand.u32 $0x3FFF, v17;
	[tilespmem:$0x2960] =	vst v22  }
0x2c: {  	v26 =	vld [tilespmem:$0xA0];
	v25 =	vshra.s32 v17, $0xE;
	[tilespmem:$0x2870] =	vst v24  }
0x2d: {  	v27 =	vand.u32 $0x3FFF, v20;
	[tilespmem:$0x2970] =	vst v25  }
0x2e: {  	v29 =	vld [tilespmem:$0xB0];
	v28 =	vshra.s32 v20, $0xE;
	[tilespmem:$0x2880] =	vst v27  }
0x2f: {  	v30 =	vand.u32 $0x3FFF, v23;
	[tilespmem:$0x2980] =	vst v28  }
0x30: {  	v32 =	vld [tilespmem:$0xC0];
	v31 =	vshra.s32 v23, $0xE;
	[tilespmem:$0x2890] =	vst v30  }
0x31: {  	v33 =	vand.u32 $0x3FFF, v26;
	[tilespmem:$0x2990] =	vst v31  }
0x32: {  	v35 =	vld [tilespmem:$0xD0];
	v34 =	vshra.s32 v26, $0xE;
	[tilespmem:$0x28A0] =	vst v33  }
0x33: {  	v36 =	vand.u32 $0x3FFF, v29;
	[tilespmem:$0x29A0] =	vst v34  }
0x34: {  	v38 =	vld [tilespmem:$0xE0];
	v37 =	vshra.s32 v29, $0xE;
	[tilespmem:$0x28B0] =	vst v36  }
0x35: {  	v39 =	vand.u32 $0x3FFF, v32;
	[tilespmem:$0x29B0] =	vst v37  }
0x36: {  	v41 =	vld [tilespmem:$0xF0];
	v40 =	vshra.s32 v32, $0xE;
	[tilespmem:$0x28C0] =	vst v39  }
0x37: {  	v42 =	vand.u32 $0x3FFF, v35;
	[tilespmem:$0x29C0] =	vst v40  }
0x38: {  	v43 =	vshra.s32 v35, $0xE;
	[tilespmem:$0x28D0] =	vst v42  }
0x39: {  	v44 =	vand.u32 $0x3FFF, v38;
	[tilespmem:$0x29D0] =	vst v43  }
0x3a: {  	v45 =	vshra.s32 v38, $0xE;
	[tilespmem:$0x28E0] =	vst v44  }
0x3b: {  	v46 =	vand.u32 $0x3FFF, v41;
	[tilespmem:$0x29E0] =	vst v45  }
0x3c: {  	v47 =	vshra.s32 v41, $0xE;
	[tilespmem:$0x28F0] =	vst v46  }
0x3d: {  	[tilespmem:$0x29F0] =	vst v47  }
0x3e: {  	[tilespmem:s14], [sflag:$0x1] =	stream.indirect.gather [hbm4b:s4+s12], $0x80, s13, s12, $0xb8;
	[tilespmem:$0x1EA00] =	vst v63  }
0x3f: {  	_ = 	snop  }
0x40: {  	[tilespmem:s16], [sflag:$0x2] =	stream.indirect.gather [hbm4b:s4+s12], $0x80, s15, s12, $0xb8;
	[tilespmem:$0x1EA00] =	vst v63  }
0x41: {  	_ =	swait.ge [sflag:s17], $0x4000  }
0x42: {  	[sflag:s17] =	ssyncset.done $0x0  }
0x43: {  	[sflag:s17] =	ssyncadd.s32 $0xFFFFC000  }
0x44: {  	[spmem:s2] =	stream.indirect.scatter.add.f32 [tilespmem:s14], [sflag:$0x3], $0x80, s18, s12, $0xb8;
	[tilespmem:$0x1EA00] =	vst v63  }
0x45: {  	_ =	swait.ge [sflag:s11], $0x4000  }
0x46: {  	[sflag:s11] =	ssyncset.done $0x0  }
0x47: {  	s22 =	simm.s32 $0x1F0;
	[sflag:s11] =	ssyncadd.s32 $0xFFFFC000  }
0x48: {  	v48 =	vld [tilespmem:s22+$0xFFFFFF10];
	_ =	sdelay $0x4  }
0x49: {  	v49 =	vand.u32 $0x3FFF, v48  }
0x4a: {  	v0 =	vshra.s32 v48, $0xE;
	[tilespmem:$0x2800] =	vst v49  }
0x4b: {  	[tilespmem:$0x2900] =	vst v0  }
0x4c: {  	v0 =	vld [tilespmem:s22+$0xFFFFFF20];
	_ =	sdelay $0x4  }
0x4d: {  	v50 =	vand.u32 $0x3FFF, v0  }
0x4e: {  	v0 =	vshra.s32 v0, $0xE;
	[tilespmem:$0x2810] =	vst v50  }
0x4f: {  	[tilespmem:$0x2910] =	vst v0  }
0x50: {  	v0 =	vld [tilespmem:s22+$0xFFFFFF30];
	_ =	sdelay $0x4  }
0x51: {  	v51 =	vand.u32 $0x3FFF, v0  }
0x52: {  	v0 =	vshra.s32 v0, $0xE;
	[tilespmem:$0x2820] =	vst v51  }
0x53: {  	[tilespmem:$0x2920] =	vst v0  }
0x54: {  	v0 =	vld [tilespmem:s22+$0xFFFFFF40];
	_ =	sdelay $0x4  }
0x55: {  	v52 =	vand.u32 $0x3FFF, v0  }
0x56: {  	v0 =	vshra.s32 v0, $0xE;
	[tilespmem:$0x2830] =	vst v52  }
0x57: {  	[tilespmem:$0x2930] =	vst v0  }
0x58: {  	v0 =	vld [tilespmem:s22+$0xFFFFFF50];
	_ =	sdelay $0x4  }
0x59: {  	v53 =	vand.u32 $0x3FFF, v0  }
0x5a: {  	v0 =	vshra.s32 v0, $0xE;
	[tilespmem:$0x2840] =	vst v53  }
0x5b: {  	[tilespmem:$0x2940] =	vst v0  }
0x5c: {  	v0 =	vld [tilespmem:s22+$0xFFFFFF60];
	_ =	sdelay $0x4  }
0x5d: {  	v54 =	vand.u32 $0x3FFF, v0  }
0x5e: {  	v0 =	vshra.s32 v0, $0xE;
	[tilespmem:$0x2850] =	vst v54  }
0x5f: {  	[tilespmem:$0x2950] =	vst v0  }
0x60: {  	v0 =	vld [tilespmem:s22+$0xFFFFFF70];
	_ =	sdelay $0x4  }
0x61: {  	v55 =	vand.u32 $0x3FFF, v0  }
0x62: {  	v0 =	vshra.s32 v0, $0xE;
	[tilespmem:$0x2860] =	vst v55  }
0x63: {  	[tilespmem:$0x2960] =	vst v0  }
0x64: {  	v0 =	vld [tilespmem:s22+$0xFFFFFF80];
	_ =	sdelay $0x4  }
0x65: {  	v56 =	vand.u32 $0x3FFF, v0  }
0x66: {  	v0 =	vshra.s32 v0, $0xE;
	[tilespmem:$0x2870] =	vst v56  }
0x67: {  	[tilespmem:$0x2970] =	vst v0  }
0x68: {  	[tilespmem:s14], [sflag:$0x1] =	stream.indirect.gather [hbm4b:s4+s12], $0x80, s13, s12, $0xb8;
	[tilespmem:$0x1EA00] =	vst v63  }
0x69: {  	_ =	swait.ge [sflag:s19], $0x4000  }
0x6a: {  	[sflag:s19] =	ssyncset.done $0x0  }
0x6b: {  	[sflag:s19] =	ssyncadd.s32 $0xFFFFC000  }
0x6c: {  	[spmem:s2] =	stream.indirect.scatter.add.f32 [tilespmem:s16], [sflag:$0x3], $0x80, s20, s12, $0xb8;
	[tilespmem:$0x1EA00] =	vst v63  }
0x6d: {  	_ =	swait.ge [sflag:s11], $0x4000  }
0x6e: {  	[sflag:s11] =	ssyncset.done $0x0  }
0x6f: {  	[sflag:s11] =	ssyncadd.s32 $0xFFFFC000  }
0x70: {  	v57 =	vld [tilespmem:s22+$0xFFFFFF90];
	_ =	sdelay $0x4  }
0x71: {  	v58 =	vand.u32 $0x3FFF, v57  }
0x72: {  	v0 =	vshra.s32 v57, $0xE;
	[tilespmem:$0x2880] =	vst v58  }
0x73: {  	[tilespmem:$0x2980] =	vst v0  }
0x74: {  	v0 =	vld [tilespmem:s22+$0xFFFFFFA0];
	_ =	sdelay $0x4  }
0x75: {  	v59 =	vand.u32 $0x3FFF, v0  }
0x76: {  	v0 =	vshra.s32 v0, $0xE;
	[tilespmem:$0x2890] =	vst v59  }
0x77: {  	[tilespmem:$0x2990] =	vst v0  }
0x78: {  	v0 =	vld [tilespmem:s22+$0xFFFFFFB0];
	_ =	sdelay $0x4  }
0x79: {  	v60 =	vand.u32 $0x3FFF, v0  }
0x7a: {  	v0 =	vshra.s32 v0, $0xE;
	[tilespmem:$0x28A0] =	vst v60  }
0x7b: {  	[tilespmem:$0x29A0] =	vst v0  }
0x7c: {  	v0 =	vld [tilespmem:s22+$0xFFFFFFC0];
	_ =	sdelay $0x4  }
0x7d: {  	v61 =	vand.u32 $0x3FFF, v0  }
0x7e: {  	v0 =	vshra.s32 v0, $0xE;
	[tilespmem:$0x28B0] =	vst v61  }
0x7f: {  	[tilespmem:$0x29B0] =	vst v0  }
0x80: {  	v0 =	vld [tilespmem:s22+$0xFFFFFFD0];
	_ =	sdelay $0x4  }
0x81: {  	v62 =	vand.u32 $0x3FFF, v0  }
0x82: {  	v0 =	vshra.s32 v0, $0xE;
	[tilespmem:$0x28C0] =	vst v62  }
0x83: {  	[tilespmem:$0x29C0] =	vst v0  }
0x84: {  	v0 =	vld [tilespmem:s22+$0xFFFFFFE0];
	_ =	sdelay $0x4  }
0x85: {  	v63 =	vand.u32 $0x3FFF, v0  }
0x86: {  	v0 =	vshra.s32 v0, $0xE;
	[tilespmem:$0x28D0] =	vst v63  }
0x87: {  	s23 =	simm.s32 $0xBC0;
	[tilespmem:$0x29D0] =	vst v0  }
.LBB2_2:
0x88: {  	p0 =	sne.s32 s23, $0x9FC0;
	v0 =	vld [tilespmem:s22+$0xFFFFFFF0];
	s24 =	smov.u32 s23;
	s23 =	sadd.s32 $0x400, s23  }
0x89: {  	_ =	sdelay $0x3  }
0x8a: {  	v1 =	vand.u32 $0x3FFF, v0;
	v0 =	vshra.s32 v0, $0xE  }
0x8b: {  	[tilespmem:$0x28E0] =	vst v1  }
0x8c: {  	[tilespmem:$0x29E0] =	vst v0  }
0x8d: {  	v0 =	vld [tilespmem:s22+$0x0];
	_ =	sdelay $0x4  }
0x8e: {  	v1 =	vand.u32 $0x3FFF, v0;
	v0 =	vshra.s32 v0, $0xE  }
0x8f: {  	[tilespmem:$0x28F0] =	vst v1  }
0x90: {  	[tilespmem:$0x29F0] =	vst v0  }
0x91: {  	[tilespmem:s16], [sflag:$0x2] =	stream.indirect.gather [hbm4b:s4+s12], $0x80, s15, s12, $0xb8;
	[tilespmem:$0x1EA00] =	vst v63  }
0x92: {  	_ =	swait.ge [sflag:s17], $0x4000  }
0x93: {  	[sflag:s17] =	ssyncset.done $0x0  }
0x94: {  	[sflag:s17] =	ssyncadd.s32 $0xFFFFC000  }
0x95: {  	[spmem:s2] =	stream.indirect.scatter.add.f32 [tilespmem:s14], [sflag:$0x3], $0x80, s18, s12, $0xb8;
	[tilespmem:$0x1EA00] =	vst v63  }
0x96: {  	_ =	swait.ge [sflag:s11], $0x4000  }
0x97: {  	[sflag:s11] =	ssyncset.done $0x0  }
0x98: {  	s22 =	sshra.s32 s24, $0x2;
	[sflag:s11] =	ssyncadd.s32 $0xFFFFC000  }
0x99: {  	v0 =	vld [tilespmem:s22+$0xFFFFFF10];
	_ =	sdelay $0x4  }
0x9a: {  	v1 =	vand.u32 $0x3FFF, v0;
	v0 =	vshra.s32 v0, $0xE  }
0x9b: {  	[tilespmem:$0x2800] =	vst v1  }
0x9c: {  	[tilespmem:$0x2900] =	vst v0  }
0x9d: {  	v0 =	vld [tilespmem:s22+$0xFFFFFF20];
	_ =	sdelay $0x4  }
0x9e: {  	v1 =	vand.u32 $0x3FFF, v0;
	v0 =	vshra.s32 v0, $0xE  }
0x9f: {  	[tilespmem:$0x2810] =	vst v1  }
0xa0: {  	[tilespmem:$0x2910] =	vst v0  }
0xa1: {  	v0 =	vld [tilespmem:s22+$0xFFFFFF30];
	_ =	sdelay $0x4  }
0xa2: {  	v1 =	vand.u32 $0x3FFF, v0;
	v0 =	vshra.s32 v0, $0xE  }
0xa3: {  	[tilespmem:$0x2820] =	vst v1  }
0xa4: {  	[tilespmem:$0x2920] =	vst v0  }
0xa5: {  	v0 =	vld [tilespmem:s22+$0xFFFFFF40];
	_ =	sdelay $0x4  }
0xa6: {  	v1 =	vand.u32 $0x3FFF, v0;
	v0 =	vshra.s32 v0, $0xE  }
0xa7: {  	[tilespmem:$0x2830] =	vst v1  }
0xa8: {  	[tilespmem:$0x2930] =	vst v0  }
0xa9: {  	v0 =	vld [tilespmem:s22+$0xFFFFFF50];
	_ =	sdelay $0x4  }
0xaa: {  	v1 =	vand.u32 $0x3FFF, v0;
	v0 =	vshra.s32 v0, $0xE  }
0xab: {  	[tilespmem:$0x2840] =	vst v1  }
0xac: {  	[tilespmem:$0x2940] =	vst v0  }
0xad: {  	v0 =	vld [tilespmem:s22+$0xFFFFFF60];
	_ =	sdelay $0x4  }
0xae: {  	v1 =	vand.u32 $0x3FFF, v0;
	v0 =	vshra.s32 v0, $0xE  }
0xaf: {  	[tilespmem:$0x2850] =	vst v1  }
0xb0: {  	[tilespmem:$0x2950] =	vst v0  }
0xb1: {  	v0 =	vld [tilespmem:s22+$0xFFFFFF70];
	_ =	sdelay $0x4  }
0xb2: {  	v1 =	vand.u32 $0x3FFF, v0;
	v0 =	vshra.s32 v0, $0xE  }
0xb3: {  	[tilespmem:$0x2860] =	vst v1  }
0xb4: {  	[tilespmem:$0x2960] =	vst v0  }
0xb5: {  	v0 =	vld [tilespmem:s22+$0xFFFFFF80];
	_ =	sdelay $0x4  }
0xb6: {  	v1 =	vand.u32 $0x3FFF, v0;
	v0 =	vshra.s32 v0, $0xE  }
0xb7: {  	[tilespmem:$0x2870] =	vst v1  }
0xb8: {  	[tilespmem:$0x2970] =	vst v0  }
0xb9: {  	[tilespmem:s14], [sflag:$0x1] =	stream.indirect.gather [hbm4b:s4+s12], $0x80, s13, s12, $0xb8;
	[tilespmem:$0x1EA00] =	vst v63  }
0xba: {  	_ =	swait.ge [sflag:s19], $0x4000  }
0xbb: {  	[sflag:s19] =	ssyncset.done $0x0  }
0xbc: {  	[sflag:s19] =	ssyncadd.s32 $0xFFFFC000  }
0xbd: {  	[spmem:s2] =	stream.indirect.scatter.add.f32 [tilespmem:s16], [sflag:$0x3], $0x80, s20, s12, $0xb8;
	[tilespmem:$0x1EA00] =	vst v63  }
0xbe: {  	_ =	swait.ge [sflag:s11], $0x4000  }
0xbf: {  	[sflag:s11] =	ssyncset.done $0x0  }
0xc0: {  	[sflag:s11] =	ssyncadd.s32 $0xFFFFC000  }
0xc1: {  	v0 =	vld [tilespmem:s22+$0xFFFFFF90];
	_ =	sdelay $0x4  }
0xc2: {  	v1 =	vand.u32 $0x3FFF, v0;
	v0 =	vshra.s32 v0, $0xE  }
0xc3: {  	[tilespmem:$0x2880] =	vst v1  }
0xc4: {  	[tilespmem:$0x2980] =	vst v0  }
0xc5: {  	v0 =	vld [tilespmem:s22+$0xFFFFFFA0];
	_ =	sdelay $0x4  }
0xc6: {  	v1 =	vand.u32 $0x3FFF, v0;
	v0 =	vshra.s32 v0, $0xE  }
0xc7: {  	[tilespmem:$0x2890] =	vst v1  }
0xc8: {  	[tilespmem:$0x2990] =	vst v0  }
0xc9: {  	v0 =	vld [tilespmem:s22+$0xFFFFFFB0];
	_ =	sdelay $0x4  }
0xca: {  	v1 =	vand.u32 $0x3FFF, v0;
	v0 =	vshra.s32 v0, $0xE  }
0xcb: {  	[tilespmem:$0x28A0] =	vst v1  }
0xcc: {  	[tilespmem:$0x29A0] =	vst v0  }
0xcd: {  	v0 =	vld [tilespmem:s22+$0xFFFFFFC0];
	_ =	sdelay $0x4  }
0xce: {  	v1 =	vand.u32 $0x3FFF, v0;
	v0 =	vshra.s32 v0, $0xE  }
0xcf: {  	[tilespmem:$0x28B0] =	vst v1  }
0xd0: {  	[tilespmem:$0x29B0] =	vst v0  }
0xd1: {  	v0 =	vld [tilespmem:s22+$0xFFFFFFD0];
	_ =	sdelay $0x4  }
0xd2: {  	v1 =	vand.u32 $0x3FFF, v0;
	v0 =	vshra.s32 v0, $0xE  }
0xd3: {  	[tilespmem:$0x28C0] =	vst v1  }
0xd4: {  	[tilespmem:$0x29C0] =	vst v0  }
0xd5: {  	v0 =	vld [tilespmem:s22+$0xFFFFFFE0];
	_ =	sdelay $0x2  }
.Ltmp0:
0xd6: {  	(pc) =	sbr.rel @p0 .LBB2_2-.Ltmp0, $4  }
0xd7: {  	_ = 	snop  }
0xd8: {  	v1 =	vand.u32 $0x3FFF, v0;
	v0 =	vshra.s32 v0, $0xE  }
0xd9: {  	[tilespmem:$0x28D0] =	vst v1  }
0xda: {  	[tilespmem:$0x29D0] =	vst v0  }
0xdb: {  	v0 =	vld [tilespmem:s22+$0xFFFFFFF0];
	_ =	sdelay $0x4  }
0xdc: {  	v1 =	vand.u32 $0x3FFF, v0  }
0xdd: {  	v0 =	vshra.s32 v0, $0xE;
	[tilespmem:$0x28E0] =	vst v1  }
0xde: {  	[tilespmem:$0x29E0] =	vst v0  }
0xdf: {  	v0 =	vld [tilespmem:s22+$0x0];
	_ =	sdelay $0x4  }
0xe0: {  	v63 =	vand.u32 $0x3FFF, v0  }
0xe1: {  	v0 =	vshra.s32 v0, $0xE;
	[tilespmem:$0x28F0] =	vst v63  }
0xe2: {  	[tilespmem:$0x29F0] =	vst v0  }
0xe3: {  	[tilespmem:s16], [sflag:$0x2] =	stream.indirect.gather [hbm4b:s4+s12], $0x80, s15, s12, $0xb8;
	[tilespmem:$0x1EA00] =	vst v63  }
0xe4: {  	_ =	swait.ge [sflag:s17], $0x4000  }
0xe5: {  	[sflag:s17] =	ssyncset.done $0x0  }
0xe6: {  	[sflag:s17] =	ssyncadd.s32 $0xFFFFC000  }
0xe7: {  	[spmem:s2] =	stream.indirect.scatter.add.f32 [tilespmem:s14], [sflag:$0x3], $0x80, s18, s12, $0xb8;
	[tilespmem:$0x1EA00] =	vst v63  }
0xe8: {  	_ =	swait.ge [sflag:s11], $0x4000  }
0xe9: {  	[sflag:s11] =	ssyncset.done $0x0  }
0xea: {  	[sflag:s11] =	ssyncadd.s32 $0xFFFFC000  }
0xeb: {  	_ =	swait.ge [sflag:s19], $0x4000  }
0xec: {  	[sflag:s19] =	ssyncset.done $0x0  }
0xed: {  	[sflag:s19] =	ssyncadd.s32 $0xFFFFC000  }
0xee: {  	[spmem:s2] =	stream.indirect.scatter.add.f32 [tilespmem:s16], [sflag:$0x3], $0x80, s20, s12, $0xb8;
	[tilespmem:$0x1EA00] =	vst v63  }
0xef: {  	_ =	swait.ge [sflag:s11], $0x4000  }
0xf0: {  	s21 =	sadd.s32 $0x1, s21;
	[sflag:s11] =	ssyncset.done $0x0  }
0xf1: {  	p0 =	sne.s32 s21, s9;
	[sflag:s11] =	ssyncadd.s32 $0xFFFFC000  }
.Ltmp1:
0xf2: {  	[bflag:$0x0] =	sbarrier.arrive $0xFFFF;
	(pc) =	sbr.rel @p0 .LBB2_1-.Ltmp1, $4  }
0xf3: {  	[hbm:s8], [sflag:s6] =	dma.local [spmem:s10], $0x2800  }
0xf4: {  	_ =	swait.ge [sflag:s11], $0x2800  }
0xf5: {  	[sflag:s11] =	ssyncset.done $0x0  }
0xf6: {  	[sflag:s11] =	ssyncadd.s32 $0xFFFFD800  }
0xf7: {  	_ =	sfence.sel $0x180000  }
0xf8: {  	[bflag:$0x0] =	sbarrier.arrive $0xFFFF  }
0xf9: {  	p0 =	sne.s32 s0, $0x0;
	_ =	strace $0x9000004A  }
0xfa: {  	s0 =	sadd.s32 @!p0 $0x100000, s1;
	[bflag:$0x2] =	sbarrier.arrive $0xFFFF  }
0xfb: {  	[sflag:s0] =	ssyncadd.tile.s32 @!p0 $0x1;
	_ =	shalt  }
.Lfunc_end2:
_tile_overlayer_lowered:
.L_overlay_start_2:
0xfc: {  	(tag) =	ssettag $0x2  }
0xfd: {  	s0 =	rddreg [dreg:$0x0];
	s2 =	stileid.u32  }
0xfe: {  	s1 =	rddreg [dreg:$0x1];
	p0 =	sne.s32 s2, $0x0  }
0xff: {  	s3 =	rddreg [dreg:$0x2];
	[bflag:$0x3] =	sbarrier.arrive $0xFFFF;
	s2 =	simm.s32 @!p0 $0x1C03  }
0x100: {  	[timem:s3], [sflag:s2] =	dma.local @!p0 [hbm:s0], s1  }
0x101: {  	s0 =	simm.s32 @!p0 $0x3  }
0x102: {  	_ =	swait.ge @!p0 [sflag:s0], s1  }
0x103: {  	s1 =	ssub.s32 @!p0 $0x0, s1;
	[sflag:s0] =	ssyncset.done @!p0 $0x0  }
0x104: {  	[sflag:s0] =	ssyncadd.s32 @!p0 s1  }
0x105: {  	[bflag:$0x3] =	sbarrier.arrive $0xFFFF  }
0x106: {  	_ =	shalt  }

// kernel: kernel.14.cloned.1.call-start
scs
__scs_entry_jumppad:
0x0: {  	(pc) =	sbr.rel $0x88, $3  }
0x1: {  	(tag) =	ssettag $0x0;
	lr =	simm.s32 $0x1  }
0x2: {  	[smem:$0x3F99] =	sst lr;
	_ =	strace $0xD0000000  }
0x3: {  	_ = 	snop  }
0x4: {  	_ = 	snop  }
0x5: {  	_ = 	snop  }
0x6: {  	_ = 	snop  }
0x7: {  	_ = 	snop  }
__scs_overlays_trampoline_lowered:
0x8: {  	[smem:$0x3FA8] =	sst s0  }
0x9: {  	[smem:$0x3FA9] =	sst s1  }
0xa: {  	[smem:$0x3FAA] =	sst s2  }
0xb: {  	[smem:$0x3FAB] =	sst s3  }
0xc: {  	[smem:$0x3FAC] =	sst s4  }
0xd: {  	[smem:$0x3FAD] =	sst s5  }
0xe: {  	[smem:$0x3FAE] =	sst s6  }
0xf: {  	[smem:$0x3FAF] =	sst s7  }
0x10: {  	[smem:$0x3FB0] =	sst s8  }
0x11: {  	[smem:$0x3FB1] =	sst s9;
	s0 =	simm.s32 @!p0 $0x0  }
0x12: {  	s1 =	sld [smem:$0x3F97];
	s0 =	simm.s32 @p0 $0x1  }
0x13: {  	[smem:$0x3FB2] =	sst s0;
	s0 =	simm.s32 @!p1 $0x0  }
0x14: {  	s2 =	sld [smem:$0x3F96];
	s0 =	simm.s32 @p1 $0x1  }
0x15: {  	[smem:$0x3FB3] =	sst s0;
	s0 =	simm.s32 @!p2 $0x0  }
0x16: {  	s3 =	sld [smem:$0x3FDB];
	s0 =	simm.s32 @p2 $0x1  }
0x17: {  	s4 =	simm.s32 $0x1BF5;
	[smem:$0x3FB5] =	sst s0  }
0x18: {  	s0 =	sld [smem:$0x3F98];
	_ =	swait.ge [sflag:s4], $0x0  }
0x19: {  	s7 =	sld [smem:$0x3F99]  }
0x1a: {  	s8 =	sadd.s32 $0xFFFFE003, lr  }
0x1b: {  	s9 =	sadd.s32 $0xFFFFFEF7, lr;
	s5 =	simm.s32 $0xFFFFFFFF;
	p2 =	slt.u32 s8, $0xFFFFF086  }
0x1c: {  	p1 =	slt.u32 s9, $0xF7A;
	s5 =	simm.s32 @!p2 $0x0  }
0x1d: {  	s5 =	simm.s32 @p1 $0x1;
	p0 =	seq.s32 s7, s2  }
0x1e: {  	s7 =	smul.u32 @!p0 $0xF7A, s2;
	p2 =	seq.s32 @!p0 s5, $0x0  }
0x1f: {  	s9 =	smul.u32 $0xF7A, s1;
	s8 =	simm.s32 @!p0 $0x1BF5;
	p2 =	por !p2, p0  }
0x20: {  	[sflag:s8] =	ssyncset.s32 @!p0 $0xFFFFF086;
	s6 =	sadd.s32 @!p0 s3, s7;
	s7 =	simm.s32 @!p0 $0x108  }
0x21: {  	s3 =	sadd.s32 s3, s9;
	s6 =	sadd.s32 @!p0 $0x88, s6;
	s7 =	simm.s32 @p2 $0x1082  }
0x22: {  	[simem:s7], [sflag:s8] =	dma.local @!p0 [hbm:s6], $0xF7A  }
0x23: {  	s9 =	sor.u32 $0xD0000000, s2;
	s6 =	simm.s32 $0x108;
	_ =	swait.ge @!p0 [sflag:s8], $0x0  }
0x24: {  	s3 =	sadd.s32 $0x88, s3;
	s6 =	simm.s32 @!p1 $0x1082;
	[sflag:s4] =	ssyncset.s32 $0xFFFFF086  }
0x25: {  	[simem:s6], [sflag:s4] =	dma.local [hbm:s3], $0xF7A  }
0x26: {  	[smem:$0x3F99] =	sst s1;
	(tag) =	ssettag s2;
	_ =	strace s9  }
0x27: {  	s1 =	sld [smem:$0x3FA9]  }
0x28: {  	s2 =	sld [smem:$0x3FAA]  }
0x29: {  	s4 =	sld [smem:$0x3FAC]  }
0x2a: {  	p0 =	seq.s32 s5, $0x0;
	s5 =	sld [smem:$0x3FAD]  }
0x2b: {  	s6 =	sld [smem:$0x3FAE]  }
0x2c: {  	s7 =	sld [smem:$0x3FAF]  }
0x2d: {  	s3 =	simm.s32 $0x108;
	s8 =	sld [smem:$0x3FB0]  }
0x2e: {  	s3 =	simm.s32 @!p0 $0x1082;
	s9 =	sld [smem:$0x3FB1]  }
0x2f: {  	lr =	sadd.s32 s0, s3;
	s0 =	sld [smem:$0x3FA8]  }
0x30: {  	s3 =	sld [smem:$0x3FAB]  }
0x31: {  	[smem:$0x3FB4] =	sst s10  }
0x32: {  	s10 =	sld [smem:$0x3FB2];
	_ =	sdelay $0x3  }
0x33: {  	p0 =	seq.s32 s10, $0x1;
	s10 =	sld [smem:$0x3FB4];
	_ =	sdelay $0x3  }
0x34: {  	[smem:$0x3FB4] =	sst s10  }
0x35: {  	s10 =	sld [smem:$0x3FB3];
	_ =	sdelay $0x3  }
0x36: {  	p1 =	seq.s32 s10, $0x1;
	s10 =	sld [smem:$0x3FB4];
	_ =	sdelay $0x3  }
0x37: {  	[smem:$0x3FB4] =	sst s10  }
0x38: {  	s10 =	sld [smem:$0x3FB5]  }
0x39: {  	_ = 	snop;
	(pc) =	sbr.ind lr, $3  }
0x3a: {  	_ = 	snop  }
0x3b: {  	_ = 	snop  }
0x3c: {  	p2 =	seq.s32 s10, $0x1;
	s10 =	sld [smem:$0x3FB4]  }
0x3d: {  	_ =	shalt  }
0x3e: {  	_ =	shalt  }
0x3f: {  	_ =	shalt  }
0x40: {  	_ =	shalt  }
0x41: {  	_ =	shalt  }
0x42: {  	_ =	shalt  }
0x43: {  	_ =	shalt  }
0x44: {  	_ =	shalt  }
0x45: {  	_ =	shalt  }
0x46: {  	_ =	shalt  }
0x47: {  	_ =	shalt  }
0x48: {  	_ =	shalt  }
0x49: {  	_ =	shalt  }
0x4a: {  	_ =	shalt  }
0x4b: {  	_ =	shalt  }
0x4c: {  	_ =	shalt  }
0x4d: {  	_ =	shalt  }
0x4e: {  	_ =	shalt  }
0x4f: {  	_ =	shalt  }
0x50: {  	_ =	shalt  }
0x51: {  	_ =	shalt  }
0x52: {  	_ =	shalt  }
0x53: {  	_ =	shalt  }
0x54: {  	_ =	shalt  }
0x55: {  	_ =	shalt  }
0x56: {  	_ =	shalt  }
0x57: {  	_ =	shalt  }
0x58: {  	_ =	shalt  }
0x59: {  	_ =	shalt  }
0x5a: {  	_ =	shalt  }
0x5b: {  	_ =	shalt  }
0x5c: {  	_ =	shalt  }
0x5d: {  	_ =	shalt  }
0x5e: {  	_ =	shalt  }
0x5f: {  	_ =	shalt  }
0x60: {  	_ =	shalt  }
0x61: {  	_ =	shalt  }
0x62: {  	_ =	shalt  }
0x63: {  	_ =	shalt  }
0x64: {  	_ =	shalt  }
0x65: {  	_ =	shalt  }
0x66: {  	_ =	shalt  }
0x67: {  	_ =	shalt  }
0x68: {  	_ =	shalt  }
0x69: {  	_ =	shalt  }
0x6a: {  	_ =	shalt  }
0x6b: {  	_ =	shalt  }
0x6c: {  	_ =	shalt  }
0x6d: {  	_ =	shalt  }
0x6e: {  	_ =	shalt  }
0x6f: {  	_ =	shalt  }
0x70: {  	_ =	shalt  }
0x71: {  	_ =	shalt  }
0x72: {  	_ =	shalt  }
0x73: {  	_ =	shalt  }
0x74: {  	_ =	shalt  }
0x75: {  	_ =	shalt  }
0x76: {  	_ =	shalt  }
0x77: {  	_ =	shalt  }
0x78: {  	_ =	shalt  }
0x79: {  	_ =	shalt  }
0x7a: {  	_ =	shalt  }
0x7b: {  	_ =	shalt  }
0x7c: {  	_ =	shalt  }
0x7d: {  	_ =	shalt  }
0x7e: {  	_ =	shalt  }
0x7f: {  	_ =	shalt  }
0x80: {  	_ =	shalt  }
0x81: {  	_ =	shalt  }
0x82: {  	_ =	shalt  }
0x83: {  	_ =	shalt  }
0x84: {  	_ =	shalt  }
0x85: {  	_ =	shalt  }
0x86: {  	_ =	shalt  }
0x87: {  	_ =	shalt  }
.Lfunc_end0:
.L_simem_size_0:
called_computation.2_lowered:
.L_overlay_start_0:
0x88: {  	s2 =	sld [smem:$0x3FD9]  }
0x89: {  	s3 =	sld [smem:$0x3FFE];
	_ =	sdelay $0x1  }
0x8a: {  	s1 =	srdreg.scid  }
0x8b: {  	s0 =	sand.u32 $0x1, s1  }
0x8c: {  	s16 =	sshll.u32 s0, $0xA;
	s2 =	sadd.s32 s3, s2  }
0x8d: {  	s2 =	sadd.s32 s2, s16  }
0x8e: {  	[smem:$0x3FC0] =	sst s2  }
0x8f: {  	_ = 	snop  }
0x90: {  	(tm) =	ssettm $0x1  }
0x91: {  	s17 =	sld [smem:$0x3FFB];
	_ =	sdelay $0x3  }
0x92: {  	_ =	strace s17  }
0x93: {  	s2 =	sld [smem:$0x3FFC];
	_ =	sdelay $0x3  }
0x94: {  	_ =	strace s2  }
0x95: {  	s2 =	sld [smem:$0x3FFD];
	_ =	sdelay $0x3  }
0x96: {  	_ =	strace s2  }
0x97: {  	_ =	strace $0x8FFFFFFF  }
0x98: {  	s18 =	sld [smem:$0x3FDB];
	_ =	sdelay $0x1  }
0x99: {  	s19 =	simm.s32 $_scs_section_size  }
0x9a: {  	s4 =	simm.s32 $_size__tile_overlayer_lowered;
	s5 =	simm.s32 $_tile_overlayer_lowered  }
0x9b: {  	s22 =	simm.s32 $0x1BFF;
	s21 =	sshll.u32 s5, $0x1;
	s2 =	sadd.s32 s19, s18  }
0x9c: {  	s6 =	simm.s32 $0x0;
	s20 =	sshll.u32 s4, $0x1;
	s4 =	sadd.s32 s21, s2  }
0x9d: {  	[timem:s6], [sflag:s22] =	dma.local [hbm:s4], s20  }
0x9e: {  	_ =	swait.ge [sflag:s22], s20  }
0x9f: {  	s3 =	ssub.s32 $0x0, s20;
	[sflag:s22] =	ssyncset.done $0x0  }
0xa0: {  	[sflag:s22] =	ssyncadd.s32 s3;
	_ =	sdelay $0x1  }
0xa1: {  	s23 =	simm.s32 $0x1B8B  }
0xa2: {  	_ =	swait.ge [sflag:s23], $0x1  }
0xa3: {  	[sflag:s23] =	ssyncset.done $0x0  }
0xa4: {  	s25 =	simm.s32 $0x1B8E;
	s24 =	sld [smem:$0x3FFE];
	[sflag:s23] =	ssyncadd.s32 $0xFFFFFFFF  }
0xa5: {  	s26 =	simm.s32 $execute0_lowered;
	[smem:$0x3FD2] =	sst s25  }
0xa6: {  	s4 =	sshll.u32 s26, $0x1;
	_ =	strace $0x8000004C;
	[dreg:$0x1] =	wrdreg $0xFFFFFFFF  }
0xa7: {  	s28 =	simm.s32 $_size_execute0_lowered;
	s2 =	sadd.s32 s2, s4;
	[dreg:$0x0] =	wrdreg $0x0  }
0xa8: {  	s4 =	sshll.u32 s28, $0x1;
	[dreg:$0x2] =	wrdreg s2  }
0xa9: {  	[dreg:$0x3] =	wrdreg s4  }
0xaa: {  	[dreg:$0x4] =	wrdreg $0xC0  }
0xab: {  	_ =	task [dreg:s6], $0x5FFFF  }
0xac: {  	[dreg:$0x1] =	wrdreg $0xFFFFFFFF  }
0xad: {  	[dreg:$0x0] =	wrdreg $0x60  }
0xae: {  	[dreg:$0x2] =	wrdreg s24  }
0xaf: {  	[dreg:$0x3] =	wrdreg $0xAA000  }
0xb0: {  	[dreg:$0x4] =	wrdreg $0x9  }
0xb1: {  	_ =	task.clear_ibuf [dreg:s6], $0x5FFFF;
	_ =	strace $0x9000004C  }
0xb2: {  	s29 =	simm.s32 $0x9;
	_ =	strace $0x8000004E  }
0xb3: {  	_ =	swait.ge [sflag:s29], $0x1  }
0xb4: {  	[sflag:s29] =	ssyncadd.s32 $0xFFFFFFFF  }
0xb5: {  	_ =	strace $0x9000004E  }
0xb6: {  	_ =	sfence  }
0xb7: {  	s30 =	sld [smem:$0x0];
	_ =	sdelay $0x2  }
0xb8: {  	s31 =	sshll.u32 s1, $0xD;
	s1 =	sshrl.u32 s1, $0x2  }
0xb9: {  	s3 =	sand.u32 $0x4000, s31;
	s1 =	sadd.s32 s1, s30  }
0xba: {  	s0 =	sor.u32 s3, s0;
	s1 =	sshll.u32 s1, $0x11  }
0xbb: {  	s0 =	sor.u32 s1, s0  }
0xbc: {  	s0 =	sadd.s32 $0x8F2B, s0  }
0xbd: {  	[sflag:s0] =	ssyncadd.remote.s32 $0x1  }
0xbe: {  	_ =	sfence.sel $0xFFFF  }
0xbf: {  	[dreg:$0x0] =	wrdreg $0xFFFFFFFF;
	(pc) =	sbr.abs _section_cstart, $3  }
0xc0: {  	[dreg:$0x1] =	wrdreg $0xFFFFFFFF  }
0xc1: {  	_ =	task.clear_ibuf [dreg:s6], $0x2FFFF;
	_ =	strace $0x9FFFFFFF  }
0xc2: {  	(tm) =	ssettm $0x7FFFFFFF  }
0xc3: {  	_ =	shalt  }
tec
execute0_lowered:
.L_overlay_start_1:
0x0: {  	(tag) =	ssettag $0x1  }
0x1: {  	s6 =	rddreg [dreg:$0x0]  }
0x2: {  	s0 =	srdreg.scid;
	s2 =	rddreg [dreg:$0x1]  }
0x3: {  	s3 =	simm.s32 $0x0;
	s13 =	simm.s32 $0x2800;
	s14 =	simm.s32 $0x2A00  }
0x4: {  	s15 =	simm.s32 $0x2880;
	s16 =	simm.s32 $0x6A00;
	s17 =	simm.s32 $0x1  }
0x5: {  	s18 =	simm.s32 $0x2900;
	s19 =	simm.s32 $0x2;
	s5 =	sand.u32 $0x1, s0  }
0x6: {  	s20 =	simm.s32 $0x2980;
	s0 =	stileid.u32;
	s8 =	smul.u32 $0x140000, s5  }
0x7: {  	s21 =	simm.s32 $0x0;
	[smem:$0x7FF] =	sst s3;
	s9 =	smul.u32 $0x14000, s0  }
0x8: {  	s4 =	sadd.s32 $0x16600, s6;
	s1 =	sshll.u32 s5, $0x4;
	s10 =	smul.u32 $0x2800, s0  }
0x9: {  	s5 =	ssub.s32 $0x2, s5;
	s28 =	smul.u32 $0x50000, s0;
	s1 =	sor.u32 s0, s1  }
0xa: {  	s31 =	sshll.u32 s0, $0x6;
	s29 =	sshrl.u32 s5, $0x1;
	s7 =	smul.u32 $0x500, s1  }
0xb: {  	s1 =	rddreg [dreg:$0x2];
	_ =	strace $0x8000004D;
	s8 =	sadd.s32 s9, s8  }
0xc: {  	s10 =	sadd.s32 s10, s6;
	s11 =	ssub.s32 s5, s29;
	s30 =	sshrl.u32 s28, $0x2  }
0xd: {  	s8 =	sshrl.u32 s8, $0x3;
	s12 =	sadd.s32 s30, s2;
	s5 =	sadd.s32 $0x3E600, s10  }
0xe: {  	s9 =	smax.u32 s11, $0x1;
	s11 =	simm.s32 $0x3;
	s7 =	sadd.s32 s7, s6  }
0xf: {  	s8 =	sadd.s32 s8, s6;
	s6 =	sor.u32 $0x1C03, s31;
	s10 =	sshrl.u32 s12, $0x3  }
0x10: {  	s12 =	simm.s32 $0x80;
	s7 =	sadd.s32 $0xC600, s7;
	s8 =	sadd.s32 $0x66600, s8  }
.LBB2_1:
0x11: {  	[spmem:s10], [sflag:s6] =	dma.local [hbm:s5], $0x2800  }
0x12: {  	_ =	swait.ge [sflag:s11], $0x2800  }
0x13: {  	[sflag:s11] =	ssyncset.done $0x0  }
0x14: {  	[sflag:s11] =	ssyncadd.s32 $0xFFFFD800  }
0x15: {  	[tilespmem:s3], [sflag:$0x3] =	stream.linear.gather [hbm4b:s7+s3], $0x2800, $0x38;
	[tilespmem:$0x1EA00] =	vst v63  }
0x16: {  	_ =	swait.ge [sflag:s11], $0x2800  }
0x17: {  	[sflag:s11] =	ssyncset.done $0x0  }
0x18: {  	[sflag:s11] =	ssyncadd.s32 $0xFFFFD800  }
0x19: {  	[bflag:$0x0] =	sbarrier.arrive $0xFFFF  }
0x1a: {  	v0 =	vld [tilespmem:$0x0];
	_ =	sdelay $0x1  }
0x1b: {  	v1 =	vld [tilespmem:$0x10];
	_ =	sdelay $0x1  }
0x1c: {  	v2 =	vld [tilespmem:$0x20]  }
0x1d: {  	v3 =	vand.u32 $0x3FFF, v0  }
0x1e: {  	v63 =	vld [tilespmem:$0x30];
	v0 =	vshra.s32 v0, $0xE;
	[tilespmem:$0x2800] =	vst v3  }
0x1f: {  	v6 =	vand.u32 $0x3FFF, v1;
	[tilespmem:$0x2900] =	vst v0  }
0x20: {  	v8 =	vld [tilespmem:$0x40];
	v7 =	vshra.s32 v1, $0xE;
	[tilespmem:$0x2810] =	vst v6  }
0x21: {  	v9 =	vand.u32 $0x3FFF, v2;
	[tilespmem:$0x2910] =	vst v7  }
0x22: {  	v11 =	vld [tilespmem:$0x50];
	v10 =	vshra.s32 v2, $0xE;
	[tilespmem:$0x2820] =	vst v9  }
0x23: {  	v12 =	vand.u32 $0x3FFF, v63;
	[tilespmem:$0x2920] =	vst v10  }
0x24: {  	v14 =	vld [tilespmem:$0x60];
	v13 =	vshra.s32 v63, $0xE;
	[tilespmem:$0x2830] =	vst v12  }
0x25: {  	v15 =	vand.u32 $0x3FFF, v8;
	[tilespmem:$0x2930] =	vst v13  }
0x26: {  	v17 =	vld [tilespmem:$0x70];
	v16 =	vshra.s32 v8, $0xE;
	[tilespmem:$0x2840] =	vst v15  }
0x27: {  	v18 =	vand.u32 $0x3FFF, v11;
	[tilespmem:$0x2940] =	vst v16  }
0x28: {  	v20 =	vld [tilespmem:$0x80];
	v19 =	vshra.s32 v11, $0xE;
	[tilespmem:$0x2850] =	vst v18  }
0x29: {  	v21 =	vand.u32 $0x3FFF, v14;
	[tilespmem:$0x2950] =	vst v19  }
0x2a: {  	v23 =	vld [tilespmem:$0x90];
	v22 =	vshra.s32 v14, $0xE;
	[tilespmem:$0x2860] =	vst v21  }
0x2b: {  	v24 =	vand.u32 $0x3FFF, v17;
	[tilespmem:$0x2960] =	vst v22  }
0x2c: {  	v26 =	vld [tilespmem:$0xA0];
	v25 =	vshra.s32 v17, $0xE;
	[tilespmem:$0x2870] =	vst v24  }
0x2d: {  	v27 =	vand.u32 $0x3FFF, v20;
	[tilespmem:$0x2970] =	vst v25  }
0x2e: {  	v29 =	vld [tilespmem:$0xB0];
	v28 =	vshra.s32 v20, $0xE;
	[tilespmem:$0x2880] =	vst v27  }
0x2f: {  	v30 =	vand.u32 $0x3FFF, v23;
	[tilespmem:$0x2980] =	vst v28  }
0x30: {  	v32 =	vld [tilespmem:$0xC0];
	v31 =	vshra.s32 v23, $0xE;
	[tilespmem:$0x2890] =	vst v30  }
0x31: {  	v33 =	vand.u32 $0x3FFF, v26;
	[tilespmem:$0x2990] =	vst v31  }
0x32: {  	v35 =	vld [tilespmem:$0xD0];
	v34 =	vshra.s32 v26, $0xE;
	[tilespmem:$0x28A0] =	vst v33  }
0x33: {  	v36 =	vand.u32 $0x3FFF, v29;
	[tilespmem:$0x29A0] =	vst v34  }
0x34: {  	v38 =	vld [tilespmem:$0xE0];
	v37 =	vshra.s32 v29, $0xE;
	[tilespmem:$0x28B0] =	vst v36  }
0x35: {  	v39 =	vand.u32 $0x3FFF, v32;
	[tilespmem:$0x29B0] =	vst v37  }
0x36: {  	v41 =	vld [tilespmem:$0xF0];
	v40 =	vshra.s32 v32, $0xE;
	[tilespmem:$0x28C0] =	vst v39  }
0x37: {  	v42 =	vand.u32 $0x3FFF, v35;
	[tilespmem:$0x29C0] =	vst v40  }
0x38: {  	v43 =	vshra.s32 v35, $0xE;
	[tilespmem:$0x28D0] =	vst v42  }
0x39: {  	v44 =	vand.u32 $0x3FFF, v38;
	[tilespmem:$0x29D0] =	vst v43  }
0x3a: {  	v45 =	vshra.s32 v38, $0xE;
	[tilespmem:$0x28E0] =	vst v44  }
0x3b: {  	v46 =	vand.u32 $0x3FFF, v41;
	[tilespmem:$0x29E0] =	vst v45  }
0x3c: {  	v47 =	vshra.s32 v41, $0xE;
	[tilespmem:$0x28F0] =	vst v46  }
0x3d: {  	[tilespmem:$0x29F0] =	vst v47  }
0x3e: {  	[tilespmem:s14], [sflag:$0x1] =	stream.indirect.gather [hbm4b:s4+s12], $0x80, s13, s12, $0xb8;
	[tilespmem:$0x1EA00] =	vst v63  }
0x3f: {  	_ = 	snop  }
0x40: {  	[tilespmem:s16], [sflag:$0x2] =	stream.indirect.gather [hbm4b:s4+s12], $0x80, s15, s12, $0xb8;
	[tilespmem:$0x1EA00] =	vst v63  }
0x41: {  	_ =	swait.ge [sflag:s17], $0x4000  }
0x42: {  	[sflag:s17] =	ssyncset.done $0x0  }
0x43: {  	[sflag:s17] =	ssyncadd.s32 $0xFFFFC000  }
0x44: {  	[spmem:s2] =	stream.indirect.scatter.add.f32 [tilespmem:s14], [sflag:$0x3], $0x80, s18, s12, $0xb8;
	[tilespmem:$0x1EA00] =	vst v63  }
0x45: {  	_ =	swait.ge [sflag:s11], $0x4000  }
0x46: {  	[sflag:s11] =	ssyncset.done $0x0  }
0x47: {  	s22 =	simm.s32 $0x1F0;
	[sflag:s11] =	ssyncadd.s32 $0xFFFFC000  }
0x48: {  	v48 =	vld [tilespmem:s22+$0xFFFFFF10];
	_ =	sdelay $0x4  }
0x49: {  	v49 =	vand.u32 $0x3FFF, v48  }
0x4a: {  	v0 =	vshra.s32 v48, $0xE;
	[tilespmem:$0x2800] =	vst v49  }
0x4b: {  	[tilespmem:$0x2900] =	vst v0  }
0x4c: {  	v0 =	vld [tilespmem:s22+$0xFFFFFF20];
	_ =	sdelay $0x4  }
0x4d: {  	v50 =	vand.u32 $0x3FFF, v0  }
0x4e: {  	v0 =	vshra.s32 v0, $0xE;
	[tilespmem:$0x2810] =	vst v50  }
0x4f: {  	[tilespmem:$0x2910] =	vst v0  }
0x50: {  	v0 =	vld [tilespmem:s22+$0xFFFFFF30];
	_ =	sdelay $0x4  }
0x51: {  	v51 =	vand.u32 $0x3FFF, v0  }
0x52: {  	v0 =	vshra.s32 v0, $0xE;
	[tilespmem:$0x2820] =	vst v51  }
0x53: {  	[tilespmem:$0x2920] =	vst v0  }
0x54: {  	v0 =	vld [tilespmem:s22+$0xFFFFFF40];
	_ =	sdelay $0x4  }
0x55: {  	v52 =	vand.u32 $0x3FFF, v0  }
0x56: {  	v0 =	vshra.s32 v0, $0xE;
	[tilespmem:$0x2830] =	vst v52  }
0x57: {  	[tilespmem:$0x2930] =	vst v0  }
0x58: {  	v0 =	vld [tilespmem:s22+$0xFFFFFF50];
	_ =	sdelay $0x4  }
0x59: {  	v53 =	vand.u32 $0x3FFF, v0  }
0x5a: {  	v0 =	vshra.s32 v0, $0xE;
	[tilespmem:$0x2840] =	vst v53  }
0x5b: {  	[tilespmem:$0x2940] =	vst v0  }
0x5c: {  	v0 =	vld [tilespmem:s22+$0xFFFFFF60];
	_ =	sdelay $0x4  }
0x5d: {  	v54 =	vand.u32 $0x3FFF, v0  }
0x5e: {  	v0 =	vshra.s32 v0, $0xE;
	[tilespmem:$0x2850] =	vst v54  }
0x5f: {  	[tilespmem:$0x2950] =	vst v0  }
0x60: {  	v0 =	vld [tilespmem:s22+$0xFFFFFF70];
	_ =	sdelay $0x4  }
0x61: {  	v55 =	vand.u32 $0x3FFF, v0  }
0x62: {  	v0 =	vshra.s32 v0, $0xE;
	[tilespmem:$0x2860] =	vst v55  }
0x63: {  	[tilespmem:$0x2960] =	vst v0  }
0x64: {  	v0 =	vld [tilespmem:s22+$0xFFFFFF80];
	_ =	sdelay $0x4  }
0x65: {  	v56 =	vand.u32 $0x3FFF, v0  }
0x66: {  	v0 =	vshra.s32 v0, $0xE;
	[tilespmem:$0x2870] =	vst v56  }
0x67: {  	[tilespmem:$0x2970] =	vst v0  }
0x68: {  	[tilespmem:s14], [sflag:$0x1] =	stream.indirect.gather [hbm4b:s4+s12], $0x80, s13, s12, $0xb8;
	[tilespmem:$0x1EA00] =	vst v63  }
0x69: {  	_ =	swait.ge [sflag:s19], $0x4000  }
0x6a: {  	[sflag:s19] =	ssyncset.done $0x0  }
0x6b: {  	[sflag:s19] =	ssyncadd.s32 $0xFFFFC000  }
0x6c: {  	[spmem:s2] =	stream.indirect.scatter.add.f32 [tilespmem:s16], [sflag:$0x3], $0x80, s20, s12, $0xb8;
	[tilespmem:$0x1EA00] =	vst v63  }
0x6d: {  	_ =	swait.ge [sflag:s11], $0x4000  }
0x6e: {  	[sflag:s11] =	ssyncset.done $0x0  }
0x6f: {  	[sflag:s11] =	ssyncadd.s32 $0xFFFFC000  }
0x70: {  	v57 =	vld [tilespmem:s22+$0xFFFFFF90];
	_ =	sdelay $0x4  }
0x71: {  	v58 =	vand.u32 $0x3FFF, v57  }
0x72: {  	v0 =	vshra.s32 v57, $0xE;
	[tilespmem:$0x2880] =	vst v58  }
0x73: {  	[tilespmem:$0x2980] =	vst v0  }
0x74: {  	v0 =	vld [tilespmem:s22+$0xFFFFFFA0];
	_ =	sdelay $0x4  }
0x75: {  	v59 =	vand.u32 $0x3FFF, v0  }
0x76: {  	v0 =	vshra.s32 v0, $0xE;
	[tilespmem:$0x2890] =	vst v59  }
0x77: {  	[tilespmem:$0x2990] =	vst v0  }
0x78: {  	v0 =	vld [tilespmem:s22+$0xFFFFFFB0];
	_ =	sdelay $0x4  }
0x79: {  	v60 =	vand.u32 $0x3FFF, v0  }
0x7a: {  	v0 =	vshra.s32 v0, $0xE;
	[tilespmem:$0x28A0] =	vst v60  }
0x7b: {  	[tilespmem:$0x29A0] =	vst v0  }
0x7c: {  	v0 =	vld [tilespmem:s22+$0xFFFFFFC0];
	_ =	sdelay $0x4  }
0x7d: {  	v61 =	vand.u32 $0x3FFF, v0  }
0x7e: {  	v0 =	vshra.s32 v0, $0xE;
	[tilespmem:$0x28B0] =	vst v61  }
0x7f: {  	[tilespmem:$0x29B0] =	vst v0  }
0x80: {  	v0 =	vld [tilespmem:s22+$0xFFFFFFD0];
	_ =	sdelay $0x4  }
0x81: {  	v62 =	vand.u32 $0x3FFF, v0  }
0x82: {  	v0 =	vshra.s32 v0, $0xE;
	[tilespmem:$0x28C0] =	vst v62  }
0x83: {  	[tilespmem:$0x29C0] =	vst v0  }
0x84: {  	v0 =	vld [tilespmem:s22+$0xFFFFFFE0];
	_ =	sdelay $0x4  }
0x85: {  	v63 =	vand.u32 $0x3FFF, v0  }
0x86: {  	v0 =	vshra.s32 v0, $0xE;
	[tilespmem:$0x28D0] =	vst v63  }
0x87: {  	s23 =	simm.s32 $0xBC0;
	[tilespmem:$0x29D0] =	vst v0  }
.LBB2_2:
0x88: {  	p0 =	sne.s32 s23, $0x9FC0;
	v0 =	vld [tilespmem:s22+$0xFFFFFFF0];
	s24 =	smov.u32 s23;
	s23 =	sadd.s32 $0x400, s23  }
0x89: {  	_ =	sdelay $0x3  }
0x8a: {  	v1 =	vand.u32 $0x3FFF, v0;
	v0 =	vshra.s32 v0, $0xE  }
0x8b: {  	[tilespmem:$0x28E0] =	vst v1  }
0x8c: {  	[tilespmem:$0x29E0] =	vst v0  }
0x8d: {  	v0 =	vld [tilespmem:s22+$0x0];
	_ =	sdelay $0x4  }
0x8e: {  	v1 =	vand.u32 $0x3FFF, v0;
	v0 =	vshra.s32 v0, $0xE  }
0x8f: {  	[tilespmem:$0x28F0] =	vst v1  }
0x90: {  	[tilespmem:$0x29F0] =	vst v0  }
0x91: {  	[tilespmem:s16], [sflag:$0x2] =	stream.indirect.gather [hbm4b:s4+s12], $0x80, s15, s12, $0xb8;
	[tilespmem:$0x1EA00] =	vst v63  }
0x92: {  	_ =	swait.ge [sflag:s17], $0x4000  }
0x93: {  	[sflag:s17] =	ssyncset.done $0x0  }
0x94: {  	[sflag:s17] =	ssyncadd.s32 $0xFFFFC000  }
0x95: {  	[spmem:s2] =	stream.indirect.scatter.add.f32 [tilespmem:s14], [sflag:$0x3], $0x80, s18, s12, $0xb8;
	[tilespmem:$0x1EA00] =	vst v63  }
0x96: {  	_ =	swait.ge [sflag:s11], $0x4000  }
0x97: {  	[sflag:s11] =	ssyncset.done $0x0  }
0x98: {  	s22 =	sshra.s32 s24, $0x2;
	[sflag:s11] =	ssyncadd.s32 $0xFFFFC000  }
0x99: {  	v0 =	vld [tilespmem:s22+$0xFFFFFF10];
	_ =	sdelay $0x4  }
0x9a: {  	v1 =	vand.u32 $0x3FFF, v0;
	v0 =	vshra.s32 v0, $0xE  }
0x9b: {  	[tilespmem:$0x2800] =	vst v1  }
0x9c: {  	[tilespmem:$0x2900] =	vst v0  }
0x9d: {  	v0 =	vld [tilespmem:s22+$0xFFFFFF20];
	_ =	sdelay $0x4  }
0x9e: {  	v1 =	vand.u32 $0x3FFF, v0;
	v0 =	vshra.s32 v0, $0xE  }
0x9f: {  	[tilespmem:$0x2810] =	vst v1  }
0xa0: {  	[tilespmem:$0x2910] =	vst v0  }
0xa1: {  	v0 =	vld [tilespmem:s22+$0xFFFFFF30];
	_ =	sdelay $0x4  }
0xa2: {  	v1 =	vand.u32 $0x3FFF, v0;
	v0 =	vshra.s32 v0, $0xE  }
0xa3: {  	[tilespmem:$0x2820] =	vst v1  }
0xa4: {  	[tilespmem:$0x2920] =	vst v0  }
0xa5: {  	v0 =	vld [tilespmem:s22+$0xFFFFFF40];
	_ =	sdelay $0x4  }
0xa6: {  	v1 =	vand.u32 $0x3FFF, v0;
	v0 =	vshra.s32 v0, $0xE  }
0xa7: {  	[tilespmem:$0x2830] =	vst v1  }
0xa8: {  	[tilespmem:$0x2930] =	vst v0  }
0xa9: {  	v0 =	vld [tilespmem:s22+$0xFFFFFF50];
	_ =	sdelay $0x4  }
0xaa: {  	v1 =	vand.u32 $0x3FFF, v0;
	v0 =	vshra.s32 v0, $0xE  }
0xab: {  	[tilespmem:$0x2840] =	vst v1  }
0xac: {  	[tilespmem:$0x2940] =	vst v0  }
0xad: {  	v0 =	vld [tilespmem:s22+$0xFFFFFF60];
	_ =	sdelay $0x4  }
0xae: {  	v1 =	vand.u32 $0x3FFF, v0;
	v0 =	vshra.s32 v0, $0xE  }
0xaf: {  	[tilespmem:$0x2850] =	vst v1  }
0xb0: {  	[tilespmem:$0x2950] =	vst v0  }
0xb1: {  	v0 =	vld [tilespmem:s22+$0xFFFFFF70];
	_ =	sdelay $0x4  }
0xb2: {  	v1 =	vand.u32 $0x3FFF, v0;
	v0 =	vshra.s32 v0, $0xE  }
0xb3: {  	[tilespmem:$0x2860] =	vst v1  }
0xb4: {  	[tilespmem:$0x2960] =	vst v0  }
0xb5: {  	v0 =	vld [tilespmem:s22+$0xFFFFFF80];
	_ =	sdelay $0x4  }
0xb6: {  	v1 =	vand.u32 $0x3FFF, v0;
	v0 =	vshra.s32 v0, $0xE  }
0xb7: {  	[tilespmem:$0x2870] =	vst v1  }
0xb8: {  	[tilespmem:$0x2970] =	vst v0  }
0xb9: {  	[tilespmem:s14], [sflag:$0x1] =	stream.indirect.gather [hbm4b:s4+s12], $0x80, s13, s12, $0xb8;
	[tilespmem:$0x1EA00] =	vst v63  }
0xba: {  	_ =	swait.ge [sflag:s19], $0x4000  }
0xbb: {  	[sflag:s19] =	ssyncset.done $0x0  }
0xbc: {  	[sflag:s19] =	ssyncadd.s32 $0xFFFFC000  }
0xbd: {  	[spmem:s2] =	stream.indirect.scatter.add.f32 [tilespmem:s16], [sflag:$0x3], $0x80, s20, s12, $0xb8;
	[tilespmem:$0x1EA00] =	vst v63  }
0xbe: {  	_ =	swait.ge [sflag:s11], $0x4000  }
0xbf: {  	[sflag:s11] =	ssyncset.done $0x0  }
0xc0: {  	[sflag:s11] =	ssyncadd.s32 $0xFFFFC000  }
0xc1: {  	v0 =	vld [tilespmem:s22+$0xFFFFFF90];
	_ =	sdelay $0x4  }
0xc2: {  	v1 =	vand.u32 $0x3FFF, v0;
	v0 =	vshra.s32 v0, $0xE  }
0xc3: {  	[tilespmem:$0x2880] =	vst v1  }
0xc4: {  	[tilespmem:$0x2980] =	vst v0  }
0xc5: {  	v0 =	vld [tilespmem:s22+$0xFFFFFFA0];
	_ =	sdelay $0x4  }
0xc6: {  	v1 =	vand.u32 $0x3FFF, v0;
	v0 =	vshra.s32 v0, $0xE  }
0xc7: {  	[tilespmem:$0x2890] =	vst v1  }
0xc8: {  	[tilespmem:$0x2990] =	vst v0  }
0xc9: {  	v0 =	vld [tilespmem:s22+$0xFFFFFFB0];
	_ =	sdelay $0x4  }
0xca: {  	v1 =	vand.u32 $0x3FFF, v0;
	v0 =	vshra.s32 v0, $0xE  }
0xcb: {  	[tilespmem:$0x28A0] =	vst v1  }
0xcc: {  	[tilespmem:$0x29A0] =	vst v0  }
0xcd: {  	v0 =	vld [tilespmem:s22+$0xFFFFFFC0];
	_ =	sdelay $0x4  }
0xce: {  	v1 =	vand.u32 $0x3FFF, v0;
	v0 =	vshra.s32 v0, $0xE  }
0xcf: {  	[tilespmem:$0x28B0] =	vst v1  }
0xd0: {  	[tilespmem:$0x29B0] =	vst v0  }
0xd1: {  	v0 =	vld [tilespmem:s22+$0xFFFFFFD0];
	_ =	sdelay $0x4  }
0xd2: {  	v1 =	vand.u32 $0x3FFF, v0;
	v0 =	vshra.s32 v0, $0xE  }
0xd3: {  	[tilespmem:$0x28C0] =	vst v1  }
0xd4: {  	[tilespmem:$0x29C0] =	vst v0  }
0xd5: {  	v0 =	vld [tilespmem:s22+$0xFFFFFFE0];
	_ =	sdelay $0x2  }
.Ltmp0:
0xd6: {  	(pc) =	sbr.rel @p0 .LBB2_2-.Ltmp0, $4  }
0xd7: {  	_ = 	snop  }
0xd8: {  	v1 =	vand.u32 $0x3FFF, v0;
	v0 =	vshra.s32 v0, $0xE  }
0xd9: {  	[tilespmem:$0x28D0] =	vst v1  }
0xda: {  	[tilespmem:$0x29D0] =	vst v0  }
0xdb: {  	v0 =	vld [tilespmem:s22+$0xFFFFFFF0];
	_ =	sdelay $0x4  }
0xdc: {  	v1 =	vand.u32 $0x3FFF, v0  }
0xdd: {  	v0 =	vshra.s32 v0, $0xE;
	[tilespmem:$0x28E0] =	vst v1  }
0xde: {  	[tilespmem:$0x29E0] =	vst v0  }
0xdf: {  	v0 =	vld [tilespmem:s22+$0x0];
	_ =	sdelay $0x4  }
0xe0: {  	v63 =	vand.u32 $0x3FFF, v0  }
0xe1: {  	v0 =	vshra.s32 v0, $0xE;
	[tilespmem:$0x28F0] =	vst v63  }
0xe2: {  	[tilespmem:$0x29F0] =	vst v0  }
0xe3: {  	[tilespmem:s16], [sflag:$0x2] =	stream.indirect.gather [hbm4b:s4+s12], $0x80, s15, s12, $0xb8;
	[tilespmem:$0x1EA00] =	vst v63  }
0xe4: {  	_ =	swait.ge [sflag:s17], $0x4000  }
0xe5: {  	[sflag:s17] =	ssyncset.done $0x0  }
0xe6: {  	[sflag:s17] =	ssyncadd.s32 $0xFFFFC000  }
0xe7: {  	[spmem:s2] =	stream.indirect.scatter.add.f32 [tilespmem:s14], [sflag:$0x3], $0x80, s18, s12, $0xb8;
	[tilespmem:$0x1EA00] =	vst v63  }
0xe8: {  	_ =	swait.ge [sflag:s11], $0x4000  }
0xe9: {  	[sflag:s11] =	ssyncset.done $0x0  }
0xea: {  	[sflag:s11] =	ssyncadd.s32 $0xFFFFC000  }
0xeb: {  	_ =	swait.ge [sflag:s19], $0x4000  }
0xec: {  	[sflag:s19] =	ssyncset.done $0x0  }
0xed: {  	[sflag:s19] =	ssyncadd.s32 $0xFFFFC000  }
0xee: {  	[spmem:s2] =	stream.indirect.scatter.add.f32 [tilespmem:s16], [sflag:$0x3], $0x80, s20, s12, $0xb8;
	[tilespmem:$0x1EA00] =	vst v63  }
0xef: {  	_ =	swait.ge [sflag:s11], $0x4000  }
0xf0: {  	s21 =	sadd.s32 $0x1, s21;
	[sflag:s11] =	ssyncset.done $0x0  }
0xf1: {  	p0 =	sne.s32 s21, s9;
	[sflag:s11] =	ssyncadd.s32 $0xFFFFC000  }
.Ltmp1:
0xf2: {  	[bflag:$0x0] =	sbarrier.arrive $0xFFFF;
	(pc) =	sbr.rel @p0 .LBB2_1-.Ltmp1, $4  }
0xf3: {  	[hbm:s8], [sflag:s6] =	dma.local [spmem:s10], $0x2800  }
0xf4: {  	_ =	swait.ge [sflag:s11], $0x2800  }
0xf5: {  	[sflag:s11] =	ssyncset.done $0x0  }
0xf6: {  	[sflag:s11] =	ssyncadd.s32 $0xFFFFD800  }
0xf7: {  	_ =	sfence.sel $0x180000  }
0xf8: {  	[bflag:$0x0] =	sbarrier.arrive $0xFFFF  }
0xf9: {  	p0 =	sne.s32 s0, $0x0;
	_ =	strace $0x9000004D  }
0xfa: {  	s0 =	sadd.s32 @!p0 $0x100000, s1;
	[bflag:$0x2] =	sbarrier.arrive $0xFFFF  }
0xfb: {  	[sflag:s0] =	ssyncadd.tile.s32 @!p0 $0x1;
	_ =	shalt  }
.Lfunc_end2:
_tile_overlayer_lowered:
.L_overlay_start_2:
0xfc: {  	(tag) =	ssettag $0x2  }
0xfd: {  	s0 =	rddreg [dreg:$0x0];
	s2 =	stileid.u32  }
0xfe: {  	s1 =	rddreg [dreg:$0x1];
	p0 =	sne.s32 s2, $0x0  }
0xff: {  	s3 =	rddreg [dreg:$0x2];
	[bflag:$0x3] =	sbarrier.arrive $0xFFFF;
	s2 =	simm.s32 @!p0 $0x1C03  }
0x100: {  	[timem:s3], [sflag:s2] =	dma.local @!p0 [hbm:s0], s1  }
0x101: {  	s0 =	simm.s32 @!p0 $0x3  }
0x102: {  	_ =	swait.ge @!p0 [sflag:s0], s1  }
0x103: {  	s1 =	ssub.s32 @!p0 $0x0, s1;
	[sflag:s0] =	ssyncset.done @!p0 $0x0  }
0x104: {  	[sflag:s0] =	ssyncadd.s32 @!p0 s1  }
0x105: {  	[bflag:$0x3] =	sbarrier.arrive $0xFFFF  }
0x106: {  	_ =	shalt  }

// kernel: kernel.8.cloned.1.call-start
scs
__scs_entry_jumppad:
0x0: {  	(pc) =	sbr.rel $0x88, $3  }
0x1: {  	(tag) =	ssettag $0x0;
	lr =	simm.s32 $0x1  }
0x2: {  	[smem:$0x3F99] =	sst lr;
	_ =	strace $0xD0000000  }
0x3: {  	_ = 	snop  }
0x4: {  	_ = 	snop  }
0x5: {  	_ = 	snop  }
0x6: {  	_ = 	snop  }
0x7: {  	_ = 	snop  }
__scs_overlays_trampoline_lowered:
0x8: {  	[smem:$0x3FA8] =	sst s0  }
0x9: {  	[smem:$0x3FA9] =	sst s1  }
0xa: {  	[smem:$0x3FAA] =	sst s2  }
0xb: {  	[smem:$0x3FAB] =	sst s3  }
0xc: {  	[smem:$0x3FAC] =	sst s4  }
0xd: {  	[smem:$0x3FAD] =	sst s5  }
0xe: {  	[smem:$0x3FAE] =	sst s6  }
0xf: {  	[smem:$0x3FAF] =	sst s7  }
0x10: {  	[smem:$0x3FB0] =	sst s8  }
0x11: {  	[smem:$0x3FB1] =	sst s9;
	s0 =	simm.s32 @!p0 $0x0  }
0x12: {  	s1 =	sld [smem:$0x3F97];
	s0 =	simm.s32 @p0 $0x1  }
0x13: {  	[smem:$0x3FB2] =	sst s0;
	s0 =	simm.s32 @!p1 $0x0  }
0x14: {  	s2 =	sld [smem:$0x3F96];
	s0 =	simm.s32 @p1 $0x1  }
0x15: {  	[smem:$0x3FB3] =	sst s0;
	s0 =	simm.s32 @!p2 $0x0  }
0x16: {  	s3 =	sld [smem:$0x3FDB];
	s0 =	simm.s32 @p2 $0x1  }
0x17: {  	s4 =	simm.s32 $0x1BF5;
	[smem:$0x3FB5] =	sst s0  }
0x18: {  	s0 =	sld [smem:$0x3F98];
	_ =	swait.ge [sflag:s4], $0x0  }
0x19: {  	s7 =	sld [smem:$0x3F99]  }
0x1a: {  	s8 =	sadd.s32 $0xFFFFE003, lr  }
0x1b: {  	s9 =	sadd.s32 $0xFFFFFEF7, lr;
	s5 =	simm.s32 $0xFFFFFFFF;
	p2 =	slt.u32 s8, $0xFFFFF086  }
0x1c: {  	p1 =	slt.u32 s9, $0xF7A;
	s5 =	simm.s32 @!p2 $0x0  }
0x1d: {  	s5 =	simm.s32 @p1 $0x1;
	p0 =	seq.s32 s7, s2  }
0x1e: {  	s7 =	smul.u32 @!p0 $0xF7A, s2;
	p2 =	seq.s32 @!p0 s5, $0x0  }
0x1f: {  	s9 =	smul.u32 $0xF7A, s1;
	s8 =	simm.s32 @!p0 $0x1BF5;
	p2 =	por !p2, p0  }
0x20: {  	[sflag:s8] =	ssyncset.s32 @!p0 $0xFFFFF086;
	s6 =	sadd.s32 @!p0 s3, s7;
	s7 =	simm.s32 @!p0 $0x108  }
0x21: {  	s3 =	sadd.s32 s3, s9;
	s6 =	sadd.s32 @!p0 $0x88, s6;
	s7 =	simm.s32 @p2 $0x1082  }
0x22: {  	[simem:s7], [sflag:s8] =	dma.local @!p0 [hbm:s6], $0xF7A  }
0x23: {  	s9 =	sor.u32 $0xD0000000, s2;
	s6 =	simm.s32 $0x108;
	_ =	swait.ge @!p0 [sflag:s8], $0x0  }
0x24: {  	s3 =	sadd.s32 $0x88, s3;
	s6 =	simm.s32 @!p1 $0x1082;
	[sflag:s4] =	ssyncset.s32 $0xFFFFF086  }
0x25: {  	[simem:s6], [sflag:s4] =	dma.local [hbm:s3], $0xF7A  }
0x26: {  	[smem:$0x3F99] =	sst s1;
	(tag) =	ssettag s2;
	_ =	strace s9  }
0x27: {  	s1 =	sld [smem:$0x3FA9]  }
0x28: {  	s2 =	sld [smem:$0x3FAA]  }
0x29: {  	s4 =	sld [smem:$0x3FAC]  }
0x2a: {  	p0 =	seq.s32 s5, $0x0;
	s5 =	sld [smem:$0x3FAD]  }
0x2b: {  	s6 =	sld [smem:$0x3FAE]  }
0x2c: {  	s7 =	sld [smem:$0x3FAF]  }
0x2d: {  	s3 =	simm.s32 $0x108;
	s8 =	sld [smem:$0x3FB0]  }
0x2e: {  	s3 =	simm.s32 @!p0 $0x1082;
	s9 =	sld [smem:$0x3FB1]  }
0x2f: {  	lr =	sadd.s32 s0, s3;
	s0 =	sld [smem:$0x3FA8]  }
0x30: {  	s3 =	sld [smem:$0x3FAB]  }
0x31: {  	[smem:$0x3FB4] =	sst s10  }
0x32: {  	s10 =	sld [smem:$0x3FB2];
	_ =	sdelay $0x3  }
0x33: {  	p0 =	seq.s32 s10, $0x1;
	s10 =	sld [smem:$0x3FB4];
	_ =	sdelay $0x3  }
0x34: {  	[smem:$0x3FB4] =	sst s10  }
0x35: {  	s10 =	sld [smem:$0x3FB3];
	_ =	sdelay $0x3  }
0x36: {  	p1 =	seq.s32 s10, $0x1;
	s10 =	sld [smem:$0x3FB4];
	_ =	sdelay $0x3  }
0x37: {  	[smem:$0x3FB4] =	sst s10  }
0x38: {  	s10 =	sld [smem:$0x3FB5]  }
0x39: {  	_ = 	snop;
	(pc) =	sbr.ind lr, $3  }
0x3a: {  	_ = 	snop  }
0x3b: {  	_ = 	snop  }
0x3c: {  	p2 =	seq.s32 s10, $0x1;
	s10 =	sld [smem:$0x3FB4]  }
0x3d: {  	_ =	shalt  }
0x3e: {  	_ =	shalt  }
0x3f: {  	_ =	shalt  }
0x40: {  	_ =	shalt  }
0x41: {  	_ =	shalt  }
0x42: {  	_ =	shalt  }
0x43: {  	_ =	shalt  }
0x44: {  	_ =	shalt  }
0x45: {  	_ =	shalt  }
0x46: {  	_ =	shalt  }
0x47: {  	_ =	shalt  }
0x48: {  	_ =	shalt  }
0x49: {  	_ =	shalt  }
0x4a: {  	_ =	shalt  }
0x4b: {  	_ =	shalt  }
0x4c: {  	_ =	shalt  }
0x4d: {  	_ =	shalt  }
0x4e: {  	_ =	shalt  }
0x4f: {  	_ =	shalt  }
0x50: {  	_ =	shalt  }
0x51: {  	_ =	shalt  }
0x52: {  	_ =	shalt  }
0x53: {  	_ =	shalt  }
0x54: {  	_ =	shalt  }
0x55: {  	_ =	shalt  }
0x56: {  	_ =	shalt  }
0x57: {  	_ =	shalt  }
0x58: {  	_ =	shalt  }
0x59: {  	_ =	shalt  }
0x5a: {  	_ =	shalt  }
0x5b: {  	_ =	shalt  }
0x5c: {  	_ =	shalt  }
0x5d: {  	_ =	shalt  }
0x5e: {  	_ =	shalt  }
0x5f: {  	_ =	shalt  }
0x60: {  	_ =	shalt  }
0x61: {  	_ =	shalt  }
0x62: {  	_ =	shalt  }
0x63: {  	_ =	shalt  }
0x64: {  	_ =	shalt  }
0x65: {  	_ =	shalt  }
0x66: {  	_ =	shalt  }
0x67: {  	_ =	shalt  }
0x68: {  	_ =	shalt  }
0x69: {  	_ =	shalt  }
0x6a: {  	_ =	shalt  }
0x6b: {  	_ =	shalt  }
0x6c: {  	_ =	shalt  }
0x6d: {  	_ =	shalt  }
0x6e: {  	_ =	shalt  }
0x6f: {  	_ =	shalt  }
0x70: {  	_ =	shalt  }
0x71: {  	_ =	shalt  }
0x72: {  	_ =	shalt  }
0x73: {  	_ =	shalt  }
0x74: {  	_ =	shalt  }
0x75: {  	_ =	shalt  }
0x76: {  	_ =	shalt  }
0x77: {  	_ =	shalt  }
0x78: {  	_ =	shalt  }
0x79: {  	_ =	shalt  }
0x7a: {  	_ =	shalt  }
0x7b: {  	_ =	shalt  }
0x7c: {  	_ =	shalt  }
0x7d: {  	_ =	shalt  }
0x7e: {  	_ =	shalt  }
0x7f: {  	_ =	shalt  }
0x80: {  	_ =	shalt  }
0x81: {  	_ =	shalt  }
0x82: {  	_ =	shalt  }
0x83: {  	_ =	shalt  }
0x84: {  	_ =	shalt  }
0x85: {  	_ =	shalt  }
0x86: {  	_ =	shalt  }
0x87: {  	_ =	shalt  }
.Lfunc_end0:
.L_simem_size_0:
called_computation_lowered:
.L_overlay_start_0:
0x88: {  	s2 =	sld [smem:$0x3FD9]  }
0x89: {  	s3 =	sld [smem:$0x3FFE];
	_ =	sdelay $0x1  }
0x8a: {  	s1 =	srdreg.scid  }
0x8b: {  	s0 =	sand.u32 $0x1, s1  }
0x8c: {  	s17 =	sshll.u32 s0, $0xA;
	s2 =	sadd.s32 s3, s2  }
0x8d: {  	s2 =	sadd.s32 s2, s17  }
0x8e: {  	[smem:$0x3FC0] =	sst s2  }
0x8f: {  	_ = 	snop  }
0x90: {  	s2 =	sld [smem:$0x3FD0];
	(tm) =	ssettm $0x1  }
0x91: {  	s18 =	sld [smem:$0x3FFB];
	_ =	sdelay $0x3  }
0x92: {  	_ =	strace s18  }
0x93: {  	s3 =	sld [smem:$0x3FFC];
	_ =	sdelay $0x3  }
0x94: {  	_ =	strace s3  }
0x95: {  	s3 =	sld [smem:$0x3FFD];
	_ =	sdelay $0x3  }
0x96: {  	_ =	strace s3  }
0x97: {  	_ =	strace $0x8FFFFFFF  }
0x98: {  	s19 =	sld [smem:$0x3FDB];
	_ =	sdelay $0x1  }
0x99: {  	s4 =	simm.s32 $_scs_section_size  }
0x9a: {  	s5 =	simm.s32 $_size__tile_overlayer_lowered;
	s6 =	simm.s32 $_tile_overlayer_lowered  }
0x9b: {  	s22 =	simm.s32 $0x1BFF;
	s21 =	sshll.u32 s6, $0x1;
	s3 =	sadd.s32 s4, s19  }
0x9c: {  	s7 =	simm.s32 $0x0;
	s20 =	sshll.u32 s5, $0x1;
	s5 =	sadd.s32 s21, s3  }
0x9d: {  	[timem:s7], [sflag:s22] =	dma.local [hbm:s5], s20  }
0x9e: {  	_ =	swait.ge [sflag:s22], s20  }
0x9f: {  	s4 =	ssub.s32 $0x0, s20;
	[sflag:s22] =	ssyncset.done $0x0  }
0xa0: {  	[sflag:s22] =	ssyncadd.s32 s4;
	_ =	sdelay $0x1  }
0xa1: {  	s23 =	simm.s32 $0x1B8B  }
0xa2: {  	_ =	swait.ge [sflag:s23], $0x1  }
0xa3: {  	[sflag:s23] =	ssyncset.done $0x0  }
0xa4: {  	s25 =	simm.s32 $0x1B8E;
	s24 =	sld [smem:$0x3FFE];
	[sflag:s23] =	ssyncadd.s32 $0xFFFFFFFF  }
0xa5: {  	s26 =	simm.s32 $execute0_lowered;
	[smem:$0x3FD2] =	sst s25  }
0xa6: {  	s5 =	sshll.u32 s26, $0x1;
	_ =	strace $0x80000046;
	[dreg:$0x1] =	wrdreg $0xFFFFFFFF  }
0xa7: {  	s28 =	simm.s32 $_size_execute0_lowered;
	s3 =	sadd.s32 s3, s5;
	[dreg:$0x0] =	wrdreg $0x0  }
0xa8: {  	s5 =	sshll.u32 s28, $0x1;
	[dreg:$0x2] =	wrdreg s3  }
0xa9: {  	[dreg:$0x3] =	wrdreg s5  }
0xaa: {  	[dreg:$0x4] =	wrdreg $0xC0  }
0xab: {  	_ =	task [dreg:s7], $0x5FFFF  }
0xac: {  	[dreg:$0x1] =	wrdreg $0xFFFFFFFF  }
0xad: {  	[dreg:$0x0] =	wrdreg $0x60  }
0xae: {  	[dreg:$0x2] =	wrdreg s24  }
0xaf: {  	[dreg:$0x3] =	wrdreg s2  }
0xb0: {  	[dreg:$0x4] =	wrdreg $0x28800  }
0xb1: {  	[dreg:$0x5] =	wrdreg $0x9  }
0xb2: {  	_ =	task.clear_ibuf [dreg:s7], $0x6FFFF;
	_ =	strace $0x90000046  }
0xb3: {  	s29 =	simm.s32 $0x9;
	_ =	strace $0x80000048  }
0xb4: {  	_ =	swait.ge [sflag:s29], $0x1  }
0xb5: {  	[sflag:s29] =	ssyncadd.s32 $0xFFFFFFFF  }
0xb6: {  	_ =	strace $0x90000048  }
0xb7: {  	_ =	sfence  }
0xb8: {  	s30 =	sld [smem:$0x0];
	_ =	sdelay $0x2  }
0xb9: {  	s31 =	sshll.u32 s1, $0xD;
	s1 =	sshrl.u32 s1, $0x2  }
0xba: {  	s3 =	sand.u32 $0x4000, s31;
	s1 =	sadd.s32 s1, s30  }
0xbb: {  	s0 =	sor.u32 s3, s0;
	s1 =	sshll.u32 s1, $0x11  }
0xbc: {  	s0 =	sor.u32 s1, s0  }
0xbd: {  	s0 =	sadd.s32 $0x8F2B, s0  }
0xbe: {  	[sflag:s0] =	ssyncadd.remote.s32 $0x1  }
0xbf: {  	_ =	sfence.sel $0xFFFF  }
0xc0: {  	[dreg:$0x0] =	wrdreg $0xFFFFFFFF;
	(pc) =	sbr.abs _section_cstart, $3  }
0xc1: {  	[dreg:$0x1] =	wrdreg $0xFFFFFFFF  }
0xc2: {  	_ =	task.clear_ibuf [dreg:s7], $0x2FFFF;
	_ =	strace $0x9FFFFFFF  }
0xc3: {  	(tm) =	ssettm $0x7FFFFFFF  }
tec
execute0_lowered:
.L_overlay_start_1:
0x0: {  	(tag) =	ssettag $0x1  }
0x1: {  	s4 =	rddreg [dreg:$0x0]  }
0x2: {  	s0 =	srdreg.scid;
	s7 =	rddreg [dreg:$0x1]  }
0x3: {  	s2 =	rddreg [dreg:$0x2];
	s1 =	stileid.u32  }
0x4: {  	s3 =	simm.s32 $0x0;
	s5 =	sand.u32 $0x1, s0;
	s0 =	rddreg [dreg:$0x3]  }
0x5: {  	s13 =	simm.s32 $0x10;
	s14 =	simm.s32 $0x0;
	[smem:$0x7FF] =	sst s3  }
0x6: {  	s8 =	smul.u32 $0x280, s1;
	s10 =	sshrl.u32 s1, $0x3;
	s12 =	sshll.u32 s1, $0x7  }
0x7: {  	s30 =	sshll.u32 s1, $0x6;
	s6 =	sshll.u32 s5, $0x4;
	s9 =	smul.u32 $0x2800, s5  }
0x8: {  	_ =	strace $0x80000047;
	s5 =	ssub.s32 $0x2, s5;
	s10 =	smul.u32 $0x1400, s10  }
0x9: {  	s28 =	sand.u32 $0x380, s12;
	s12 =	simm.s32 $0x2800;
	s6 =	sor.u32 s1, s6  }
0xa: {  	s11 =	sshrl.u32 s8, $0x3;
	s25 =	sshrl.u32 s5, $0x1;
	s6 =	smul.u32 $0x500, s6  }
0xb: {  	s29 =	sadd.s32 s8, s2;
	s26 =	sadd.s32 s9, s10;
	s10 =	simm.s32 $0x1  }
0xc: {  	s9 =	sor.u32 s28, s26;
	s6 =	sadd.s32 s6, s4;
	s4 =	sadd.s32 s11, s4  }
0xd: {  	s11 =	ssub.s32 s5, s25;
	s5 =	sor.u32 $0x1C01, s30;
	s31 =	sshrl.u32 s9, $0x3  }
0xe: {  	s9 =	sshrl.u32 s29, $0x3;
	s4 =	sadd.s32 $0x16600, s4;
	s6 =	sadd.s32 $0x2600, s6  }
0xf: {  	v0 =	vimm.f32 $1.000000000e+00;
	s7 =	sadd.s32 s7, s31;
	s8 =	smax.u32 s11, $0x1;
	s11 =	simm.s32 $0x80  }
.LBB2_1:
0x10: {  	[spmem:s9], [sflag:s5] =	dma.local [hbm:s4], $0x50  }
0x11: {  	_ =	swait.ge [sflag:s10], $0x50  }
0x12: {  	[sflag:s10] =	ssyncset.done $0x0  }
0x13: {  	[sflag:s10] =	ssyncadd.s32 $0xFFFFFFB0  }
0x14: {  	[tilespmem:s3], [sflag:$0x1] =	stream.linear.gather [hbm4b:s6+s3], $0x2800, $0x38;
	[tilespmem:$0x2B00] =	vst v63  }
0x15: {  	_ =	swait.ge [sflag:s10], $0x2800  }
0x16: {  	[sflag:s10] =	ssyncset.done $0x0  }
0x17: {  	[sflag:s10] =	ssyncadd.s32 $0xFFFFD800  }
0x18: {  	[tilespmem:$0x2800] =	vst v0  }
0x19: {  	[tilespmem:$0x2810] =	vst v0  }
0x1a: {  	[tilespmem:$0x2820] =	vst v0  }
0x1b: {  	[tilespmem:$0x2830] =	vst v0  }
0x1c: {  	[tilespmem:$0x2840] =	vst v0  }
0x1d: {  	[tilespmem:$0x2850] =	vst v0  }
0x1e: {  	[tilespmem:$0x2860] =	vst v0  }
0x1f: {  	[tilespmem:$0x2870] =	vst v0  }
0x20: {  	s15 =	simm.s32 $0x0;
	[bflag:$0x0] =	sbarrier.arrive $0xFFFF  }
0x21: {  	[spmem:s2] =	stream.indirect.scatter.add.f32 [tilespmem:s12], [sflag:$0x1], $0x1, s15, s11, $0xb8;
	[tilespmem:$0x2B00] =	vst v63  }
0x22: {  	_ =	swait.ge [sflag:s10], $0x80  }
0x23: {  	s15 =	simm.s32 $0x200;
	[sflag:s10] =	ssyncset.done $0x0  }
.LBB2_2:
0x24: {  	s16 =	sshra.s32 s15, $0x2;
	[sflag:s10] =	ssyncadd.s32 $0xFFFFFF80;
	p0 =	sne.s32 s15, $0x9E00  }
0x25: {  	[spmem:s2] =	stream.indirect.scatter.add.f32 [tilespmem:s12], [sflag:$0x1], $0x1, s16, s11, $0xb8;
	[tilespmem:$0x2B00] =	vst v63  }
.Ltmp0:
0x26: {  	_ = 	snop;
	(pc) =	sbr.rel @p0 .LBB2_2-.Ltmp0, $4  }
0x27: {  	_ = 	snop  }
0x28: {  	s15 =	sadd.s32 $0x200, s15  }
0x29: {  	_ =	swait.ge [sflag:s10], $0x80  }
0x2a: {  	[sflag:s10] =	ssyncset.done $0x0  }
0x2b: {  	s14 =	sadd.s32 $0x1, s14  }
0x2c: {  	[sflag:s10] =	ssyncadd.s32 $0xFFFFFF80;
	p0 =	sne.s32 s14, s8  }
.Ltmp1:
0x2d: {  	[bflag:$0x0] =	sbarrier.arrive $0xFFFF;
	(pc) =	sbr.rel @p0 .LBB2_1-.Ltmp1, $4  }
0x2e: {  	[hbm:s7@s11], [sflag:s5] =	dma.strided [spmem:s9@s13], $0x50, s10, $0x10   }
0x2f: {  	_ =	swait.ge [sflag:s10], $0x50  }
0x30: {  	[sflag:s10] =	ssyncset.done $0x0  }
0x31: {  	[sflag:s10] =	ssyncadd.s32 $0xFFFFFFB0  }
0x32: {  	_ =	sfence.sel $0x180000  }
0x33: {  	[bflag:$0x0] =	sbarrier.arrive $0xFFFF  }
0x34: {  	p0 =	sne.s32 s1, $0x0;
	_ =	strace $0x90000047  }
0x35: {  	s0 =	sadd.s32 @!p0 $0x100000, s0;
	[bflag:$0x2] =	sbarrier.arrive $0xFFFF  }
0x36: {  	[sflag:s0] =	ssyncadd.tile.s32 @!p0 $0x1;
	_ =	shalt  }
.Lfunc_end2:
_tile_overlayer_lowered:
.L_overlay_start_2:
0x37: {  	(tag) =	ssettag $0x2  }
0x38: {  	s0 =	rddreg [dreg:$0x0];
	s2 =	stileid.u32  }
0x39: {  	s1 =	rddreg [dreg:$0x1];
	p0 =	sne.s32 s2, $0x0  }
0x3a: {  	s3 =	rddreg [dreg:$0x2];
	[bflag:$0x3] =	sbarrier.arrive $0xFFFF;
	s2 =	simm.s32 @!p0 $0x1C01  }
0x3b: {  	[timem:s3], [sflag:s2] =	dma.local @!p0 [hbm:s0], s1  }
0x3c: {  	s0 =	simm.s32 @!p0 $0x1  }
0x3d: {  	_ =	swait.ge @!p0 [sflag:s0], s1  }
0x3e: {  	s1 =	ssub.s32 @!p0 $0x0, s1;
	[sflag:s0] =	ssyncset.done @!p0 $0x0  }
0x3f: {  	[sflag:s0] =	ssyncadd.s32 @!p0 s1  }
0x40: {  	[bflag:$0x3] =	sbarrier.arrive $0xFFFF  }
0x41: {  	_ =	shalt  }

</sc_bundles>
